<compile_context>
chip_gen: v7x
topology: tpu7x:2x2x1
jax: 0.10.2.dev20260603
libtpu: 0.0.44.dev20260713+nightly
codegen_flags: <defaults>
</compile_context>

<pallas_src>
import functools

import jax
import jax.numpy as jnp
from jax import lax
from jax.experimental import pallas as pl
from jax.experimental.pallas import tpu as pltpu
from jax.experimental.pallas import tpu_sc as plsc

NC, NS, L = 2, 16, 16
NW = NC * NS
B, S, D = 1024, 200, 128
N = B * S
C = 80
NB = 4
EPS = 1e-5
BB = 16
NSPLIT = 4
HB = B // NSPLIT
N2 = N // NSPLIT

_mesh = plsc.VectorSubcoreMesh(core_axis_name="c", subcore_axis_name="s")


def _make_sc_body(n_tokens):
    tpw = n_tokens // NW
    nchunk = tpw // C
    loop_iters = nchunk // NB
    peel = nchunk - loop_iters * NB

    def _sc_body(x_ref, tok_ref, out_ref, idx_v, bufs0, bufs1, bufs2, bufs3,
                 gsem0, gsem1, gsem2, gsem3, osem0, osem1, osem2, osem3):
        bufs = (bufs0, bufs1, bufs2, bufs3)
        gsems = (gsem0, gsem1, gsem2, gsem3)
        osems = (osem0, osem1, osem2, osem3)
        wid = lax.axis_index("s") * NC + lax.axis_index("c")
        base_tok = wid * tpw

        pltpu.sync_copy(x_ref.at[pl.ds(base_tok, tpw)], idx_v)

        def _gather(c, k):
            pltpu.async_copy(tok_ref.at[idx_v.at[pl.ds(c * C, C)]], bufs[k],
                             gsems[k])

        def _wait_out(k):
            pltpu.make_async_copy(
                bufs[k], out_ref.at[pl.ds(base_tok, C)], osems[k]).wait()

        def _proc(c, k):
            pltpu.make_async_copy(
                tok_ref.at[idx_v.at[pl.ds(0, C)]], bufs[k], gsems[k]).wait()
            pltpu.async_copy(bufs[k], out_ref.at[pl.ds(base_tok + c * C, C)],
                             osems[k])

        _gather(0, 0)
        _gather(1, 1)

        def _step(c, u):
            ku2 = (u + 2) % NB

            @pl.when(c + 2 < nchunk)
            def _ga():
                @pl.when(c >= 2)
                def _wo():
                    _wait_out(ku2)
                _gather(c + 2, ku2)

            _proc(c, u)

        def _iterN(i, carry):
            for u in range(NB):
                _step(NB * i + u, u)
            return carry

        lax.fori_loop(0, loop_iters, _iterN, 0)
        for t in range(peel):
            c = loop_iters * NB + t
            _step(c, c % NB)
        for k in range(NB):
            _wait_out((nchunk - NB + k) % NB)

    return _sc_body


def _make_sc(n_tokens):
    return functools.partial(
        pl.kernel,
        out_type=jax.ShapeDtypeStruct((n_tokens, D), jnp.float32),
        mesh=_mesh,
        scratch_types=(
            [pltpu.VMEM((n_tokens // NW,), jnp.int32)]
            + [pltpu.VMEM((C, D), jnp.float32)] * NB
            + [pltpu.SemaphoreType.DMA] * (2 * NB)
        ),
    )(_make_sc_body(n_tokens))


_sc_gather_half = _make_sc(N2)


def _ln_body(tok_ref, seg_ref, pos_ref, sege_ref, gam_ref, bet_ref, o_ref):
    t = tok_ref[...]
    g = seg_ref[...]
    pos = pos_ref[...]
    se = sege_ref[...]
    h = (t + pos[None, :, :] + se[0][None, None, :]
         + g[:, :, None] * (se[1] - se[0])[None, None, :])
    mean = jnp.mean(h, axis=-1, keepdims=True)
    cen = h - mean
    var = jnp.mean(cen * cen, axis=-1, keepdims=True)
    o_ref[...] = (cen * lax.rsqrt(var + EPS) * gam_ref[...][None, None, :]
                  + bet_ref[...][None, None, :])


def _ln_body_alias(prev_ref, tok_ref, seg_ref, pos_ref, sege_ref, gam_ref,
                   bet_ref, o_ref):
    del prev_ref
    _ln_body(tok_ref, seg_ref, pos_ref, sege_ref, gam_ref, bet_ref, o_ref)


_ln_first = functools.partial(
    pl.pallas_call,
    out_shape=jax.ShapeDtypeStruct((B, S, D), jnp.float32),
    grid=(HB // BB,),
    in_specs=[
        pl.BlockSpec((BB, S, D), lambda i: (i, 0, 0)),
        pl.BlockSpec((BB, S), lambda i: (i, 0)),
        pl.BlockSpec((S, D), lambda i: (0, 0)),
        pl.BlockSpec((2, D), lambda i: (0, 0)),
        pl.BlockSpec((D,), lambda i: (0,)),
        pl.BlockSpec((D,), lambda i: (0,)),
    ],
    out_specs=pl.BlockSpec((BB, S, D), lambda i: (i, 0, 0)),
)(_ln_body)

def _make_ln_next(part):
    off = part * (HB // BB)
    return functools.partial(
        pl.pallas_call,
        out_shape=jax.ShapeDtypeStruct((B, S, D), jnp.float32),
        grid=(HB // BB,),
        in_specs=[
            pl.BlockSpec((1, 8, D), lambda i: (0, 0, 0)),
            pl.BlockSpec((BB, S, D), lambda i: (i, 0, 0)),
            pl.BlockSpec((BB, S), lambda i: (i, 0)),
            pl.BlockSpec((S, D), lambda i: (0, 0)),
            pl.BlockSpec((2, D), lambda i: (0, 0)),
            pl.BlockSpec((D,), lambda i: (0,)),
            pl.BlockSpec((D,), lambda i: (0,)),
        ],
        out_specs=pl.BlockSpec((BB, S, D),
                               lambda i, off=off: (i + off, 0, 0)),
        input_output_aliases={0: 0},
    )(_ln_body_alias)


_ln_next = [_make_ln_next(part) for part in range(1, NSPLIT)]


def kernel(x, seg, tok_embed, pos_embed, seg_embed, gamma, beta):
    x1 = x.reshape(N).astype(jnp.int32)
    segf = seg.astype(jnp.float32)
    pos = pos_embed[:S]
    rows = [_sc_gather_half(x1[k * N2:(k + 1) * N2], tok_embed)
            for k in range(NSPLIT)]
    out = _ln_first(rows[0].reshape(HB, S, D), segf[:HB], pos, seg_embed,
                    gamma, beta)
    for k in range(1, NSPLIT):
        out = _ln_next[k - 1](out, rows[k].reshape(HB, S, D),
                              segf[k * HB:(k + 1) * HB], pos, seg_embed,
                              gamma, beta)
    return out

# --- scband reference (transcript-rebuilt; emitter-appended) ---
"""Pipeline reference for scband-embedding-56418690400434 (READ-ONLY COPY).

The authoritative reference and input builder live on the scoring server;
editing this copy changes nothing except your own understanding.
"""

import jax, jax.numpy as jnp
import numpy as np

VOCAB = 100000
D_MODEL = 128
MAX_LEN = 512
N_SEG = 2
BATCH = 1024
SEQ = 200


def setup_inputs(seed: int = 0) -> dict:
    key = jax.random.key(seed)
    k_x, k_seg, k_tok, k_pos, k_segw = jax.random.split(key, 5)
    x = jax.random.randint(k_x, (BATCH, SEQ), 0, VOCAB, dtype=jnp.int64 if jax.config.jax_enable_x64 else jnp.int32)
    seg = jax.random.randint(k_seg, (BATCH, SEQ), 0, N_SEG, dtype=jnp.int64 if jax.config.jax_enable_x64 else jnp.int32)
    tok_embed = jax.random.normal(k_tok, (VOCAB, D_MODEL), dtype=jnp.float32)
    pos_embed = jax.random.normal(k_pos, (MAX_LEN, D_MODEL), dtype=jnp.float32)
    seg_embed = jax.random.normal(k_segw, (N_SEG, D_MODEL), dtype=jnp.float32)
    gamma = jnp.ones((D_MODEL,), dtype=jnp.float32)
    beta = jnp.zeros((D_MODEL,), dtype=jnp.float32)
    return {"x": x, "seg": seg, "tok_embed": tok_embed, "pos_embed": pos_embed, "seg_embed": seg_embed, "gamma": gamma, "beta": beta}


def _layernorm(h, gamma, beta, eps=1e-5):
    mean = jnp.mean(h, axis=-1, keepdims=True)
    var = jnp.mean(jnp.square(h - mean), axis=-1, keepdims=True)
    return (h - mean) / jnp.sqrt(var + eps) * gamma + beta


def reference(x, seg, tok_embed, pos_embed, seg_embed, gamma, beta):
    bs, seq_len = x.shape
    pos = jnp.broadcast_to(jnp.arange(seq_len)[None, :], (bs, seq_len))
    out = jnp.take(tok_embed, x, axis=0) + jnp.take(pos_embed, pos, axis=0) + jnp.take(seg_embed, seg, axis=0)
    return _layernorm(out, gamma, beta)

if __name__ == "__main__":
    import jax
    _d = setup_inputs()
    print(jax.jit(kernel)(*tuple(_d.values())))

</pallas_src>

<mosaic_0001>
#map = affine_map<(d0, d1) -> (0)>
#map1 = affine_map<(d0, d1) -> (0, 0)>
module attributes {stable_mosaic.version = 14 : i64} {
  func.func @_sc_body(%arg0: i32, %arg1: i32, %arg2: memref<51200xi32, #tpu.memory_space<hbm>>, %arg3: memref<100000x128xf32, #tpu.memory_space<hbm>>, %arg4: memref<51200x128xf32, #tpu.memory_space<hbm>>, %arg5: memref<1600xi32, #tpu.memory_space<vmem>>, %arg6: memref<80x128xf32, #tpu.memory_space<vmem>>, %arg7: memref<80x128xf32, #tpu.memory_space<vmem>>, %arg8: memref<80x128xf32, #tpu.memory_space<vmem>>, %arg9: memref<80x128xf32, #tpu.memory_space<vmem>>, %arg10: memref<!tpu.dma_semaphore, #tpu.memory_space<semaphore_mem>>, %arg11: memref<!tpu.dma_semaphore, #tpu.memory_space<semaphore_mem>>, %arg12: memref<!tpu.dma_semaphore, #tpu.memory_space<semaphore_mem>>, %arg13: memref<!tpu.dma_semaphore, #tpu.memory_space<semaphore_mem>>, %arg14: memref<!tpu.dma_semaphore, #tpu.memory_space<semaphore_mem>>, %arg15: memref<!tpu.dma_semaphore, #tpu.memory_space<semaphore_mem>>, %arg16: memref<!tpu.dma_semaphore, #tpu.memory_space<semaphore_mem>>, %arg17: memref<!tpu.dma_semaphore, #tpu.memory_space<semaphore_mem>>) attributes {dimension_semantics = [#tpu.dimension_semantics<core_parallel>, #tpu.dimension_semantics<subcore_parallel>], iteration_bounds = array<i64: 2, 16>, scalar_prefetch = 0 : i64, scratch_operands = 13 : i64, tpu.core_type = #tpu.core_type<sc_vector_subcore>, window_params = [{transform_indices = #map}, {transform_indices = #map1}, {transform_indices = #map1}]} {
    %mul3A = arith.constant 2 : i32
    %mul3A_0 = arith.muli %arg1, %mul3A : i32
    %add3A = arith.addi %mul3A_0, %arg0 : i32
    %mul3A_1 = arith.constant 1600 : i32
    %mul3A_2 = arith.muli %add3A, %mul3A_1 : i32
    "tpu.region"() ({
      %run_scoped3A = tpu.sem_alloc : memref<!tpu.dma_semaphore, #tpu.memory_space<semaphore_mem>>
      %dma_start3A_32 = tpu.memref_slice %arg2[%mul3A_2] : memref<51200xi32, #tpu.memory_space<hbm>> -> memref<1600xi32, #tpu.memory_space<hbm>>
      %dma_start3A_33 = tpu.memref_slice %arg2[%mul3A_2] : memref<51200xi32, #tpu.memory_space<hbm>> -> memref<1600xi32, #tpu.memory_space<hbm>>
      tpu.enqueue_dma source(%dma_start3A_33 : memref<1600xi32, #tpu.memory_space<hbm>>) target(%arg5 : memref<1600xi32, #tpu.memory_space<vmem>>) target_semaphore(%run_scoped3A : memref<!tpu.dma_semaphore, #tpu.memory_space<semaphore_mem>>)
      %dma_wait3A_34 = tpu.memref_slice %arg2[%mul3A_2] : memref<51200xi32, #tpu.memory_space<hbm>> -> memref<1600xi32, #tpu.memory_space<hbm>>
      %dma_wait3A_35 = tpu.memref_slice %arg2[%mul3A_2] : memref<51200xi32, #tpu.memory_space<hbm>> -> memref<1600xi32, #tpu.memory_space<hbm>>
      tpu.wait_dma2 semaphore(%run_scoped3A : memref<!tpu.dma_semaphore, #tpu.memory_space<semaphore_mem>>) src(%dma_wait3A_35 : memref<1600xi32, #tpu.memory_space<hbm>>) dst(%arg5 : memref<1600xi32, #tpu.memory_space<vmem>>)
      tpu.yield
    }) : () -> ()
    %dma_start3A = arith.constant 0 : i32
    %dma_start3A_3 = tpu.memref_slice %arg5[%dma_start3A] : memref<1600xi32, #tpu.memory_space<vmem>> -> memref<80xi32, #tpu.memory_space<vmem>>
    %dma_start3A_4 = arith.constant 0 : i32
    %dma_start3A_5 = arith.constant 0 : i32
    %dma_start3A_6 = tpu.memref_slice %arg3[%dma_start3A_4, %dma_start3A_5] : memref<100000x128xf32, #tpu.memory_space<hbm>> -> memref<100000x128xf32, #tpu.memory_space<hbm>>
    tpu.enqueue_indirect_dma source(%dma_start3A_6 : memref<100000x128xf32, #tpu.memory_space<hbm>>) target(%arg6 : memref<80x128xf32, #tpu.memory_space<vmem>>) offsets(%dma_start3A_3 : memref<80xi32, #tpu.memory_space<vmem>>) semaphore(%arg10 : memref<!tpu.dma_semaphore, #tpu.memory_space<semaphore_mem>>)
    %dma_start3A_7 = arith.constant 80 : i32
    %dma_start3A_8 = tpu.memref_slice %arg5[%dma_start3A_7] : memref<1600xi32, #tpu.memory_space<vmem>> -> memref<80xi32, #tpu.memory_space<vmem>>
    %dma_start3A_9 = arith.constant 0 : i32
    %dma_start3A_10 = arith.constant 0 : i32
    %dma_start3A_11 = tpu.memref_slice %arg3[%dma_start3A_9, %dma_start3A_10] : memref<100000x128xf32, #tpu.memory_space<hbm>> -> memref<100000x128xf32, #tpu.memory_space<hbm>>
    tpu.enqueue_indirect_dma source(%dma_start3A_11 : memref<100000x128xf32, #tpu.memory_space<hbm>>) target(%arg7 : memref<80x128xf32, #tpu.memory_space<vmem>>) offsets(%dma_start3A_8 : memref<80xi32, #tpu.memory_space<vmem>>) semaphore(%arg11 : memref<!tpu.dma_semaphore, #tpu.memory_space<semaphore_mem>>)
    %scan3A = arith.constant 0 : i32
    %scan3A_12 = arith.constant 0 : i32
    %scan3A_13 = arith.constant 5 : i32
    %scan3A_14 = arith.addi %scan3A_12, %scan3A_13 : i32
    %scan3A_15 = arith.constant 1 : i32
    scf.for %scan3A_32 = %scan3A_12 to %scan3A_14 step %scan3A_15  : i32 {
      %mul3A_33 = arith.constant 4 : i32
      %mul3A_34 = arith.muli %mul3A_33, %scan3A_32 : i32
      %add3A_35 = arith.constant 0 : i32
      %add3A_36 = arith.addi %mul3A_34, %add3A_35 : i32
      %add3A_37 = arith.constant 2 : i32
      %add3A_38 = arith.addi %add3A_36, %add3A_37 : i32
      %lt3A = arith.constant 20 : i32
      %lt3A_39 = arith.cmpi slt, %add3A_38, %lt3A : i32
      %convert_element_type3A = arith.extui %lt3A_39 : i1 to i32
      %cond3A = arith.constant 0 : i32
      %cond3A_40 = arith.cmpi ne, %convert_element_type3A, %cond3A : i32
      scf.if %cond3A_40 {
        %ge3A = arith.constant 2 : i32
        %ge3A_122 = arith.cmpi sge, %add3A_36, %ge3A : i32
        %convert_element_type3A_123 = arith.extui %ge3A_122 : i1 to i32
        %cond3A_124 = arith.constant 0 : i32
        %cond3A_125 = arith.cmpi ne, %convert_element_type3A_123, %cond3A_124 : i32
        scf.if %cond3A_125 {
          %dma_wait3A_134 = arith.constant 0 : i32
          %dma_wait3A_135 = tpu.memref_slice %arg4[%mul3A_2, %dma_wait3A_134] : memref<51200x128xf32, #tpu.memory_space<hbm>> -> memref<80x128xf32, #tpu.memory_space<hbm>>
          %dma_wait3A_136 = arith.constant 0 : i32
          %dma_wait3A_137 = tpu.memref_slice %arg4[%mul3A_2, %dma_wait3A_136] : memref<51200x128xf32, #tpu.memory_space<hbm>> -> memref<80x128xf32, #tpu.memory_space<hbm>>
          tpu.wait_dma2 semaphore(%arg16 : memref<!tpu.dma_semaphore, #tpu.memory_space<semaphore_mem>>) src(%arg8 : memref<80x128xf32, #tpu.memory_space<vmem>>) dst(%dma_wait3A_137 : memref<80x128xf32, #tpu.memory_space<hbm>>)
        } else {
        }
        %add3A_126 = arith.constant 2 : i32
        %add3A_127 = arith.addi %add3A_36, %add3A_126 : i32
        %mul3A_128 = arith.constant 80 : i32
        %mul3A_129 = arith.muli %add3A_127, %mul3A_128 : i32
        %dma_start3A_130 = tpu.memref_slice %arg5[%mul3A_129] : memref<1600xi32, #tpu.memory_space<vmem>> -> memref<80xi32, #tpu.memory_space<vmem>>
        %dma_start3A_131 = arith.constant 0 : i32
        %dma_start3A_132 = arith.constant 0 : i32
        %dma_start3A_133 = tpu.memref_slice %arg3[%dma_start3A_131, %dma_start3A_132] : memref<100000x128xf32, #tpu.memory_space<hbm>> -> memref<100000x128xf32, #tpu.memory_space<hbm>>
        tpu.enqueue_indirect_dma source(%dma_start3A_133 : memref<100000x128xf32, #tpu.memory_space<hbm>>) target(%arg8 : memref<80x128xf32, #tpu.memory_space<vmem>>) offsets(%dma_start3A_130 : memref<80xi32, #tpu.memory_space<vmem>>) semaphore(%arg12 : memref<!tpu.dma_semaphore, #tpu.memory_space<semaphore_mem>>)
      } else {
      }
      %dma_wait3A_41 = arith.constant 0 : i32
      %dma_wait3A_42 = tpu.memref_slice %arg5[%dma_wait3A_41] : memref<1600xi32, #tpu.memory_space<vmem>> -> memref<80xi32, #tpu.memory_space<vmem>>
      %dma_wait3A_43 = arith.constant 0 : i32
      %dma_wait3A_44 = arith.constant 0 : i32
      %dma_wait3A_45 = tpu.memref_slice %arg3[%dma_wait3A_43, %dma_wait3A_44] : memref<100000x128xf32, #tpu.memory_space<hbm>> -> memref<100000x128xf32, #tpu.memory_space<hbm>>
      tpu.wait_indirect_dma semaphore(%arg10 : memref<!tpu.dma_semaphore, #tpu.memory_space<semaphore_mem>>) src(%dma_wait3A_45 : memref<100000x128xf32, #tpu.memory_space<hbm>>) dst(%arg6 : memref<80x128xf32, #tpu.memory_space<vmem>>)
      %mul3A_46 = arith.constant 80 : i32
      %mul3A_47 = arith.muli %add3A_36, %mul3A_46 : i32
      %add3A_48 = arith.addi %mul3A_2, %mul3A_47 : i32
      %dma_start3A_49 = arith.constant 0 : i32
      %dma_start3A_50 = tpu.memref_slice %arg4[%add3A_48, %dma_start3A_49] : memref<51200x128xf32, #tpu.memory_space<hbm>> -> memref<80x128xf32, #tpu.memory_space<hbm>>
      %dma_start3A_51 = arith.constant 0 : i32
      %dma_start3A_52 = tpu.memref_slice %arg4[%add3A_48, %dma_start3A_51] : memref<51200x128xf32, #tpu.memory_space<hbm>> -> memref<80x128xf32, #tpu.memory_space<hbm>>
      tpu.enqueue_dma source(%arg6 : memref<80x128xf32, #tpu.memory_space<vmem>>) target(%dma_start3A_52 : memref<80x128xf32, #tpu.memory_space<hbm>>) target_semaphore(%arg14 : memref<!tpu.dma_semaphore, #tpu.memory_space<semaphore_mem>>)
      %mul3A_53 = arith.constant 4 : i32
      %mul3A_54 = arith.muli %mul3A_53, %scan3A_32 : i32
      %add3A_55 = arith.constant 1 : i32
      %add3A_56 = arith.addi %mul3A_54, %add3A_55 : i32
      %add3A_57 = arith.constant 2 : i32
      %add3A_58 = arith.addi %add3A_56, %add3A_57 : i32
      %lt3A_59 = arith.constant 20 : i32
      %lt3A_60 = arith.cmpi slt, %add3A_58, %lt3A_59 : i32
      %convert_element_type3A_61 = arith.extui %lt3A_60 : i1 to i32
      %cond3A_62 = arith.constant 0 : i32
      %cond3A_63 = arith.cmpi ne, %convert_element_type3A_61, %cond3A_62 : i32
      scf.if %cond3A_63 {
        %ge3A = arith.constant 2 : i32
        %ge3A_122 = arith.cmpi sge, %add3A_56, %ge3A : i32
        %convert_element_type3A_123 = arith.extui %ge3A_122 : i1 to i32
        %cond3A_124 = arith.constant 0 : i32
        %cond3A_125 = arith.cmpi ne, %convert_element_type3A_123, %cond3A_124 : i32
        scf.if %cond3A_125 {
          %dma_wait3A_134 = arith.constant 0 : i32
          %dma_wait3A_135 = tpu.memref_slice %arg4[%mul3A_2, %dma_wait3A_134] : memref<51200x128xf32, #tpu.memory_space<hbm>> -> memref<80x128xf32, #tpu.memory_space<hbm>>
          %dma_wait3A_136 = arith.constant 0 : i32
          %dma_wait3A_137 = tpu.memref_slice %arg4[%mul3A_2, %dma_wait3A_136] : memref<51200x128xf32, #tpu.memory_space<hbm>> -> memref<80x128xf32, #tpu.memory_space<hbm>>
          tpu.wait_dma2 semaphore(%arg17 : memref<!tpu.dma_semaphore, #tpu.memory_space<semaphore_mem>>) src(%arg9 : memref<80x128xf32, #tpu.memory_space<vmem>>) dst(%dma_wait3A_137 : memref<80x128xf32, #tpu.memory_space<hbm>>)
        } else {
        }
        %add3A_126 = arith.constant 2 : i32
        %add3A_127 = arith.addi %add3A_56, %add3A_126 : i32
        %mul3A_128 = arith.constant 80 : i32
        %mul3A_129 = arith.muli %add3A_127, %mul3A_128 : i32
        %dma_start3A_130 = tpu.memref_slice %arg5[%mul3A_129] : memref<1600xi32, #tpu.memory_space<vmem>> -> memref<80xi32, #tpu.memory_space<vmem>>
        %dma_start3A_131 = arith.constant 0 : i32
        %dma_start3A_132 = arith.constant 0 : i32
        %dma_start3A_133 = tpu.memref_slice %arg3[%dma_start3A_131, %dma_start3A_132] : memref<100000x128xf32, #tpu.memory_space<hbm>> -> memref<100000x128xf32, #tpu.memory_space<hbm>>
        tpu.enqueue_indirect_dma source(%dma_start3A_133 : memref<100000x128xf32, #tpu.memory_space<hbm>>) target(%arg9 : memref<80x128xf32, #tpu.memory_space<vmem>>) offsets(%dma_start3A_130 : memref<80xi32, #tpu.memory_space<vmem>>) semaphore(%arg13 : memref<!tpu.dma_semaphore, #tpu.memory_space<semaphore_mem>>)
      } else {
      }
      %dma_wait3A_64 = arith.constant 0 : i32
      %dma_wait3A_65 = tpu.memref_slice %arg5[%dma_wait3A_64] : memref<1600xi32, #tpu.memory_space<vmem>> -> memref<80xi32, #tpu.memory_space<vmem>>
      %dma_wait3A_66 = arith.constant 0 : i32
      %dma_wait3A_67 = arith.constant 0 : i32
      %dma_wait3A_68 = tpu.memref_slice %arg3[%dma_wait3A_66, %dma_wait3A_67] : memref<100000x128xf32, #tpu.memory_space<hbm>> -> memref<100000x128xf32, #tpu.memory_space<hbm>>
      tpu.wait_indirect_dma semaphore(%arg11 : memref<!tpu.dma_semaphore, #tpu.memory_space<semaphore_mem>>) src(%dma_wait3A_68 : memref<100000x128xf32, #tpu.memory_space<hbm>>) dst(%arg7 : memref<80x128xf32, #tpu.memory_space<vmem>>)
      %mul3A_69 = arith.constant 80 : i32
      %mul3A_70 = arith.muli %add3A_56, %mul3A_69 : i32
      %add3A_71 = arith.addi %mul3A_2, %mul3A_70 : i32
      %dma_start3A_72 = arith.constant 0 : i32
      %dma_start3A_73 = tpu.memref_slice %arg4[%add3A_71, %dma_start3A_72] : memref<51200x128xf32, #tpu.memory_space<hbm>> -> memref<80x128xf32, #tpu.memory_space<hbm>>
      %dma_start3A_74 = arith.constant 0 : i32
      %dma_start3A_75 = tpu.memref_slice %arg4[%add3A_71, %dma_start3A_74] : memref<51200x128xf32, #tpu.memory_space<hbm>> -> memref<80x128xf32, #tpu.memory_space<hbm>>
      tpu.enqueue_dma source(%arg7 : memref<80x128xf32, #tpu.memory_space<vmem>>) target(%dma_start3A_75 : memref<80x128xf32, #tpu.memory_space<hbm>>) target_semaphore(%arg15 : memref<!tpu.dma_semaphore, #tpu.memory_space<semaphore_mem>>)
      %mul3A_76 = arith.constant 4 : i32
      %mul3A_77 = arith.muli %mul3A_76, %scan3A_32 : i32
      %add3A_78 = arith.constant 2 : i32
      %add3A_79 = arith.addi %mul3A_77, %add3A_78 : i32
      %add3A_80 = arith.constant 2 : i32
      %add3A_81 = arith.addi %add3A_79, %add3A_80 : i32
      %lt3A_82 = arith.constant 20 : i32
      %lt3A_83 = arith.cmpi slt, %add3A_81, %lt3A_82 : i32
      %convert_element_type3A_84 = arith.extui %lt3A_83 : i1 to i32
      %cond3A_85 = arith.constant 0 : i32
      %cond3A_86 = arith.cmpi ne, %convert_element_type3A_84, %cond3A_85 : i32
      scf.if %cond3A_86 {
        %ge3A = arith.constant 2 : i32
        %ge3A_122 = arith.cmpi sge, %add3A_79, %ge3A : i32
        %convert_element_type3A_123 = arith.extui %ge3A_122 : i1 to i32
        %cond3A_124 = arith.constant 0 : i32
        %cond3A_125 = arith.cmpi ne, %convert_element_type3A_123, %cond3A_124 : i32
        scf.if %cond3A_125 {
          %dma_wait3A_134 = arith.constant 0 : i32
          %dma_wait3A_135 = tpu.memref_slice %arg4[%mul3A_2, %dma_wait3A_134] : memref<51200x128xf32, #tpu.memory_space<hbm>> -> memref<80x128xf32, #tpu.memory_space<hbm>>
          %dma_wait3A_136 = arith.constant 0 : i32
          %dma_wait3A_137 = tpu.memref_slice %arg4[%mul3A_2, %dma_wait3A_136] : memref<51200x128xf32, #tpu.memory_space<hbm>> -> memref<80x128xf32, #tpu.memory_space<hbm>>
          tpu.wait_dma2 semaphore(%arg14 : memref<!tpu.dma_semaphore, #tpu.memory_space<semaphore_mem>>) src(%arg6 : memref<80x128xf32, #tpu.memory_space<vmem>>) dst(%dma_wait3A_137 : memref<80x128xf32, #tpu.memory_space<hbm>>)
        } else {
        }
        %add3A_126 = arith.constant 2 : i32
        %add3A_127 = arith.addi %add3A_79, %add3A_126 : i32
        %mul3A_128 = arith.constant 80 : i32
        %mul3A_129 = arith.muli %add3A_127, %mul3A_128 : i32
        %dma_start3A_130 = tpu.memref_slice %arg5[%mul3A_129] : memref<1600xi32, #tpu.memory_space<vmem>> -> memref<80xi32, #tpu.memory_space<vmem>>
        %dma_start3A_131 = arith.constant 0 : i32
        %dma_start3A_132 = arith.constant 0 : i32
        %dma_start3A_133 = tpu.memref_slice %arg3[%dma_start3A_131, %dma_start3A_132] : memref<100000x128xf32, #tpu.memory_space<hbm>> -> memref<100000x128xf32, #tpu.memory_space<hbm>>
        tpu.enqueue_indirect_dma source(%dma_start3A_133 : memref<100000x128xf32, #tpu.memory_space<hbm>>) target(%arg6 : memref<80x128xf32, #tpu.memory_space<vmem>>) offsets(%dma_start3A_130 : memref<80xi32, #tpu.memory_space<vmem>>) semaphore(%arg10 : memref<!tpu.dma_semaphore, #tpu.memory_space<semaphore_mem>>)
      } else {
      }
      %dma_wait3A_87 = arith.constant 0 : i32
      %dma_wait3A_88 = tpu.memref_slice %arg5[%dma_wait3A_87] : memref<1600xi32, #tpu.memory_space<vmem>> -> memref<80xi32, #tpu.memory_space<vmem>>
      %dma_wait3A_89 = arith.constant 0 : i32
      %dma_wait3A_90 = arith.constant 0 : i32
      %dma_wait3A_91 = tpu.memref_slice %arg3[%dma_wait3A_89, %dma_wait3A_90] : memref<100000x128xf32, #tpu.memory_space<hbm>> -> memref<100000x128xf32, #tpu.memory_space<hbm>>
      tpu.wait_indirect_dma semaphore(%arg12 : memref<!tpu.dma_semaphore, #tpu.memory_space<semaphore_mem>>) src(%dma_wait3A_91 : memref<100000x128xf32, #tpu.memory_space<hbm>>) dst(%arg8 : memref<80x128xf32, #tpu.memory_space<vmem>>)
      %mul3A_92 = arith.constant 80 : i32
      %mul3A_93 = arith.muli %add3A_79, %mul3A_92 : i32
      %add3A_94 = arith.addi %mul3A_2, %mul3A_93 : i32
      %dma_start3A_95 = arith.constant 0 : i32
      %dma_start3A_96 = tpu.memref_slice %arg4[%add3A_94, %dma_start3A_95] : memref<51200x128xf32, #tpu.memory_space<hbm>> -> memref<80x128xf32, #tpu.memory_space<hbm>>
      %dma_start3A_97 = arith.constant 0 : i32
      %dma_start3A_98 = tpu.memref_slice %arg4[%add3A_94, %dma_start3A_97] : memref<51200x128xf32, #tpu.memory_space<hbm>> -> memref<80x128xf32, #tpu.memory_space<hbm>>
      tpu.enqueue_dma source(%arg8 : memref<80x128xf32, #tpu.memory_space<vmem>>) target(%dma_start3A_98 : memref<80x128xf32, #tpu.memory_space<hbm>>) target_semaphore(%arg16 : memref<!tpu.dma_semaphore, #tpu.memory_space<semaphore_mem>>)
      %mul3A_99 = arith.constant 4 : i32
      %mul3A_100 = arith.muli %mul3A_99, %scan3A_32 : i32
      %add3A_101 = arith.constant 3 : i32
      %add3A_102 = arith.addi %mul3A_100, %add3A_101 : i32
      %add3A_103 = arith.constant 2 : i32
      %add3A_104 = arith.addi %add3A_102, %add3A_103 : i32
      %lt3A_105 = arith.constant 20 : i32
      %lt3A_106 = arith.cmpi slt, %add3A_104, %lt3A_105 : i32
      %convert_element_type3A_107 = arith.extui %lt3A_106 : i1 to i32
      %cond3A_108 = arith.constant 0 : i32
      %cond3A_109 = arith.cmpi ne, %convert_element_type3A_107, %cond3A_108 : i32
      scf.if %cond3A_109 {
        %ge3A = arith.constant 2 : i32
        %ge3A_122 = arith.cmpi sge, %add3A_102, %ge3A : i32
        %convert_element_type3A_123 = arith.extui %ge3A_122 : i1 to i32
        %cond3A_124 = arith.constant 0 : i32
        %cond3A_125 = arith.cmpi ne, %convert_element_type3A_123, %cond3A_124 : i32
        scf.if %cond3A_125 {
          %dma_wait3A_134 = arith.constant 0 : i32
          %dma_wait3A_135 = tpu.memref_slice %arg4[%mul3A_2, %dma_wait3A_134] : memref<51200x128xf32, #tpu.memory_space<hbm>> -> memref<80x128xf32, #tpu.memory_space<hbm>>
          %dma_wait3A_136 = arith.constant 0 : i32
          %dma_wait3A_137 = tpu.memref_slice %arg4[%mul3A_2, %dma_wait3A_136] : memref<51200x128xf32, #tpu.memory_space<hbm>> -> memref<80x128xf32, #tpu.memory_space<hbm>>
          tpu.wait_dma2 semaphore(%arg15 : memref<!tpu.dma_semaphore, #tpu.memory_space<semaphore_mem>>) src(%arg7 : memref<80x128xf32, #tpu.memory_space<vmem>>) dst(%dma_wait3A_137 : memref<80x128xf32, #tpu.memory_space<hbm>>)
        } else {
        }
        %add3A_126 = arith.constant 2 : i32
        %add3A_127 = arith.addi %add3A_102, %add3A_126 : i32
        %mul3A_128 = arith.constant 80 : i32
        %mul3A_129 = arith.muli %add3A_127, %mul3A_128 : i32
        %dma_start3A_130 = tpu.memref_slice %arg5[%mul3A_129] : memref<1600xi32, #tpu.memory_space<vmem>> -> memref<80xi32, #tpu.memory_space<vmem>>
        %dma_start3A_131 = arith.constant 0 : i32
        %dma_start3A_132 = arith.constant 0 : i32
        %dma_start3A_133 = tpu.memref_slice %arg3[%dma_start3A_131, %dma_start3A_132] : memref<100000x128xf32, #tpu.memory_space<hbm>> -> memref<100000x128xf32, #tpu.memory_space<hbm>>
        tpu.enqueue_indirect_dma source(%dma_start3A_133 : memref<100000x128xf32, #tpu.memory_space<hbm>>) target(%arg7 : memref<80x128xf32, #tpu.memory_space<vmem>>) offsets(%dma_start3A_130 : memref<80xi32, #tpu.memory_space<vmem>>) semaphore(%arg11 : memref<!tpu.dma_semaphore, #tpu.memory_space<semaphore_mem>>)
      } else {
      }
      %dma_wait3A_110 = arith.constant 0 : i32
      %dma_wait3A_111 = tpu.memref_slice %arg5[%dma_wait3A_110] : memref<1600xi32, #tpu.memory_space<vmem>> -> memref<80xi32, #tpu.memory_space<vmem>>
      %dma_wait3A_112 = arith.constant 0 : i32
      %dma_wait3A_113 = arith.constant 0 : i32
      %dma_wait3A_114 = tpu.memref_slice %arg3[%dma_wait3A_112, %dma_wait3A_113] : memref<100000x128xf32, #tpu.memory_space<hbm>> -> memref<100000x128xf32, #tpu.memory_space<hbm>>
      tpu.wait_indirect_dma semaphore(%arg13 : memref<!tpu.dma_semaphore, #tpu.memory_space<semaphore_mem>>) src(%dma_wait3A_114 : memref<100000x128xf32, #tpu.memory_space<hbm>>) dst(%arg9 : memref<80x128xf32, #tpu.memory_space<vmem>>)
      %mul3A_115 = arith.constant 80 : i32
      %mul3A_116 = arith.muli %add3A_102, %mul3A_115 : i32
      %add3A_117 = arith.addi %mul3A_2, %mul3A_116 : i32
      %dma_start3A_118 = arith.constant 0 : i32
      %dma_start3A_119 = tpu.memref_slice %arg4[%add3A_117, %dma_start3A_118] : memref<51200x128xf32, #tpu.memory_space<hbm>> -> memref<80x128xf32, #tpu.memory_space<hbm>>
      %dma_start3A_120 = arith.constant 0 : i32
      %dma_start3A_121 = tpu.memref_slice %arg4[%add3A_117, %dma_start3A_120] : memref<51200x128xf32, #tpu.memory_space<hbm>> -> memref<80x128xf32, #tpu.memory_space<hbm>>
      tpu.enqueue_dma source(%arg9 : memref<80x128xf32, #tpu.memory_space<vmem>>) target(%dma_start3A_121 : memref<80x128xf32, #tpu.memory_space<hbm>>) target_semaphore(%arg17 : memref<!tpu.dma_semaphore, #tpu.memory_space<semaphore_mem>>)
    }
    %scan3A_16 = arith.constant 5 : i32
    %dma_wait3A = arith.constant 0 : i32
    %dma_wait3A_17 = tpu.memref_slice %arg4[%mul3A_2, %dma_wait3A] : memref<51200x128xf32, #tpu.memory_space<hbm>> -> memref<80x128xf32, #tpu.memory_space<hbm>>
    %dma_wait3A_18 = arith.constant 0 : i32
    %dma_wait3A_19 = tpu.memref_slice %arg4[%mul3A_2, %dma_wait3A_18] : memref<51200x128xf32, #tpu.memory_space<hbm>> -> memref<80x128xf32, #tpu.memory_space<hbm>>
    tpu.wait_dma2 semaphore(%arg14 : memref<!tpu.dma_semaphore, #tpu.memory_space<semaphore_mem>>) src(%arg6 : memref<80x128xf32, #tpu.memory_space<vmem>>) dst(%dma_wait3A_19 : memref<80x128xf32, #tpu.memory_space<hbm>>)
    %dma_wait3A_20 = arith.constant 0 : i32
    %dma_wait3A_21 = tpu.memref_slice %arg4[%mul3A_2, %dma_wait3A_20] : memref<51200x128xf32, #tpu.memory_space<hbm>> -> memref<80x128xf32, #tpu.memory_space<hbm>>
    %dma_wait3A_22 = arith.constant 0 : i32
    %dma_wait3A_23 = tpu.memref_slice %arg4[%mul3A_2, %dma_wait3A_22] : memref<51200x128xf32, #tpu.memory_space<hbm>> -> memref<80x128xf32, #tpu.memory_space<hbm>>
    tpu.wait_dma2 semaphore(%arg15 : memref<!tpu.dma_semaphore, #tpu.memory_space<semaphore_mem>>) src(%arg7 : memref<80x128xf32, #tpu.memory_space<vmem>>) dst(%dma_wait3A_23 : memref<80x128xf32, #tpu.memory_space<hbm>>)
    %dma_wait3A_24 = arith.constant 0 : i32
    %dma_wait3A_25 = tpu.memref_slice %arg4[%mul3A_2, %dma_wait3A_24] : memref<51200x128xf32, #tpu.memory_space<hbm>> -> memref<80x128xf32, #tpu.memory_space<hbm>>
    %dma_wait3A_26 = arith.constant 0 : i32
    %dma_wait3A_27 = tpu.memref_slice %arg4[%mul3A_2, %dma_wait3A_26] : memref<51200x128xf32, #tpu.memory_space<hbm>> -> memref<80x128xf32, #tpu.memory_space<hbm>>
    tpu.wait_dma2 semaphore(%arg16 : memref<!tpu.dma_semaphore, #tpu.memory_space<semaphore_mem>>) src(%arg8 : memref<80x128xf32, #tpu.memory_space<vmem>>) dst(%dma_wait3A_27 : memref<80x128xf32, #tpu.memory_space<hbm>>)
    %dma_wait3A_28 = arith.constant 0 : i32
    %dma_wait3A_29 = tpu.memref_slice %arg4[%mul3A_2, %dma_wait3A_28] : memref<51200x128xf32, #tpu.memory_space<hbm>> -> memref<80x128xf32, #tpu.memory_space<hbm>>
    %dma_wait3A_30 = arith.constant 0 : i32
    %dma_wait3A_31 = tpu.memref_slice %arg4[%mul3A_2, %dma_wait3A_30] : memref<51200x128xf32, #tpu.memory_space<hbm>> -> memref<80x128xf32, #tpu.memory_space<hbm>>
    tpu.wait_dma2 semaphore(%arg17 : memref<!tpu.dma_semaphore, #tpu.memory_space<semaphore_mem>>) src(%arg9 : memref<80x128xf32, #tpu.memory_space<vmem>>) dst(%dma_wait3A_31 : memref<80x128xf32, #tpu.memory_space<hbm>>)
    return
  }
}

#map = affine_map<(d0, d1) -> (0)>
#map1 = affine_map<(d0, d1) -> (0, 0)>
module attributes {stable_mosaic.version = 14 : i64} {
  func.func @_sc_body(%arg0: i32, %arg1: i32, %arg2: memref<51200xi32, #tpu.memory_space<hbm>>, %arg3: memref<100000x128xf32, #tpu.memory_space<hbm>>, %arg4: memref<51200x128xf32, #tpu.memory_space<hbm>>, %arg5: memref<1600xi32, #tpu.memory_space<vmem>>, %arg6: memref<80x128xf32, #tpu.memory_space<vmem>>, %arg7: memref<80x128xf32, #tpu.memory_space<vmem>>, %arg8: memref<80x128xf32, #tpu.memory_space<vmem>>, %arg9: memref<80x128xf32, #tpu.memory_space<vmem>>, %arg10: memref<!tpu.dma_semaphore, #tpu.memory_space<semaphore_mem>>, %arg11: memref<!tpu.dma_semaphore, #tpu.memory_space<semaphore_mem>>, %arg12: memref<!tpu.dma_semaphore, #tpu.memory_space<semaphore_mem>>, %arg13: memref<!tpu.dma_semaphore, #tpu.memory_space<semaphore_mem>>, %arg14: memref<!tpu.dma_semaphore, #tpu.memory_space<semaphore_mem>>, %arg15: memref<!tpu.dma_semaphore, #tpu.memory_space<semaphore_mem>>, %arg16: memref<!tpu.dma_semaphore, #tpu.memory_space<semaphore_mem>>, %arg17: memref<!tpu.dma_semaphore, #tpu.memory_space<semaphore_mem>>) attributes {dimension_semantics = [#tpu.dimension_semantics<core_parallel>, #tpu.dimension_semantics<subcore_parallel>], iteration_bounds = array<i64: 2, 16>, scalar_prefetch = 0 : i64, scratch_operands = 13 : i64, tpu.core_type = #tpu.core_type<sc_vector_subcore>, window_params = [{transform_indices = #map}, {transform_indices = #map1}, {transform_indices = #map1}]} {
    %mul3A = arith.constant 2 : i32
    %mul3A_0 = arith.muli %arg1, %mul3A : i32
    %add3A = arith.addi %mul3A_0, %arg0 : i32
    %mul3A_1 = arith.constant 1600 : i32
    %mul3A_2 = arith.muli %add3A, %mul3A_1 : i32
    "tpu.region"() ({
      %run_scoped3A = tpu.sem_alloc : memref<!tpu.dma_semaphore, #tpu.memory_space<semaphore_mem>>
      %dma_start3A_32 = tpu.memref_slice %arg2[%mul3A_2] : memref<51200xi32, #tpu.memory_space<hbm>> -> memref<1600xi32, #tpu.memory_space<hbm>>
      %dma_start3A_33 = tpu.memref_slice %arg2[%mul3A_2] : memref<51200xi32, #tpu.memory_space<hbm>> -> memref<1600xi32, #tpu.memory_space<hbm>>
      tpu.enqueue_dma source(%dma_start3A_33 : memref<1600xi32, #tpu.memory_space<hbm>>) target(%arg5 : memref<1600xi32, #tpu.memory_space<vmem>>) target_semaphore(%run_scoped3A : memref<!tpu.dma_semaphore, #tpu.memory_space<semaphore_mem>>)
      %dma_wait3A_34 = tpu.memref_slice %arg2[%mul3A_2] : memref<51200xi32, #tpu.memory_space<hbm>> -> memref<1600xi32, #tpu.memory_space<hbm>>
      %dma_wait3A_35 = tpu.memref_slice %arg2[%mul3A_2] : memref<51200xi32, #tpu.memory_space<hbm>> -> memref<1600xi32, #tpu.memory_space<hbm>>
      tpu.wait_dma2 semaphore(%run_scoped3A : memref<!tpu.dma_semaphore, #tpu.memory_space<semaphore_mem>>) src(%dma_wait3A_35 : memref<1600xi32, #tpu.memory_space<hbm>>) dst(%arg5 : memref<1600xi32, #tpu.memory_space<vmem>>)
      tpu.yield
    }) : () -> ()
    %dma_start3A = arith.constant 0 : i32
    %dma_start3A_3 = tpu.memref_slice %arg5[%dma_start3A] : memref<1600xi32, #tpu.memory_space<vmem>> -> memref<80xi32, #tpu.memory_space<vmem>>
    %dma_start3A_4 = arith.constant 0 : i32
    %dma_start3A_5 = arith.constant 0 : i32
    %dma_start3A_6 = tpu.memref_slice %arg3[%dma_start3A_4, %dma_start3A_5] : memref<100000x128xf32, #tpu.memory_space<hbm>> -> memref<100000x128xf32, #tpu.memory_space<hbm>>
    tpu.enqueue_indirect_dma source(%dma_start3A_6 : memref<100000x128xf32, #tpu.memory_space<hbm>>) target(%arg6 : memref<80x128xf32, #tpu.memory_space<vmem>>) offsets(%dma_start3A_3 : memref<80xi32, #tpu.memory_space<vmem>>) semaphore(%arg10 : memref<!tpu.dma_semaphore, #tpu.memory_space<semaphore_mem>>)
    %dma_start3A_7 = arith.constant 80 : i32
    %dma_start3A_8 = tpu.memref_slice %arg5[%dma_start3A_7] : memref<1600xi32, #tpu.memory_space<vmem>> -> memref<80xi32, #tpu.memory_space<vmem>>
    %dma_start3A_9 = arith.constant 0 : i32
    %dma_start3A_10 = arith.constant 0 : i32
    %dma_start3A_11 = tpu.memref_slice %arg3[%dma_start3A_9, %dma_start3A_10] : memref<100000x128xf32, #tpu.memory_space<hbm>> -> memref<100000x128xf32, #tpu.memory_space<hbm>>
    tpu.enqueue_indirect_dma source(%dma_start3A_11 : memref<100000x128xf32, #tpu.memory_space<hbm>>) target(%arg7 : memref<80x128xf32, #tpu.memory_space<vmem>>) offsets(%dma_start3A_8 : memref<80xi32, #tpu.memory_space<vmem>>) semaphore(%arg11 : memref<!tpu.dma_semaphore, #tpu.memory_space<semaphore_mem>>)
    %scan3A = arith.constant 0 : i32
    %scan3A_12 = arith.constant 0 : i32
    %scan3A_13 = arith.constant 5 : i32
    %scan3A_14 = arith.addi %scan3A_12, %scan3A_13 : i32
    %scan3A_15 = arith.constant 1 : i32
    scf.for %scan3A_32 = %scan3A_12 to %scan3A_14 step %scan3A_15  : i32 {
      %mul3A_33 = arith.constant 4 : i32
      %mul3A_34 = arith.muli %mul3A_33, %scan3A_32 : i32
      %add3A_35 = arith.constant 0 : i32
      %add3A_36 = arith.addi %mul3A_34, %add3A_35 : i32
      %add3A_37 = arith.constant 2 : i32
      %add3A_38 = arith.addi %add3A_36, %add3A_37 : i32
      %lt3A = arith.constant 20 : i32
      %lt3A_39 = arith.cmpi slt, %add3A_38, %lt3A : i32
      %convert_element_type3A = arith.extui %lt3A_39 : i1 to i32
      %cond3A = arith.constant 0 : i32
      %cond3A_40 = arith.cmpi ne, %convert_element_type3A, %cond3A : i32
      scf.if %cond3A_40 {
        %ge3A = arith.constant 2 : i32
        %ge3A_122 = arith.cmpi sge, %add3A_36, %ge3A : i32
        %convert_element_type3A_123 = arith.extui %ge3A_122 : i1 to i32
        %cond3A_124 = arith.constant 0 : i32
        %cond3A_125 = arith.cmpi ne, %convert_element_type3A_123, %cond3A_124 : i32
        scf.if %cond3A_125 {
          %dma_wait3A_134 = arith.constant 0 : i32
          %dma_wait3A_135 = tpu.memref_slice %arg4[%mul3A_2, %dma_wait3A_134] : memref<51200x128xf32, #tpu.memory_space<hbm>> -> memref<80x128xf32, #tpu.memory_space<hbm>>
          %dma_wait3A_136 = arith.constant 0 : i32
          %dma_wait3A_137 = tpu.memref_slice %arg4[%mul3A_2, %dma_wait3A_136] : memref<51200x128xf32, #tpu.memory_space<hbm>> -> memref<80x128xf32, #tpu.memory_space<hbm>>
          tpu.wait_dma2 semaphore(%arg16 : memref<!tpu.dma_semaphore, #tpu.memory_space<semaphore_mem>>) src(%arg8 : memref<80x128xf32, #tpu.memory_space<vmem>>) dst(%dma_wait3A_137 : memref<80x128xf32, #tpu.memory_space<hbm>>)
        } else {
        }
        %add3A_126 = arith.constant 2 : i32
        %add3A_127 = arith.addi %add3A_36, %add3A_126 : i32
        %mul3A_128 = arith.constant 80 : i32
        %mul3A_129 = arith.muli %add3A_127, %mul3A_128 : i32
        %dma_start3A_130 = tpu.memref_slice %arg5[%mul3A_129] : memref<1600xi32, #tpu.memory_space<vmem>> -> memref<80xi32, #tpu.memory_space<vmem>>
        %dma_start3A_131 = arith.constant 0 : i32
        %dma_start3A_132 = arith.constant 0 : i32
        %dma_start3A_133 = tpu.memref_slice %arg3[%dma_start3A_131, %dma_start3A_132] : memref<100000x128xf32, #tpu.memory_space<hbm>> -> memref<100000x128xf32, #tpu.memory_space<hbm>>
        tpu.enqueue_indirect_dma source(%dma_start3A_133 : memref<100000x128xf32, #tpu.memory_space<hbm>>) target(%arg8 : memref<80x128xf32, #tpu.memory_space<vmem>>) offsets(%dma_start3A_130 : memref<80xi32, #tpu.memory_space<vmem>>) semaphore(%arg12 : memref<!tpu.dma_semaphore, #tpu.memory_space<semaphore_mem>>)
      } else {
      }
      %dma_wait3A_41 = arith.constant 0 : i32
      %dma_wait3A_42 = tpu.memref_slice %arg5[%dma_wait3A_41] : memref<1600xi32, #tpu.memory_space<vmem>> -> memref<80xi32, #tpu.memory_space<vmem>>
      %dma_wait3A_43 = arith.constant 0 : i32
      %dma_wait3A_44 = arith.constant 0 : i32
      %dma_wait3A_45 = tpu.memref_slice %arg3[%dma_wait3A_43, %dma_wait3A_44] : memref<100000x128xf32, #tpu.memory_space<hbm>> -> memref<100000x128xf32, #tpu.memory_space<hbm>>
      tpu.wait_indirect_dma semaphore(%arg10 : memref<!tpu.dma_semaphore, #tpu.memory_space<semaphore_mem>>) src(%dma_wait3A_45 : memref<100000x128xf32, #tpu.memory_space<hbm>>) dst(%arg6 : memref<80x128xf32, #tpu.memory_space<vmem>>)
      %mul3A_46 = arith.constant 80 : i32
      %mul3A_47 = arith.muli %add3A_36, %mul3A_46 : i32
      %add3A_48 = arith.addi %mul3A_2, %mul3A_47 : i32
      %dma_start3A_49 = arith.constant 0 : i32
      %dma_start3A_50 = tpu.memref_slice %arg4[%add3A_48, %dma_start3A_49] : memref<51200x128xf32, #tpu.memory_space<hbm>> -> memref<80x128xf32, #tpu.memory_space<hbm>>
      %dma_start3A_51 = arith.constant 0 : i32
      %dma_start3A_52 = tpu.memref_slice %arg4[%add3A_48, %dma_start3A_51] : memref<51200x128xf32, #tpu.memory_space<hbm>> -> memref<80x128xf32, #tpu.memory_space<hbm>>
      tpu.enqueue_dma source(%arg6 : memref<80x128xf32, #tpu.memory_space<vmem>>) target(%dma_start3A_52 : memref<80x128xf32, #tpu.memory_space<hbm>>) target_semaphore(%arg14 : memref<!tpu.dma_semaphore, #tpu.memory_space<semaphore_mem>>)
      %mul3A_53 = arith.constant 4 : i32
      %mul3A_54 = arith.muli %mul3A_53, %scan3A_32 : i32
      %add3A_55 = arith.constant 1 : i32
      %add3A_56 = arith.addi %mul3A_54, %add3A_55 : i32
      %add3A_57 = arith.constant 2 : i32
      %add3A_58 = arith.addi %add3A_56, %add3A_57 : i32
      %lt3A_59 = arith.constant 20 : i32
      %lt3A_60 = arith.cmpi slt, %add3A_58, %lt3A_59 : i32
      %convert_element_type3A_61 = arith.extui %lt3A_60 : i1 to i32
      %cond3A_62 = arith.constant 0 : i32
      %cond3A_63 = arith.cmpi ne, %convert_element_type3A_61, %cond3A_62 : i32
      scf.if %cond3A_63 {
        %ge3A = arith.constant 2 : i32
        %ge3A_122 = arith.cmpi sge, %add3A_56, %ge3A : i32
        %convert_element_type3A_123 = arith.extui %ge3A_122 : i1 to i32
        %cond3A_124 = arith.constant 0 : i32
        %cond3A_125 = arith.cmpi ne, %convert_element_type3A_123, %cond3A_124 : i32
        scf.if %cond3A_125 {
          %dma_wait3A_134 = arith.constant 0 : i32
          %dma_wait3A_135 = tpu.memref_slice %arg4[%mul3A_2, %dma_wait3A_134] : memref<51200x128xf32, #tpu.memory_space<hbm>> -> memref<80x128xf32, #tpu.memory_space<hbm>>
          %dma_wait3A_136 = arith.constant 0 : i32
          %dma_wait3A_137 = tpu.memref_slice %arg4[%mul3A_2, %dma_wait3A_136] : memref<51200x128xf32, #tpu.memory_space<hbm>> -> memref<80x128xf32, #tpu.memory_space<hbm>>
          tpu.wait_dma2 semaphore(%arg17 : memref<!tpu.dma_semaphore, #tpu.memory_space<semaphore_mem>>) src(%arg9 : memref<80x128xf32, #tpu.memory_space<vmem>>) dst(%dma_wait3A_137 : memref<80x128xf32, #tpu.memory_space<hbm>>)
        } else {
        }
        %add3A_126 = arith.constant 2 : i32
        %add3A_127 = arith.addi %add3A_56, %add3A_126 : i32
        %mul3A_128 = arith.constant 80 : i32
        %mul3A_129 = arith.muli %add3A_127, %mul3A_128 : i32
        %dma_start3A_130 = tpu.memref_slice %arg5[%mul3A_129] : memref<1600xi32, #tpu.memory_space<vmem>> -> memref<80xi32, #tpu.memory_space<vmem>>
        %dma_start3A_131 = arith.constant 0 : i32
        %dma_start3A_132 = arith.constant 0 : i32
        %dma_start3A_133 = tpu.memref_slice %arg3[%dma_start3A_131, %dma_start3A_132] : memref<100000x128xf32, #tpu.memory_space<hbm>> -> memref<100000x128xf32, #tpu.memory_space<hbm>>
        tpu.enqueue_indirect_dma source(%dma_start3A_133 : memref<100000x128xf32, #tpu.memory_space<hbm>>) target(%arg9 : memref<80x128xf32, #tpu.memory_space<vmem>>) offsets(%dma_start3A_130 : memref<80xi32, #tpu.memory_space<vmem>>) semaphore(%arg13 : memref<!tpu.dma_semaphore, #tpu.memory_space<semaphore_mem>>)
      } else {
      }
      %dma_wait3A_64 = arith.constant 0 : i32
      %dma_wait3A_65 = tpu.memref_slice %arg5[%dma_wait3A_64] : memref<1600xi32, #tpu.memory_space<vmem>> -> memref<80xi32, #tpu.memory_space<vmem>>
      %dma_wait3A_66 = arith.constant 0 : i32
      %dma_wait3A_67 = arith.constant 0 : i32
      %dma_wait3A_68 = tpu.memref_slice %arg3[%dma_wait3A_66, %dma_wait3A_67] : memref<100000x128xf32, #tpu.memory_space<hbm>> -> memref<100000x128xf32, #tpu.memory_space<hbm>>
      tpu.wait_indirect_dma semaphore(%arg11 : memref<!tpu.dma_semaphore, #tpu.memory_space<semaphore_mem>>) src(%dma_wait3A_68 : memref<100000x128xf32, #tpu.memory_space<hbm>>) dst(%arg7 : memref<80x128xf32, #tpu.memory_space<vmem>>)
      %mul3A_69 = arith.constant 80 : i32
      %mul3A_70 = arith.muli %add3A_56, %mul3A_69 : i32
      %add3A_71 = arith.addi %mul3A_2, %mul3A_70 : i32
      %dma_start3A_72 = arith.constant 0 : i32
      %dma_start3A_73 = tpu.memref_slice %arg4[%add3A_71, %dma_start3A_72] : memref<51200x128xf32, #tpu.memory_space<hbm>> -> memref<80x128xf32, #tpu.memory_space<hbm>>
      %dma_start3A_74 = arith.constant 0 : i32
      %dma_start3A_75 = tpu.memref_slice %arg4[%add3A_71, %dma_start3A_74] : memref<51200x128xf32, #tpu.memory_space<hbm>> -> memref<80x128xf32, #tpu.memory_space<hbm>>
      tpu.enqueue_dma source(%arg7 : memref<80x128xf32, #tpu.memory_space<vmem>>) target(%dma_start3A_75 : memref<80x128xf32, #tpu.memory_space<hbm>>) target_semaphore(%arg15 : memref<!tpu.dma_semaphore, #tpu.memory_space<semaphore_mem>>)
      %mul3A_76 = arith.constant 4 : i32
      %mul3A_77 = arith.muli %mul3A_76, %scan3A_32 : i32
      %add3A_78 = arith.constant 2 : i32
      %add3A_79 = arith.addi %mul3A_77, %add3A_78 : i32
      %add3A_80 = arith.constant 2 : i32
      %add3A_81 = arith.addi %add3A_79, %add3A_80 : i32
      %lt3A_82 = arith.constant 20 : i32
      %lt3A_83 = arith.cmpi slt, %add3A_81, %lt3A_82 : i32
      %convert_element_type3A_84 = arith.extui %lt3A_83 : i1 to i32
      %cond3A_85 = arith.constant 0 : i32
      %cond3A_86 = arith.cmpi ne, %convert_element_type3A_84, %cond3A_85 : i32
      scf.if %cond3A_86 {
        %ge3A = arith.constant 2 : i32
        %ge3A_122 = arith.cmpi sge, %add3A_79, %ge3A : i32
        %convert_element_type3A_123 = arith.extui %ge3A_122 : i1 to i32
        %cond3A_124 = arith.constant 0 : i32
        %cond3A_125 = arith.cmpi ne, %convert_element_type3A_123, %cond3A_124 : i32
        scf.if %cond3A_125 {
          %dma_wait3A_134 = arith.constant 0 : i32
          %dma_wait3A_135 = tpu.memref_slice %arg4[%mul3A_2, %dma_wait3A_134] : memref<51200x128xf32, #tpu.memory_space<hbm>> -> memref<80x128xf32, #tpu.memory_space<hbm>>
          %dma_wait3A_136 = arith.constant 0 : i32
          %dma_wait3A_137 = tpu.memref_slice %arg4[%mul3A_2, %dma_wait3A_136] : memref<51200x128xf32, #tpu.memory_space<hbm>> -> memref<80x128xf32, #tpu.memory_space<hbm>>
          tpu.wait_dma2 semaphore(%arg14 : memref<!tpu.dma_semaphore, #tpu.memory_space<semaphore_mem>>) src(%arg6 : memref<80x128xf32, #tpu.memory_space<vmem>>) dst(%dma_wait3A_137 : memref<80x128xf32, #tpu.memory_space<hbm>>)
        } else {
        }
        %add3A_126 = arith.constant 2 : i32
        %add3A_127 = arith.addi %add3A_79, %add3A_126 : i32
        %mul3A_128 = arith.constant 80 : i32
        %mul3A_129 = arith.muli %add3A_127, %mul3A_128 : i32
        %dma_start3A_130 = tpu.memref_slice %arg5[%mul3A_129] : memref<1600xi32, #tpu.memory_space<vmem>> -> memref<80xi32, #tpu.memory_space<vmem>>
        %dma_start3A_131 = arith.constant 0 : i32
        %dma_start3A_132 = arith.constant 0 : i32
        %dma_start3A_133 = tpu.memref_slice %arg3[%dma_start3A_131, %dma_start3A_132] : memref<100000x128xf32, #tpu.memory_space<hbm>> -> memref<100000x128xf32, #tpu.memory_space<hbm>>
        tpu.enqueue_indirect_dma source(%dma_start3A_133 : memref<100000x128xf32, #tpu.memory_space<hbm>>) target(%arg6 : memref<80x128xf32, #tpu.memory_space<vmem>>) offsets(%dma_start3A_130 : memref<80xi32, #tpu.memory_space<vmem>>) semaphore(%arg10 : memref<!tpu.dma_semaphore, #tpu.memory_space<semaphore_mem>>)
      } else {
      }
      %dma_wait3A_87 = arith.constant 0 : i32
      %dma_wait3A_88 = tpu.memref_slice %arg5[%dma_wait3A_87] : memref<1600xi32, #tpu.memory_space<vmem>> -> memref<80xi32, #tpu.memory_space<vmem>>
      %dma_wait3A_89 = arith.constant 0 : i32
      %dma_wait3A_90 = arith.constant 0 : i32
      %dma_wait3A_91 = tpu.memref_slice %arg3[%dma_wait3A_89, %dma_wait3A_90] : memref<100000x128xf32, #tpu.memory_space<hbm>> -> memref<100000x128xf32, #tpu.memory_space<hbm>>
      tpu.wait_indirect_dma semaphore(%arg12 : memref<!tpu.dma_semaphore, #tpu.memory_space<semaphore_mem>>) src(%dma_wait3A_91 : memref<100000x128xf32, #tpu.memory_space<hbm>>) dst(%arg8 : memref<80x128xf32, #tpu.memory_space<vmem>>)
      %mul3A_92 = arith.constant 80 : i32
      %mul3A_93 = arith.muli %add3A_79, %mul3A_92 : i32
      %add3A_94 = arith.addi %mul3A_2, %mul3A_93 : i32
      %dma_start3A_95 = arith.constant 0 : i32
      %dma_start3A_96 = tpu.memref_slice %arg4[%add3A_94, %dma_start3A_95] : memref<51200x128xf32, #tpu.memory_space<hbm>> -> memref<80x128xf32, #tpu.memory_space<hbm>>
      %dma_start3A_97 = arith.constant 0 : i32
      %dma_start3A_98 = tpu.memref_slice %arg4[%add3A_94, %dma_start3A_97] : memref<51200x128xf32, #tpu.memory_space<hbm>> -> memref<80x128xf32, #tpu.memory_space<hbm>>
      tpu.enqueue_dma source(%arg8 : memref<80x128xf32, #tpu.memory_space<vmem>>) target(%dma_start3A_98 : memref<80x128xf32, #tpu.memory_space<hbm>>) target_semaphore(%arg16 : memref<!tpu.dma_semaphore, #tpu.memory_space<semaphore_mem>>)
      %mul3A_99 = arith.constant 4 : i32
      %mul3A_100 = arith.muli %mul3A_99, %scan3A_32 : i32
      %add3A_101 = arith.constant 3 : i32
      %add3A_102 = arith.addi %mul3A_100, %add3A_101 : i32
      %add3A_103 = arith.constant 2 : i32
      %add3A_104 = arith.addi %add3A_102, %add3A_103 : i32
      %lt3A_105 = arith.constant 20 : i32
      %lt3A_106 = arith.cmpi slt, %add3A_104, %lt3A_105 : i32
      %convert_element_type3A_107 = arith.extui %lt3A_106 : i1 to i32
      %cond3A_108 = arith.constant 0 : i32
      %cond3A_109 = arith.cmpi ne, %convert_element_type3A_107, %cond3A_108 : i32
      scf.if %cond3A_109 {
        %ge3A = arith.constant 2 : i32
        %ge3A_122 = arith.cmpi sge, %add3A_102, %ge3A : i32
        %convert_element_type3A_123 = arith.extui %ge3A_122 : i1 to i32
        %cond3A_124 = arith.constant 0 : i32
        %cond3A_125 = arith.cmpi ne, %convert_element_type3A_123, %cond3A_124 : i32
        scf.if %cond3A_125 {
          %dma_wait3A_134 = arith.constant 0 : i32
          %dma_wait3A_135 = tpu.memref_slice %arg4[%mul3A_2, %dma_wait3A_134] : memref<51200x128xf32, #tpu.memory_space<hbm>> -> memref<80x128xf32, #tpu.memory_space<hbm>>
          %dma_wait3A_136 = arith.constant 0 : i32
          %dma_wait3A_137 = tpu.memref_slice %arg4[%mul3A_2, %dma_wait3A_136] : memref<51200x128xf32, #tpu.memory_space<hbm>> -> memref<80x128xf32, #tpu.memory_space<hbm>>
          tpu.wait_dma2 semaphore(%arg15 : memref<!tpu.dma_semaphore, #tpu.memory_space<semaphore_mem>>) src(%arg7 : memref<80x128xf32, #tpu.memory_space<vmem>>) dst(%dma_wait3A_137 : memref<80x128xf32, #tpu.memory_space<hbm>>)
        } else {
        }
        %add3A_126 = arith.constant 2 : i32
        %add3A_127 = arith.addi %add3A_102, %add3A_126 : i32
        %mul3A_128 = arith.constant 80 : i32
        %mul3A_129 = arith.muli %add3A_127, %mul3A_128 : i32
        %dma_start3A_130 = tpu.memref_slice %arg5[%mul3A_129] : memref<1600xi32, #tpu.memory_space<vmem>> -> memref<80xi32, #tpu.memory_space<vmem>>
        %dma_start3A_131 = arith.constant 0 : i32
        %dma_start3A_132 = arith.constant 0 : i32
        %dma_start3A_133 = tpu.memref_slice %arg3[%dma_start3A_131, %dma_start3A_132] : memref<100000x128xf32, #tpu.memory_space<hbm>> -> memref<100000x128xf32, #tpu.memory_space<hbm>>
        tpu.enqueue_indirect_dma source(%dma_start3A_133 : memref<100000x128xf32, #tpu.memory_space<hbm>>) target(%arg7 : memref<80x128xf32, #tpu.memory_space<vmem>>) offsets(%dma_start3A_130 : memref<80xi32, #tpu.memory_space<vmem>>) semaphore(%arg11 : memref<!tpu.dma_semaphore, #tpu.memory_space<semaphore_mem>>)
      } else {
      }
      %dma_wait3A_110 = arith.constant 0 : i32
      %dma_wait3A_111 = tpu.memref_slice %arg5[%dma_wait3A_110] : memref<1600xi32, #tpu.memory_space<vmem>> -> memref<80xi32, #tpu.memory_space<vmem>>
      %dma_wait3A_112 = arith.constant 0 : i32
      %dma_wait3A_113 = arith.constant 0 : i32
      %dma_wait3A_114 = tpu.memref_slice %arg3[%dma_wait3A_112, %dma_wait3A_113] : memref<100000x128xf32, #tpu.memory_space<hbm>> -> memref<100000x128xf32, #tpu.memory_space<hbm>>
      tpu.wait_indirect_dma semaphore(%arg13 : memref<!tpu.dma_semaphore, #tpu.memory_space<semaphore_mem>>) src(%dma_wait3A_114 : memref<100000x128xf32, #tpu.memory_space<hbm>>) dst(%arg9 : memref<80x128xf32, #tpu.memory_space<vmem>>)
      %mul3A_115 = arith.constant 80 : i32
      %mul3A_116 = arith.muli %add3A_102, %mul3A_115 : i32
      %add3A_117 = arith.addi %mul3A_2, %mul3A_116 : i32
      %dma_start3A_118 = arith.constant 0 : i32
      %dma_start3A_119 = tpu.memref_slice %arg4[%add3A_117, %dma_start3A_118] : memref<51200x128xf32, #tpu.memory_space<hbm>> -> memref<80x128xf32, #tpu.memory_space<hbm>>
      %dma_start3A_120 = arith.constant 0 : i32
      %dma_start3A_121 = tpu.memref_slice %arg4[%add3A_117, %dma_start3A_120] : memref<51200x128xf32, #tpu.memory_space<hbm>> -> memref<80x128xf32, #tpu.memory_space<hbm>>
      tpu.enqueue_dma source(%arg9 : memref<80x128xf32, #tpu.memory_space<vmem>>) target(%dma_start3A_121 : memref<80x128xf32, #tpu.memory_space<hbm>>) target_semaphore(%arg17 : memref<!tpu.dma_semaphore, #tpu.memory_space<semaphore_mem>>)
    }
    %scan3A_16 = arith.constant 5 : i32
    %dma_wait3A = arith.constant 0 : i32
    %dma_wait3A_17 = tpu.memref_slice %arg4[%mul3A_2, %dma_wait3A] : memref<51200x128xf32, #tpu.memory_space<hbm>> -> memref<80x128xf32, #tpu.memory_space<hbm>>
    %dma_wait3A_18 = arith.constant 0 : i32
    %dma_wait3A_19 = tpu.memref_slice %arg4[%mul3A_2, %dma_wait3A_18] : memref<51200x128xf32, #tpu.memory_space<hbm>> -> memref<80x128xf32, #tpu.memory_space<hbm>>
    tpu.wait_dma2 semaphore(%arg14 : memref<!tpu.dma_semaphore, #tpu.memory_space<semaphore_mem>>) src(%arg6 : memref<80x128xf32, #tpu.memory_space<vmem>>) dst(%dma_wait3A_19 : memref<80x128xf32, #tpu.memory_space<hbm>>)
    %dma_wait3A_20 = arith.constant 0 : i32
    %dma_wait3A_21 = tpu.memref_slice %arg4[%mul3A_2, %dma_wait3A_20] : memref<51200x128xf32, #tpu.memory_space<hbm>> -> memref<80x128xf32, #tpu.memory_space<hbm>>
    %dma_wait3A_22 = arith.constant 0 : i32
    %dma_wait3A_23 = tpu.memref_slice %arg4[%mul3A_2, %dma_wait3A_22] : memref<51200x128xf32, #tpu.memory_space<hbm>> -> memref<80x128xf32, #tpu.memory_space<hbm>>
    tpu.wait_dma2 semaphore(%arg15 : memref<!tpu.dma_semaphore, #tpu.memory_space<semaphore_mem>>) src(%arg7 : memref<80x128xf32, #tpu.memory_space<vmem>>) dst(%dma_wait3A_23 : memref<80x128xf32, #tpu.memory_space<hbm>>)
    %dma_wait3A_24 = arith.constant 0 : i32
    %dma_wait3A_25 = tpu.memref_slice %arg4[%mul3A_2, %dma_wait3A_24] : memref<51200x128xf32, #tpu.memory_space<hbm>> -> memref<80x128xf32, #tpu.memory_space<hbm>>
    %dma_wait3A_26 = arith.constant 0 : i32
    %dma_wait3A_27 = tpu.memref_slice %arg4[%mul3A_2, %dma_wait3A_26] : memref<51200x128xf32, #tpu.memory_space<hbm>> -> memref<80x128xf32, #tpu.memory_space<hbm>>
    tpu.wait_dma2 semaphore(%arg16 : memref<!tpu.dma_semaphore, #tpu.memory_space<semaphore_mem>>) src(%arg8 : memref<80x128xf32, #tpu.memory_space<vmem>>) dst(%dma_wait3A_27 : memref<80x128xf32, #tpu.memory_space<hbm>>)
    %dma_wait3A_28 = arith.constant 0 : i32
    %dma_wait3A_29 = tpu.memref_slice %arg4[%mul3A_2, %dma_wait3A_28] : memref<51200x128xf32, #tpu.memory_space<hbm>> -> memref<80x128xf32, #tpu.memory_space<hbm>>
    %dma_wait3A_30 = arith.constant 0 : i32
    %dma_wait3A_31 = tpu.memref_slice %arg4[%mul3A_2, %dma_wait3A_30] : memref<51200x128xf32, #tpu.memory_space<hbm>> -> memref<80x128xf32, #tpu.memory_space<hbm>>
    tpu.wait_dma2 semaphore(%arg17 : memref<!tpu.dma_semaphore, #tpu.memory_space<semaphore_mem>>) src(%arg9 : memref<80x128xf32, #tpu.memory_space<vmem>>) dst(%dma_wait3A_31 : memref<80x128xf32, #tpu.memory_space<hbm>>)
    return
  }
}

#map = affine_map<(d0, d1) -> (0)>
#map1 = affine_map<(d0, d1) -> (0, 0)>
module attributes {stable_mosaic.version = 14 : i64} {
  func.func @_sc_body(%arg0: i32, %arg1: i32, %arg2: memref<51200xi32, #tpu.memory_space<hbm>>, %arg3: memref<100000x128xf32, #tpu.memory_space<hbm>>, %arg4: memref<51200x128xf32, #tpu.memory_space<hbm>>, %arg5: memref<1600xi32, #tpu.memory_space<vmem>>, %arg6: memref<80x128xf32, #tpu.memory_space<vmem>>, %arg7: memref<80x128xf32, #tpu.memory_space<vmem>>, %arg8: memref<80x128xf32, #tpu.memory_space<vmem>>, %arg9: memref<80x128xf32, #tpu.memory_space<vmem>>, %arg10: memref<!tpu.dma_semaphore, #tpu.memory_space<semaphore_mem>>, %arg11: memref<!tpu.dma_semaphore, #tpu.memory_space<semaphore_mem>>, %arg12: memref<!tpu.dma_semaphore, #tpu.memory_space<semaphore_mem>>, %arg13: memref<!tpu.dma_semaphore, #tpu.memory_space<semaphore_mem>>, %arg14: memref<!tpu.dma_semaphore, #tpu.memory_space<semaphore_mem>>, %arg15: memref<!tpu.dma_semaphore, #tpu.memory_space<semaphore_mem>>, %arg16: memref<!tpu.dma_semaphore, #tpu.memory_space<semaphore_mem>>, %arg17: memref<!tpu.dma_semaphore, #tpu.memory_space<semaphore_mem>>) attributes {dimension_semantics = [#tpu.dimension_semantics<core_parallel>, #tpu.dimension_semantics<subcore_parallel>], iteration_bounds = array<i64: 2, 16>, scalar_prefetch = 0 : i64, scratch_operands = 13 : i64, tpu.core_type = #tpu.core_type<sc_vector_subcore>, window_params = [{transform_indices = #map}, {transform_indices = #map1}, {transform_indices = #map1}]} {
    %mul3A = arith.constant 2 : i32
    %mul3A_0 = arith.muli %arg1, %mul3A : i32
    %add3A = arith.addi %mul3A_0, %arg0 : i32
    %mul3A_1 = arith.constant 1600 : i32
    %mul3A_2 = arith.muli %add3A, %mul3A_1 : i32
    "tpu.region"() ({
      %run_scoped3A = tpu.sem_alloc : memref<!tpu.dma_semaphore, #tpu.memory_space<semaphore_mem>>
      %dma_start3A_32 = tpu.memref_slice %arg2[%mul3A_2] : memref<51200xi32, #tpu.memory_space<hbm>> -> memref<1600xi32, #tpu.memory_space<hbm>>
      %dma_start3A_33 = tpu.memref_slice %arg2[%mul3A_2] : memref<51200xi32, #tpu.memory_space<hbm>> -> memref<1600xi32, #tpu.memory_space<hbm>>
      tpu.enqueue_dma source(%dma_start3A_33 : memref<1600xi32, #tpu.memory_space<hbm>>) target(%arg5 : memref<1600xi32, #tpu.memory_space<vmem>>) target_semaphore(%run_scoped3A : memref<!tpu.dma_semaphore, #tpu.memory_space<semaphore_mem>>)
      %dma_wait3A_34 = tpu.memref_slice %arg2[%mul3A_2] : memref<51200xi32, #tpu.memory_space<hbm>> -> memref<1600xi32, #tpu.memory_space<hbm>>
      %dma_wait3A_35 = tpu.memref_slice %arg2[%mul3A_2] : memref<51200xi32, #tpu.memory_space<hbm>> -> memref<1600xi32, #tpu.memory_space<hbm>>
      tpu.wait_dma2 semaphore(%run_scoped3A : memref<!tpu.dma_semaphore, #tpu.memory_space<semaphore_mem>>) src(%dma_wait3A_35 : memref<1600xi32, #tpu.memory_space<hbm>>) dst(%arg5 : memref<1600xi32, #tpu.memory_space<vmem>>)
      tpu.yield
    }) : () -> ()
    %dma_start3A = arith.constant 0 : i32
    %dma_start3A_3 = tpu.memref_slice %arg5[%dma_start3A] : memref<1600xi32, #tpu.memory_space<vmem>> -> memref<80xi32, #tpu.memory_space<vmem>>
    %dma_start3A_4 = arith.constant 0 : i32
    %dma_start3A_5 = arith.constant 0 : i32
    %dma_start3A_6 = tpu.memref_slice %arg3[%dma_start3A_4, %dma_start3A_5] : memref<100000x128xf32, #tpu.memory_space<hbm>> -> memref<100000x128xf32, #tpu.memory_space<hbm>>
    tpu.enqueue_indirect_dma source(%dma_start3A_6 : memref<100000x128xf32, #tpu.memory_space<hbm>>) target(%arg6 : memref<80x128xf32, #tpu.memory_space<vmem>>) offsets(%dma_start3A_3 : memref<80xi32, #tpu.memory_space<vmem>>) semaphore(%arg10 : memref<!tpu.dma_semaphore, #tpu.memory_space<semaphore_mem>>)
    %dma_start3A_7 = arith.constant 80 : i32
    %dma_start3A_8 = tpu.memref_slice %arg5[%dma_start3A_7] : memref<1600xi32, #tpu.memory_space<vmem>> -> memref<80xi32, #tpu.memory_space<vmem>>
    %dma_start3A_9 = arith.constant 0 : i32
    %dma_start3A_10 = arith.constant 0 : i32
    %dma_start3A_11 = tpu.memref_slice %arg3[%dma_start3A_9, %dma_start3A_10] : memref<100000x128xf32, #tpu.memory_space<hbm>> -> memref<100000x128xf32, #tpu.memory_space<hbm>>
    tpu.enqueue_indirect_dma source(%dma_start3A_11 : memref<100000x128xf32, #tpu.memory_space<hbm>>) target(%arg7 : memref<80x128xf32, #tpu.memory_space<vmem>>) offsets(%dma_start3A_8 : memref<80xi32, #tpu.memory_space<vmem>>) semaphore(%arg11 : memref<!tpu.dma_semaphore, #tpu.memory_space<semaphore_mem>>)
    %scan3A = arith.constant 0 : i32
    %scan3A_12 = arith.constant 0 : i32
    %scan3A_13 = arith.constant 5 : i32
    %scan3A_14 = arith.addi %scan3A_12, %scan3A_13 : i32
    %scan3A_15 = arith.constant 1 : i32
    scf.for %scan3A_32 = %scan3A_12 to %scan3A_14 step %scan3A_15  : i32 {
      %mul3A_33 = arith.constant 4 : i32
      %mul3A_34 = arith.muli %mul3A_33, %scan3A_32 : i32
      %add3A_35 = arith.constant 0 : i32
      %add3A_36 = arith.addi %mul3A_34, %add3A_35 : i32
      %add3A_37 = arith.constant 2 : i32
      %add3A_38 = arith.addi %add3A_36, %add3A_37 : i32
      %lt3A = arith.constant 20 : i32
      %lt3A_39 = arith.cmpi slt, %add3A_38, %lt3A : i32
      %convert_element_type3A = arith.extui %lt3A_39 : i1 to i32
      %cond3A = arith.constant 0 : i32
      %cond3A_40 = arith.cmpi ne, %convert_element_type3A, %cond3A : i32
      scf.if %cond3A_40 {
        %ge3A = arith.constant 2 : i32
        %ge3A_122 = arith.cmpi sge, %add3A_36, %ge3A : i32
        %convert_element_type3A_123 = arith.extui %ge3A_122 : i1 to i32
        %cond3A_124 = arith.constant 0 : i32
        %cond3A_125 = arith.cmpi ne, %convert_element_type3A_123, %cond3A_124 : i32
        scf.if %cond3A_125 {
          %dma_wait3A_134 = arith.constant 0 : i32
          %dma_wait3A_135 = tpu.memref_slice %arg4[%mul3A_2, %dma_wait3A_134] : memref<51200x128xf32, #tpu.memory_space<hbm>> -> memref<80x128xf32, #tpu.memory_space<hbm>>
          %dma_wait3A_136 = arith.constant 0 : i32
          %dma_wait3A_137 = tpu.memref_slice %arg4[%mul3A_2, %dma_wait3A_136] : memref<51200x128xf32, #tpu.memory_space<hbm>> -> memref<80x128xf32, #tpu.memory_space<hbm>>
          tpu.wait_dma2 semaphore(%arg16 : memref<!tpu.dma_semaphore, #tpu.memory_space<semaphore_mem>>) src(%arg8 : memref<80x128xf32, #tpu.memory_space<vmem>>) dst(%dma_wait3A_137 : memref<80x128xf32, #tpu.memory_space<hbm>>)
        } else {
        }
        %add3A_126 = arith.constant 2 : i32
        %add3A_127 = arith.addi %add3A_36, %add3A_126 : i32
        %mul3A_128 = arith.constant 80 : i32
        %mul3A_129 = arith.muli %add3A_127, %mul3A_128 : i32
        %dma_start3A_130 = tpu.memref_slice %arg5[%mul3A_129] : memref<1600xi32, #tpu.memory_space<vmem>> -> memref<80xi32, #tpu.memory_space<vmem>>
        %dma_start3A_131 = arith.constant 0 : i32
        %dma_start3A_132 = arith.constant 0 : i32
        %dma_start3A_133 = tpu.memref_slice %arg3[%dma_start3A_131, %dma_start3A_132] : memref<100000x128xf32, #tpu.memory_space<hbm>> -> memref<100000x128xf32, #tpu.memory_space<hbm>>
        tpu.enqueue_indirect_dma source(%dma_start3A_133 : memref<100000x128xf32, #tpu.memory_space<hbm>>) target(%arg8 : memref<80x128xf32, #tpu.memory_space<vmem>>) offsets(%dma_start3A_130 : memref<80xi32, #tpu.memory_space<vmem>>) semaphore(%arg12 : memref<!tpu.dma_semaphore, #tpu.memory_space<semaphore_mem>>)
      } else {
      }
      %dma_wait3A_41 = arith.constant 0 : i32
      %dma_wait3A_42 = tpu.memref_slice %arg5[%dma_wait3A_41] : memref<1600xi32, #tpu.memory_space<vmem>> -> memref<80xi32, #tpu.memory_space<vmem>>
      %dma_wait3A_43 = arith.constant 0 : i32
      %dma_wait3A_44 = arith.constant 0 : i32
      %dma_wait3A_45 = tpu.memref_slice %arg3[%dma_wait3A_43, %dma_wait3A_44] : memref<100000x128xf32, #tpu.memory_space<hbm>> -> memref<100000x128xf32, #tpu.memory_space<hbm>>
      tpu.wait_indirect_dma semaphore(%arg10 : memref<!tpu.dma_semaphore, #tpu.memory_space<semaphore_mem>>) src(%dma_wait3A_45 : memref<100000x128xf32, #tpu.memory_space<hbm>>) dst(%arg6 : memref<80x128xf32, #tpu.memory_space<vmem>>)
      %mul3A_46 = arith.constant 80 : i32
      %mul3A_47 = arith.muli %add3A_36, %mul3A_46 : i32
      %add3A_48 = arith.addi %mul3A_2, %mul3A_47 : i32
      %dma_start3A_49 = arith.constant 0 : i32
      %dma_start3A_50 = tpu.memref_slice %arg4[%add3A_48, %dma_start3A_49] : memref<51200x128xf32, #tpu.memory_space<hbm>> -> memref<80x128xf32, #tpu.memory_space<hbm>>
      %dma_start3A_51 = arith.constant 0 : i32
      %dma_start3A_52 = tpu.memref_slice %arg4[%add3A_48, %dma_start3A_51] : memref<51200x128xf32, #tpu.memory_space<hbm>> -> memref<80x128xf32, #tpu.memory_space<hbm>>
      tpu.enqueue_dma source(%arg6 : memref<80x128xf32, #tpu.memory_space<vmem>>) target(%dma_start3A_52 : memref<80x128xf32, #tpu.memory_space<hbm>>) target_semaphore(%arg14 : memref<!tpu.dma_semaphore, #tpu.memory_space<semaphore_mem>>)
      %mul3A_53 = arith.constant 4 : i32
      %mul3A_54 = arith.muli %mul3A_53, %scan3A_32 : i32
      %add3A_55 = arith.constant 1 : i32
      %add3A_56 = arith.addi %mul3A_54, %add3A_55 : i32
      %add3A_57 = arith.constant 2 : i32
      %add3A_58 = arith.addi %add3A_56, %add3A_57 : i32
      %lt3A_59 = arith.constant 20 : i32
      %lt3A_60 = arith.cmpi slt, %add3A_58, %lt3A_59 : i32
      %convert_element_type3A_61 = arith.extui %lt3A_60 : i1 to i32
      %cond3A_62 = arith.constant 0 : i32
      %cond3A_63 = arith.cmpi ne, %convert_element_type3A_61, %cond3A_62 : i32
      scf.if %cond3A_63 {
        %ge3A = arith.constant 2 : i32
        %ge3A_122 = arith.cmpi sge, %add3A_56, %ge3A : i32
        %convert_element_type3A_123 = arith.extui %ge3A_122 : i1 to i32
        %cond3A_124 = arith.constant 0 : i32
        %cond3A_125 = arith.cmpi ne, %convert_element_type3A_123, %cond3A_124 : i32
        scf.if %cond3A_125 {
          %dma_wait3A_134 = arith.constant 0 : i32
          %dma_wait3A_135 = tpu.memref_slice %arg4[%mul3A_2, %dma_wait3A_134] : memref<51200x128xf32, #tpu.memory_space<hbm>> -> memref<80x128xf32, #tpu.memory_space<hbm>>
          %dma_wait3A_136 = arith.constant 0 : i32
          %dma_wait3A_137 = tpu.memref_slice %arg4[%mul3A_2, %dma_wait3A_136] : memref<51200x128xf32, #tpu.memory_space<hbm>> -> memref<80x128xf32, #tpu.memory_space<hbm>>
          tpu.wait_dma2 semaphore(%arg17 : memref<!tpu.dma_semaphore, #tpu.memory_space<semaphore_mem>>) src(%arg9 : memref<80x128xf32, #tpu.memory_space<vmem>>) dst(%dma_wait3A_137 : memref<80x128xf32, #tpu.memory_space<hbm>>)
        } else {
        }
        %add3A_126 = arith.constant 2 : i32
        %add3A_127 = arith.addi %add3A_56, %add3A_126 : i32
        %mul3A_128 = arith.constant 80 : i32
        %mul3A_129 = arith.muli %add3A_127, %mul3A_128 : i32
        %dma_start3A_130 = tpu.memref_slice %arg5[%mul3A_129] : memref<1600xi32, #tpu.memory_space<vmem>> -> memref<80xi32, #tpu.memory_space<vmem>>
        %dma_start3A_131 = arith.constant 0 : i32
        %dma_start3A_132 = arith.constant 0 : i32
        %dma_start3A_133 = tpu.memref_slice %arg3[%dma_start3A_131, %dma_start3A_132] : memref<100000x128xf32, #tpu.memory_space<hbm>> -> memref<100000x128xf32, #tpu.memory_space<hbm>>
        tpu.enqueue_indirect_dma source(%dma_start3A_133 : memref<100000x128xf32, #tpu.memory_space<hbm>>) target(%arg9 : memref<80x128xf32, #tpu.memory_space<vmem>>) offsets(%dma_start3A_130 : memref<80xi32, #tpu.memory_space<vmem>>) semaphore(%arg13 : memref<!tpu.dma_semaphore, #tpu.memory_space<semaphore_mem>>)
      } else {
      }
      %dma_wait3A_64 = arith.constant 0 : i32
      %dma_wait3A_65 = tpu.memref_slice %arg5[%dma_wait3A_64] : memref<1600xi32, #tpu.memory_space<vmem>> -> memref<80xi32, #tpu.memory_space<vmem>>
      %dma_wait3A_66 = arith.constant 0 : i32
      %dma_wait3A_67 = arith.constant 0 : i32
      %dma_wait3A_68 = tpu.memref_slice %arg3[%dma_wait3A_66, %dma_wait3A_67] : memref<100000x128xf32, #tpu.memory_space<hbm>> -> memref<100000x128xf32, #tpu.memory_space<hbm>>
      tpu.wait_indirect_dma semaphore(%arg11 : memref<!tpu.dma_semaphore, #tpu.memory_space<semaphore_mem>>) src(%dma_wait3A_68 : memref<100000x128xf32, #tpu.memory_space<hbm>>) dst(%arg7 : memref<80x128xf32, #tpu.memory_space<vmem>>)
      %mul3A_69 = arith.constant 80 : i32
      %mul3A_70 = arith.muli %add3A_56, %mul3A_69 : i32
      %add3A_71 = arith.addi %mul3A_2, %mul3A_70 : i32
      %dma_start3A_72 = arith.constant 0 : i32
      %dma_start3A_73 = tpu.memref_slice %arg4[%add3A_71, %dma_start3A_72] : memref<51200x128xf32, #tpu.memory_space<hbm>> -> memref<80x128xf32, #tpu.memory_space<hbm>>
      %dma_start3A_74 = arith.constant 0 : i32
      %dma_start3A_75 = tpu.memref_slice %arg4[%add3A_71, %dma_start3A_74] : memref<51200x128xf32, #tpu.memory_space<hbm>> -> memref<80x128xf32, #tpu.memory_space<hbm>>
      tpu.enqueue_dma source(%arg7 : memref<80x128xf32, #tpu.memory_space<vmem>>) target(%dma_start3A_75 : memref<80x128xf32, #tpu.memory_space<hbm>>) target_semaphore(%arg15 : memref<!tpu.dma_semaphore, #tpu.memory_space<semaphore_mem>>)
      %mul3A_76 = arith.constant 4 : i32
      %mul3A_77 = arith.muli %mul3A_76, %scan3A_32 : i32
      %add3A_78 = arith.constant 2 : i32
      %add3A_79 = arith.addi %mul3A_77, %add3A_78 : i32
      %add3A_80 = arith.constant 2 : i32
      %add3A_81 = arith.addi %add3A_79, %add3A_80 : i32
      %lt3A_82 = arith.constant 20 : i32
      %lt3A_83 = arith.cmpi slt, %add3A_81, %lt3A_82 : i32
      %convert_element_type3A_84 = arith.extui %lt3A_83 : i1 to i32
      %cond3A_85 = arith.constant 0 : i32
      %cond3A_86 = arith.cmpi ne, %convert_element_type3A_84, %cond3A_85 : i32
      scf.if %cond3A_86 {
        %ge3A = arith.constant 2 : i32
        %ge3A_122 = arith.cmpi sge, %add3A_79, %ge3A : i32
        %convert_element_type3A_123 = arith.extui %ge3A_122 : i1 to i32
        %cond3A_124 = arith.constant 0 : i32
        %cond3A_125 = arith.cmpi ne, %convert_element_type3A_123, %cond3A_124 : i32
        scf.if %cond3A_125 {
          %dma_wait3A_134 = arith.constant 0 : i32
          %dma_wait3A_135 = tpu.memref_slice %arg4[%mul3A_2, %dma_wait3A_134] : memref<51200x128xf32, #tpu.memory_space<hbm>> -> memref<80x128xf32, #tpu.memory_space<hbm>>
          %dma_wait3A_136 = arith.constant 0 : i32
          %dma_wait3A_137 = tpu.memref_slice %arg4[%mul3A_2, %dma_wait3A_136] : memref<51200x128xf32, #tpu.memory_space<hbm>> -> memref<80x128xf32, #tpu.memory_space<hbm>>
          tpu.wait_dma2 semaphore(%arg14 : memref<!tpu.dma_semaphore, #tpu.memory_space<semaphore_mem>>) src(%arg6 : memref<80x128xf32, #tpu.memory_space<vmem>>) dst(%dma_wait3A_137 : memref<80x128xf32, #tpu.memory_space<hbm>>)
        } else {
        }
        %add3A_126 = arith.constant 2 : i32
        %add3A_127 = arith.addi %add3A_79, %add3A_126 : i32
        %mul3A_128 = arith.constant 80 : i32
        %mul3A_129 = arith.muli %add3A_127, %mul3A_128 : i32
        %dma_start3A_130 = tpu.memref_slice %arg5[%mul3A_129] : memref<1600xi32, #tpu.memory_space<vmem>> -> memref<80xi32, #tpu.memory_space<vmem>>
        %dma_start3A_131 = arith.constant 0 : i32
        %dma_start3A_132 = arith.constant 0 : i32
        %dma_start3A_133 = tpu.memref_slice %arg3[%dma_start3A_131, %dma_start3A_132] : memref<100000x128xf32, #tpu.memory_space<hbm>> -> memref<100000x128xf32, #tpu.memory_space<hbm>>
        tpu.enqueue_indirect_dma source(%dma_start3A_133 : memref<100000x128xf32, #tpu.memory_space<hbm>>) target(%arg6 : memref<80x128xf32, #tpu.memory_space<vmem>>) offsets(%dma_start3A_130 : memref<80xi32, #tpu.memory_space<vmem>>) semaphore(%arg10 : memref<!tpu.dma_semaphore, #tpu.memory_space<semaphore_mem>>)
      } else {
      }
      %dma_wait3A_87 = arith.constant 0 : i32
      %dma_wait3A_88 = tpu.memref_slice %arg5[%dma_wait3A_87] : memref<1600xi32, #tpu.memory_space<vmem>> -> memref<80xi32, #tpu.memory_space<vmem>>
      %dma_wait3A_89 = arith.constant 0 : i32
      %dma_wait3A_90 = arith.constant 0 : i32
      %dma_wait3A_91 = tpu.memref_slice %arg3[%dma_wait3A_89, %dma_wait3A_90] : memref<100000x128xf32, #tpu.memory_space<hbm>> -> memref<100000x128xf32, #tpu.memory_space<hbm>>
      tpu.wait_indirect_dma semaphore(%arg12 : memref<!tpu.dma_semaphore, #tpu.memory_space<semaphore_mem>>) src(%dma_wait3A_91 : memref<100000x128xf32, #tpu.memory_space<hbm>>) dst(%arg8 : memref<80x128xf32, #tpu.memory_space<vmem>>)
      %mul3A_92 = arith.constant 80 : i32
      %mul3A_93 = arith.muli %add3A_79, %mul3A_92 : i32
      %add3A_94 = arith.addi %mul3A_2, %mul3A_93 : i32
      %dma_start3A_95 = arith.constant 0 : i32
      %dma_start3A_96 = tpu.memref_slice %arg4[%add3A_94, %dma_start3A_95] : memref<51200x128xf32, #tpu.memory_space<hbm>> -> memref<80x128xf32, #tpu.memory_space<hbm>>
      %dma_start3A_97 = arith.constant 0 : i32
      %dma_start3A_98 = tpu.memref_slice %arg4[%add3A_94, %dma_start3A_97] : memref<51200x128xf32, #tpu.memory_space<hbm>> -> memref<80x128xf32, #tpu.memory_space<hbm>>
      tpu.enqueue_dma source(%arg8 : memref<80x128xf32, #tpu.memory_space<vmem>>) target(%dma_start3A_98 : memref<80x128xf32, #tpu.memory_space<hbm>>) target_semaphore(%arg16 : memref<!tpu.dma_semaphore, #tpu.memory_space<semaphore_mem>>)
      %mul3A_99 = arith.constant 4 : i32
      %mul3A_100 = arith.muli %mul3A_99, %scan3A_32 : i32
      %add3A_101 = arith.constant 3 : i32
      %add3A_102 = arith.addi %mul3A_100, %add3A_101 : i32
      %add3A_103 = arith.constant 2 : i32
      %add3A_104 = arith.addi %add3A_102, %add3A_103 : i32
      %lt3A_105 = arith.constant 20 : i32
      %lt3A_106 = arith.cmpi slt, %add3A_104, %lt3A_105 : i32
      %convert_element_type3A_107 = arith.extui %lt3A_106 : i1 to i32
      %cond3A_108 = arith.constant 0 : i32
      %cond3A_109 = arith.cmpi ne, %convert_element_type3A_107, %cond3A_108 : i32
      scf.if %cond3A_109 {
        %ge3A = arith.constant 2 : i32
        %ge3A_122 = arith.cmpi sge, %add3A_102, %ge3A : i32
        %convert_element_type3A_123 = arith.extui %ge3A_122 : i1 to i32
        %cond3A_124 = arith.constant 0 : i32
        %cond3A_125 = arith.cmpi ne, %convert_element_type3A_123, %cond3A_124 : i32
        scf.if %cond3A_125 {
          %dma_wait3A_134 = arith.constant 0 : i32
          %dma_wait3A_135 = tpu.memref_slice %arg4[%mul3A_2, %dma_wait3A_134] : memref<51200x128xf32, #tpu.memory_space<hbm>> -> memref<80x128xf32, #tpu.memory_space<hbm>>
          %dma_wait3A_136 = arith.constant 0 : i32
          %dma_wait3A_137 = tpu.memref_slice %arg4[%mul3A_2, %dma_wait3A_136] : memref<51200x128xf32, #tpu.memory_space<hbm>> -> memref<80x128xf32, #tpu.memory_space<hbm>>
          tpu.wait_dma2 semaphore(%arg15 : memref<!tpu.dma_semaphore, #tpu.memory_space<semaphore_mem>>) src(%arg7 : memref<80x128xf32, #tpu.memory_space<vmem>>) dst(%dma_wait3A_137 : memref<80x128xf32, #tpu.memory_space<hbm>>)
        } else {
        }
        %add3A_126 = arith.constant 2 : i32
        %add3A_127 = arith.addi %add3A_102, %add3A_126 : i32
        %mul3A_128 = arith.constant 80 : i32
        %mul3A_129 = arith.muli %add3A_127, %mul3A_128 : i32
        %dma_start3A_130 = tpu.memref_slice %arg5[%mul3A_129] : memref<1600xi32, #tpu.memory_space<vmem>> -> memref<80xi32, #tpu.memory_space<vmem>>
        %dma_start3A_131 = arith.constant 0 : i32
        %dma_start3A_132 = arith.constant 0 : i32
        %dma_start3A_133 = tpu.memref_slice %arg3[%dma_start3A_131, %dma_start3A_132] : memref<100000x128xf32, #tpu.memory_space<hbm>> -> memref<100000x128xf32, #tpu.memory_space<hbm>>
        tpu.enqueue_indirect_dma source(%dma_start3A_133 : memref<100000x128xf32, #tpu.memory_space<hbm>>) target(%arg7 : memref<80x128xf32, #tpu.memory_space<vmem>>) offsets(%dma_start3A_130 : memref<80xi32, #tpu.memory_space<vmem>>) semaphore(%arg11 : memref<!tpu.dma_semaphore, #tpu.memory_space<semaphore_mem>>)
      } else {
      }
      %dma_wait3A_110 = arith.constant 0 : i32
      %dma_wait3A_111 = tpu.memref_slice %arg5[%dma_wait3A_110] : memref<1600xi32, #tpu.memory_space<vmem>> -> memref<80xi32, #tpu.memory_space<vmem>>
      %dma_wait3A_112 = arith.constant 0 : i32
      %dma_wait3A_113 = arith.constant 0 : i32
      %dma_wait3A_114 = tpu.memref_slice %arg3[%dma_wait3A_112, %dma_wait3A_113] : memref<100000x128xf32, #tpu.memory_space<hbm>> -> memref<100000x128xf32, #tpu.memory_space<hbm>>
      tpu.wait_indirect_dma semaphore(%arg13 : memref<!tpu.dma_semaphore, #tpu.memory_space<semaphore_mem>>) src(%dma_wait3A_114 : memref<100000x128xf32, #tpu.memory_space<hbm>>) dst(%arg9 : memref<80x128xf32, #tpu.memory_space<vmem>>)
      %mul3A_115 = arith.constant 80 : i32
      %mul3A_116 = arith.muli %add3A_102, %mul3A_115 : i32
      %add3A_117 = arith.addi %mul3A_2, %mul3A_116 : i32
      %dma_start3A_118 = arith.constant 0 : i32
      %dma_start3A_119 = tpu.memref_slice %arg4[%add3A_117, %dma_start3A_118] : memref<51200x128xf32, #tpu.memory_space<hbm>> -> memref<80x128xf32, #tpu.memory_space<hbm>>
      %dma_start3A_120 = arith.constant 0 : i32
      %dma_start3A_121 = tpu.memref_slice %arg4[%add3A_117, %dma_start3A_120] : memref<51200x128xf32, #tpu.memory_space<hbm>> -> memref<80x128xf32, #tpu.memory_space<hbm>>
      tpu.enqueue_dma source(%arg9 : memref<80x128xf32, #tpu.memory_space<vmem>>) target(%dma_start3A_121 : memref<80x128xf32, #tpu.memory_space<hbm>>) target_semaphore(%arg17 : memref<!tpu.dma_semaphore, #tpu.memory_space<semaphore_mem>>)
    }
    %scan3A_16 = arith.constant 5 : i32
    %dma_wait3A = arith.constant 0 : i32
    %dma_wait3A_17 = tpu.memref_slice %arg4[%mul3A_2, %dma_wait3A] : memref<51200x128xf32, #tpu.memory_space<hbm>> -> memref<80x128xf32, #tpu.memory_space<hbm>>
    %dma_wait3A_18 = arith.constant 0 : i32
    %dma_wait3A_19 = tpu.memref_slice %arg4[%mul3A_2, %dma_wait3A_18] : memref<51200x128xf32, #tpu.memory_space<hbm>> -> memref<80x128xf32, #tpu.memory_space<hbm>>
    tpu.wait_dma2 semaphore(%arg14 : memref<!tpu.dma_semaphore, #tpu.memory_space<semaphore_mem>>) src(%arg6 : memref<80x128xf32, #tpu.memory_space<vmem>>) dst(%dma_wait3A_19 : memref<80x128xf32, #tpu.memory_space<hbm>>)
    %dma_wait3A_20 = arith.constant 0 : i32
    %dma_wait3A_21 = tpu.memref_slice %arg4[%mul3A_2, %dma_wait3A_20] : memref<51200x128xf32, #tpu.memory_space<hbm>> -> memref<80x128xf32, #tpu.memory_space<hbm>>
    %dma_wait3A_22 = arith.constant 0 : i32
    %dma_wait3A_23 = tpu.memref_slice %arg4[%mul3A_2, %dma_wait3A_22] : memref<51200x128xf32, #tpu.memory_space<hbm>> -> memref<80x128xf32, #tpu.memory_space<hbm>>
    tpu.wait_dma2 semaphore(%arg15 : memref<!tpu.dma_semaphore, #tpu.memory_space<semaphore_mem>>) src(%arg7 : memref<80x128xf32, #tpu.memory_space<vmem>>) dst(%dma_wait3A_23 : memref<80x128xf32, #tpu.memory_space<hbm>>)
    %dma_wait3A_24 = arith.constant 0 : i32
    %dma_wait3A_25 = tpu.memref_slice %arg4[%mul3A_2, %dma_wait3A_24] : memref<51200x128xf32, #tpu.memory_space<hbm>> -> memref<80x128xf32, #tpu.memory_space<hbm>>
    %dma_wait3A_26 = arith.constant 0 : i32
    %dma_wait3A_27 = tpu.memref_slice %arg4[%mul3A_2, %dma_wait3A_26] : memref<51200x128xf32, #tpu.memory_space<hbm>> -> memref<80x128xf32, #tpu.memory_space<hbm>>
    tpu.wait_dma2 semaphore(%arg16 : memref<!tpu.dma_semaphore, #tpu.memory_space<semaphore_mem>>) src(%arg8 : memref<80x128xf32, #tpu.memory_space<vmem>>) dst(%dma_wait3A_27 : memref<80x128xf32, #tpu.memory_space<hbm>>)
    %dma_wait3A_28 = arith.constant 0 : i32
    %dma_wait3A_29 = tpu.memref_slice %arg4[%mul3A_2, %dma_wait3A_28] : memref<51200x128xf32, #tpu.memory_space<hbm>> -> memref<80x128xf32, #tpu.memory_space<hbm>>
    %dma_wait3A_30 = arith.constant 0 : i32
    %dma_wait3A_31 = tpu.memref_slice %arg4[%mul3A_2, %dma_wait3A_30] : memref<51200x128xf32, #tpu.memory_space<hbm>> -> memref<80x128xf32, #tpu.memory_space<hbm>>
    tpu.wait_dma2 semaphore(%arg17 : memref<!tpu.dma_semaphore, #tpu.memory_space<semaphore_mem>>) src(%arg9 : memref<80x128xf32, #tpu.memory_space<vmem>>) dst(%dma_wait3A_31 : memref<80x128xf32, #tpu.memory_space<hbm>>)
    return
  }
}

#map = affine_map<(d0, d1) -> (0)>
#map1 = affine_map<(d0, d1) -> (0, 0)>
module attributes {stable_mosaic.version = 14 : i64} {
  func.func @_sc_body(%arg0: i32, %arg1: i32, %arg2: memref<51200xi32, #tpu.memory_space<hbm>>, %arg3: memref<100000x128xf32, #tpu.memory_space<hbm>>, %arg4: memref<51200x128xf32, #tpu.memory_space<hbm>>, %arg5: memref<1600xi32, #tpu.memory_space<vmem>>, %arg6: memref<80x128xf32, #tpu.memory_space<vmem>>, %arg7: memref<80x128xf32, #tpu.memory_space<vmem>>, %arg8: memref<80x128xf32, #tpu.memory_space<vmem>>, %arg9: memref<80x128xf32, #tpu.memory_space<vmem>>, %arg10: memref<!tpu.dma_semaphore, #tpu.memory_space<semaphore_mem>>, %arg11: memref<!tpu.dma_semaphore, #tpu.memory_space<semaphore_mem>>, %arg12: memref<!tpu.dma_semaphore, #tpu.memory_space<semaphore_mem>>, %arg13: memref<!tpu.dma_semaphore, #tpu.memory_space<semaphore_mem>>, %arg14: memref<!tpu.dma_semaphore, #tpu.memory_space<semaphore_mem>>, %arg15: memref<!tpu.dma_semaphore, #tpu.memory_space<semaphore_mem>>, %arg16: memref<!tpu.dma_semaphore, #tpu.memory_space<semaphore_mem>>, %arg17: memref<!tpu.dma_semaphore, #tpu.memory_space<semaphore_mem>>) attributes {dimension_semantics = [#tpu.dimension_semantics<core_parallel>, #tpu.dimension_semantics<subcore_parallel>], iteration_bounds = array<i64: 2, 16>, scalar_prefetch = 0 : i64, scratch_operands = 13 : i64, tpu.core_type = #tpu.core_type<sc_vector_subcore>, window_params = [{transform_indices = #map}, {transform_indices = #map1}, {transform_indices = #map1}]} {
    %mul3A = arith.constant 2 : i32
    %mul3A_0 = arith.muli %arg1, %mul3A : i32
    %add3A = arith.addi %mul3A_0, %arg0 : i32
    %mul3A_1 = arith.constant 1600 : i32
    %mul3A_2 = arith.muli %add3A, %mul3A_1 : i32
    "tpu.region"() ({
      %run_scoped3A = tpu.sem_alloc : memref<!tpu.dma_semaphore, #tpu.memory_space<semaphore_mem>>
      %dma_start3A_32 = tpu.memref_slice %arg2[%mul3A_2] : memref<51200xi32, #tpu.memory_space<hbm>> -> memref<1600xi32, #tpu.memory_space<hbm>>
      %dma_start3A_33 = tpu.memref_slice %arg2[%mul3A_2] : memref<51200xi32, #tpu.memory_space<hbm>> -> memref<1600xi32, #tpu.memory_space<hbm>>
      tpu.enqueue_dma source(%dma_start3A_33 : memref<1600xi32, #tpu.memory_space<hbm>>) target(%arg5 : memref<1600xi32, #tpu.memory_space<vmem>>) target_semaphore(%run_scoped3A : memref<!tpu.dma_semaphore, #tpu.memory_space<semaphore_mem>>)
      %dma_wait3A_34 = tpu.memref_slice %arg2[%mul3A_2] : memref<51200xi32, #tpu.memory_space<hbm>> -> memref<1600xi32, #tpu.memory_space<hbm>>
      %dma_wait3A_35 = tpu.memref_slice %arg2[%mul3A_2] : memref<51200xi32, #tpu.memory_space<hbm>> -> memref<1600xi32, #tpu.memory_space<hbm>>
      tpu.wait_dma2 semaphore(%run_scoped3A : memref<!tpu.dma_semaphore, #tpu.memory_space<semaphore_mem>>) src(%dma_wait3A_35 : memref<1600xi32, #tpu.memory_space<hbm>>) dst(%arg5 : memref<1600xi32, #tpu.memory_space<vmem>>)
      tpu.yield
    }) : () -> ()
    %dma_start3A = arith.constant 0 : i32
    %dma_start3A_3 = tpu.memref_slice %arg5[%dma_start3A] : memref<1600xi32, #tpu.memory_space<vmem>> -> memref<80xi32, #tpu.memory_space<vmem>>
    %dma_start3A_4 = arith.constant 0 : i32
    %dma_start3A_5 = arith.constant 0 : i32
    %dma_start3A_6 = tpu.memref_slice %arg3[%dma_start3A_4, %dma_start3A_5] : memref<100000x128xf32, #tpu.memory_space<hbm>> -> memref<100000x128xf32, #tpu.memory_space<hbm>>
    tpu.enqueue_indirect_dma source(%dma_start3A_6 : memref<100000x128xf32, #tpu.memory_space<hbm>>) target(%arg6 : memref<80x128xf32, #tpu.memory_space<vmem>>) offsets(%dma_start3A_3 : memref<80xi32, #tpu.memory_space<vmem>>) semaphore(%arg10 : memref<!tpu.dma_semaphore, #tpu.memory_space<semaphore_mem>>)
    %dma_start3A_7 = arith.constant 80 : i32
    %dma_start3A_8 = tpu.memref_slice %arg5[%dma_start3A_7] : memref<1600xi32, #tpu.memory_space<vmem>> -> memref<80xi32, #tpu.memory_space<vmem>>
    %dma_start3A_9 = arith.constant 0 : i32
    %dma_start3A_10 = arith.constant 0 : i32
    %dma_start3A_11 = tpu.memref_slice %arg3[%dma_start3A_9, %dma_start3A_10] : memref<100000x128xf32, #tpu.memory_space<hbm>> -> memref<100000x128xf32, #tpu.memory_space<hbm>>
    tpu.enqueue_indirect_dma source(%dma_start3A_11 : memref<100000x128xf32, #tpu.memory_space<hbm>>) target(%arg7 : memref<80x128xf32, #tpu.memory_space<vmem>>) offsets(%dma_start3A_8 : memref<80xi32, #tpu.memory_space<vmem>>) semaphore(%arg11 : memref<!tpu.dma_semaphore, #tpu.memory_space<semaphore_mem>>)
    %scan3A = arith.constant 0 : i32
    %scan3A_12 = arith.constant 0 : i32
    %scan3A_13 = arith.constant 5 : i32
    %scan3A_14 = arith.addi %scan3A_12, %scan3A_13 : i32
    %scan3A_15 = arith.constant 1 : i32
    scf.for %scan3A_32 = %scan3A_12 to %scan3A_14 step %scan3A_15  : i32 {
      %mul3A_33 = arith.constant 4 : i32
      %mul3A_34 = arith.muli %mul3A_33, %scan3A_32 : i32
      %add3A_35 = arith.constant 0 : i32
      %add3A_36 = arith.addi %mul3A_34, %add3A_35 : i32
      %add3A_37 = arith.constant 2 : i32
      %add3A_38 = arith.addi %add3A_36, %add3A_37 : i32
      %lt3A = arith.constant 20 : i32
      %lt3A_39 = arith.cmpi slt, %add3A_38, %lt3A : i32
      %convert_element_type3A = arith.extui %lt3A_39 : i1 to i32
      %cond3A = arith.constant 0 : i32
      %cond3A_40 = arith.cmpi ne, %convert_element_type3A, %cond3A : i32
      scf.if %cond3A_40 {
        %ge3A = arith.constant 2 : i32
        %ge3A_122 = arith.cmpi sge, %add3A_36, %ge3A : i32
        %convert_element_type3A_123 = arith.extui %ge3A_122 : i1 to i32
        %cond3A_124 = arith.constant 0 : i32
        %cond3A_125 = arith.cmpi ne, %convert_element_type3A_123, %cond3A_124 : i32
        scf.if %cond3A_125 {
          %dma_wait3A_134 = arith.constant 0 : i32
          %dma_wait3A_135 = tpu.memref_slice %arg4[%mul3A_2, %dma_wait3A_134] : memref<51200x128xf32, #tpu.memory_space<hbm>> -> memref<80x128xf32, #tpu.memory_space<hbm>>
          %dma_wait3A_136 = arith.constant 0 : i32
          %dma_wait3A_137 = tpu.memref_slice %arg4[%mul3A_2, %dma_wait3A_136] : memref<51200x128xf32, #tpu.memory_space<hbm>> -> memref<80x128xf32, #tpu.memory_space<hbm>>
          tpu.wait_dma2 semaphore(%arg16 : memref<!tpu.dma_semaphore, #tpu.memory_space<semaphore_mem>>) src(%arg8 : memref<80x128xf32, #tpu.memory_space<vmem>>) dst(%dma_wait3A_137 : memref<80x128xf32, #tpu.memory_space<hbm>>)
        } else {
        }
        %add3A_126 = arith.constant 2 : i32
        %add3A_127 = arith.addi %add3A_36, %add3A_126 : i32
        %mul3A_128 = arith.constant 80 : i32
        %mul3A_129 = arith.muli %add3A_127, %mul3A_128 : i32
        %dma_start3A_130 = tpu.memref_slice %arg5[%mul3A_129] : memref<1600xi32, #tpu.memory_space<vmem>> -> memref<80xi32, #tpu.memory_space<vmem>>
        %dma_start3A_131 = arith.constant 0 : i32
        %dma_start3A_132 = arith.constant 0 : i32
        %dma_start3A_133 = tpu.memref_slice %arg3[%dma_start3A_131, %dma_start3A_132] : memref<100000x128xf32, #tpu.memory_space<hbm>> -> memref<100000x128xf32, #tpu.memory_space<hbm>>
        tpu.enqueue_indirect_dma source(%dma_start3A_133 : memref<100000x128xf32, #tpu.memory_space<hbm>>) target(%arg8 : memref<80x128xf32, #tpu.memory_space<vmem>>) offsets(%dma_start3A_130 : memref<80xi32, #tpu.memory_space<vmem>>) semaphore(%arg12 : memref<!tpu.dma_semaphore, #tpu.memory_space<semaphore_mem>>)
      } else {
      }
      %dma_wait3A_41 = arith.constant 0 : i32
      %dma_wait3A_42 = tpu.memref_slice %arg5[%dma_wait3A_41] : memref<1600xi32, #tpu.memory_space<vmem>> -> memref<80xi32, #tpu.memory_space<vmem>>
      %dma_wait3A_43 = arith.constant 0 : i32
      %dma_wait3A_44 = arith.constant 0 : i32
      %dma_wait3A_45 = tpu.memref_slice %arg3[%dma_wait3A_43, %dma_wait3A_44] : memref<100000x128xf32, #tpu.memory_space<hbm>> -> memref<100000x128xf32, #tpu.memory_space<hbm>>
      tpu.wait_indirect_dma semaphore(%arg10 : memref<!tpu.dma_semaphore, #tpu.memory_space<semaphore_mem>>) src(%dma_wait3A_45 : memref<100000x128xf32, #tpu.memory_space<hbm>>) dst(%arg6 : memref<80x128xf32, #tpu.memory_space<vmem>>)
      %mul3A_46 = arith.constant 80 : i32
      %mul3A_47 = arith.muli %add3A_36, %mul3A_46 : i32
      %add3A_48 = arith.addi %mul3A_2, %mul3A_47 : i32
      %dma_start3A_49 = arith.constant 0 : i32
      %dma_start3A_50 = tpu.memref_slice %arg4[%add3A_48, %dma_start3A_49] : memref<51200x128xf32, #tpu.memory_space<hbm>> -> memref<80x128xf32, #tpu.memory_space<hbm>>
      %dma_start3A_51 = arith.constant 0 : i32
      %dma_start3A_52 = tpu.memref_slice %arg4[%add3A_48, %dma_start3A_51] : memref<51200x128xf32, #tpu.memory_space<hbm>> -> memref<80x128xf32, #tpu.memory_space<hbm>>
      tpu.enqueue_dma source(%arg6 : memref<80x128xf32, #tpu.memory_space<vmem>>) target(%dma_start3A_52 : memref<80x128xf32, #tpu.memory_space<hbm>>) target_semaphore(%arg14 : memref<!tpu.dma_semaphore, #tpu.memory_space<semaphore_mem>>)
      %mul3A_53 = arith.constant 4 : i32
      %mul3A_54 = arith.muli %mul3A_53, %scan3A_32 : i32
      %add3A_55 = arith.constant 1 : i32
      %add3A_56 = arith.addi %mul3A_54, %add3A_55 : i32
      %add3A_57 = arith.constant 2 : i32
      %add3A_58 = arith.addi %add3A_56, %add3A_57 : i32
      %lt3A_59 = arith.constant 20 : i32
      %lt3A_60 = arith.cmpi slt, %add3A_58, %lt3A_59 : i32
      %convert_element_type3A_61 = arith.extui %lt3A_60 : i1 to i32
      %cond3A_62 = arith.constant 0 : i32
      %cond3A_63 = arith.cmpi ne, %convert_element_type3A_61, %cond3A_62 : i32
      scf.if %cond3A_63 {
        %ge3A = arith.constant 2 : i32
        %ge3A_122 = arith.cmpi sge, %add3A_56, %ge3A : i32
        %convert_element_type3A_123 = arith.extui %ge3A_122 : i1 to i32
        %cond3A_124 = arith.constant 0 : i32
        %cond3A_125 = arith.cmpi ne, %convert_element_type3A_123, %cond3A_124 : i32
        scf.if %cond3A_125 {
          %dma_wait3A_134 = arith.constant 0 : i32
          %dma_wait3A_135 = tpu.memref_slice %arg4[%mul3A_2, %dma_wait3A_134] : memref<51200x128xf32, #tpu.memory_space<hbm>> -> memref<80x128xf32, #tpu.memory_space<hbm>>
          %dma_wait3A_136 = arith.constant 0 : i32
          %dma_wait3A_137 = tpu.memref_slice %arg4[%mul3A_2, %dma_wait3A_136] : memref<51200x128xf32, #tpu.memory_space<hbm>> -> memref<80x128xf32, #tpu.memory_space<hbm>>
          tpu.wait_dma2 semaphore(%arg17 : memref<!tpu.dma_semaphore, #tpu.memory_space<semaphore_mem>>) src(%arg9 : memref<80x128xf32, #tpu.memory_space<vmem>>) dst(%dma_wait3A_137 : memref<80x128xf32, #tpu.memory_space<hbm>>)
        } else {
        }
        %add3A_126 = arith.constant 2 : i32
        %add3A_127 = arith.addi %add3A_56, %add3A_126 : i32
        %mul3A_128 = arith.constant 80 : i32
        %mul3A_129 = arith.muli %add3A_127, %mul3A_128 : i32
        %dma_start3A_130 = tpu.memref_slice %arg5[%mul3A_129] : memref<1600xi32, #tpu.memory_space<vmem>> -> memref<80xi32, #tpu.memory_space<vmem>>
        %dma_start3A_131 = arith.constant 0 : i32
        %dma_start3A_132 = arith.constant 0 : i32
        %dma_start3A_133 = tpu.memref_slice %arg3[%dma_start3A_131, %dma_start3A_132] : memref<100000x128xf32, #tpu.memory_space<hbm>> -> memref<100000x128xf32, #tpu.memory_space<hbm>>
        tpu.enqueue_indirect_dma source(%dma_start3A_133 : memref<100000x128xf32, #tpu.memory_space<hbm>>) target(%arg9 : memref<80x128xf32, #tpu.memory_space<vmem>>) offsets(%dma_start3A_130 : memref<80xi32, #tpu.memory_space<vmem>>) semaphore(%arg13 : memref<!tpu.dma_semaphore, #tpu.memory_space<semaphore_mem>>)
      } else {
      }
      %dma_wait3A_64 = arith.constant 0 : i32
      %dma_wait3A_65 = tpu.memref_slice %arg5[%dma_wait3A_64] : memref<1600xi32, #tpu.memory_space<vmem>> -> memref<80xi32, #tpu.memory_space<vmem>>
      %dma_wait3A_66 = arith.constant 0 : i32
      %dma_wait3A_67 = arith.constant 0 : i32
      %dma_wait3A_68 = tpu.memref_slice %arg3[%dma_wait3A_66, %dma_wait3A_67] : memref<100000x128xf32, #tpu.memory_space<hbm>> -> memref<100000x128xf32, #tpu.memory_space<hbm>>
      tpu.wait_indirect_dma semaphore(%arg11 : memref<!tpu.dma_semaphore, #tpu.memory_space<semaphore_mem>>) src(%dma_wait3A_68 : memref<100000x128xf32, #tpu.memory_space<hbm>>) dst(%arg7 : memref<80x128xf32, #tpu.memory_space<vmem>>)
      %mul3A_69 = arith.constant 80 : i32
      %mul3A_70 = arith.muli %add3A_56, %mul3A_69 : i32
      %add3A_71 = arith.addi %mul3A_2, %mul3A_70 : i32
      %dma_start3A_72 = arith.constant 0 : i32
      %dma_start3A_73 = tpu.memref_slice %arg4[%add3A_71, %dma_start3A_72] : memref<51200x128xf32, #tpu.memory_space<hbm>> -> memref<80x128xf32, #tpu.memory_space<hbm>>
      %dma_start3A_74 = arith.constant 0 : i32
      %dma_start3A_75 = tpu.memref_slice %arg4[%add3A_71, %dma_start3A_74] : memref<51200x128xf32, #tpu.memory_space<hbm>> -> memref<80x128xf32, #tpu.memory_space<hbm>>
      tpu.enqueue_dma source(%arg7 : memref<80x128xf32, #tpu.memory_space<vmem>>) target(%dma_start3A_75 : memref<80x128xf32, #tpu.memory_space<hbm>>) target_semaphore(%arg15 : memref<!tpu.dma_semaphore, #tpu.memory_space<semaphore_mem>>)
      %mul3A_76 = arith.constant 4 : i32
      %mul3A_77 = arith.muli %mul3A_76, %scan3A_32 : i32
      %add3A_78 = arith.constant 2 : i32
      %add3A_79 = arith.addi %mul3A_77, %add3A_78 : i32
      %add3A_80 = arith.constant 2 : i32
      %add3A_81 = arith.addi %add3A_79, %add3A_80 : i32
      %lt3A_82 = arith.constant 20 : i32
      %lt3A_83 = arith.cmpi slt, %add3A_81, %lt3A_82 : i32
      %convert_element_type3A_84 = arith.extui %lt3A_83 : i1 to i32
      %cond3A_85 = arith.constant 0 : i32
      %cond3A_86 = arith.cmpi ne, %convert_element_type3A_84, %cond3A_85 : i32
      scf.if %cond3A_86 {
        %ge3A = arith.constant 2 : i32
        %ge3A_122 = arith.cmpi sge, %add3A_79, %ge3A : i32
        %convert_element_type3A_123 = arith.extui %ge3A_122 : i1 to i32
        %cond3A_124 = arith.constant 0 : i32
        %cond3A_125 = arith.cmpi ne, %convert_element_type3A_123, %cond3A_124 : i32
        scf.if %cond3A_125 {
          %dma_wait3A_134 = arith.constant 0 : i32
          %dma_wait3A_135 = tpu.memref_slice %arg4[%mul3A_2, %dma_wait3A_134] : memref<51200x128xf32, #tpu.memory_space<hbm>> -> memref<80x128xf32, #tpu.memory_space<hbm>>
          %dma_wait3A_136 = arith.constant 0 : i32
          %dma_wait3A_137 = tpu.memref_slice %arg4[%mul3A_2, %dma_wait3A_136] : memref<51200x128xf32, #tpu.memory_space<hbm>> -> memref<80x128xf32, #tpu.memory_space<hbm>>
          tpu.wait_dma2 semaphore(%arg14 : memref<!tpu.dma_semaphore, #tpu.memory_space<semaphore_mem>>) src(%arg6 : memref<80x128xf32, #tpu.memory_space<vmem>>) dst(%dma_wait3A_137 : memref<80x128xf32, #tpu.memory_space<hbm>>)
        } else {
        }
        %add3A_126 = arith.constant 2 : i32
        %add3A_127 = arith.addi %add3A_79, %add3A_126 : i32
        %mul3A_128 = arith.constant 80 : i32
        %mul3A_129 = arith.muli %add3A_127, %mul3A_128 : i32
        %dma_start3A_130 = tpu.memref_slice %arg5[%mul3A_129] : memref<1600xi32, #tpu.memory_space<vmem>> -> memref<80xi32, #tpu.memory_space<vmem>>
        %dma_start3A_131 = arith.constant 0 : i32
        %dma_start3A_132 = arith.constant 0 : i32
        %dma_start3A_133 = tpu.memref_slice %arg3[%dma_start3A_131, %dma_start3A_132] : memref<100000x128xf32, #tpu.memory_space<hbm>> -> memref<100000x128xf32, #tpu.memory_space<hbm>>
        tpu.enqueue_indirect_dma source(%dma_start3A_133 : memref<100000x128xf32, #tpu.memory_space<hbm>>) target(%arg6 : memref<80x128xf32, #tpu.memory_space<vmem>>) offsets(%dma_start3A_130 : memref<80xi32, #tpu.memory_space<vmem>>) semaphore(%arg10 : memref<!tpu.dma_semaphore, #tpu.memory_space<semaphore_mem>>)
      } else {
      }
      %dma_wait3A_87 = arith.constant 0 : i32
      %dma_wait3A_88 = tpu.memref_slice %arg5[%dma_wait3A_87] : memref<1600xi32, #tpu.memory_space<vmem>> -> memref<80xi32, #tpu.memory_space<vmem>>
      %dma_wait3A_89 = arith.constant 0 : i32
      %dma_wait3A_90 = arith.constant 0 : i32
      %dma_wait3A_91 = tpu.memref_slice %arg3[%dma_wait3A_89, %dma_wait3A_90] : memref<100000x128xf32, #tpu.memory_space<hbm>> -> memref<100000x128xf32, #tpu.memory_space<hbm>>
      tpu.wait_indirect_dma semaphore(%arg12 : memref<!tpu.dma_semaphore, #tpu.memory_space<semaphore_mem>>) src(%dma_wait3A_91 : memref<100000x128xf32, #tpu.memory_space<hbm>>) dst(%arg8 : memref<80x128xf32, #tpu.memory_space<vmem>>)
      %mul3A_92 = arith.constant 80 : i32
      %mul3A_93 = arith.muli %add3A_79, %mul3A_92 : i32
      %add3A_94 = arith.addi %mul3A_2, %mul3A_93 : i32
      %dma_start3A_95 = arith.constant 0 : i32
      %dma_start3A_96 = tpu.memref_slice %arg4[%add3A_94, %dma_start3A_95] : memref<51200x128xf32, #tpu.memory_space<hbm>> -> memref<80x128xf32, #tpu.memory_space<hbm>>
      %dma_start3A_97 = arith.constant 0 : i32
      %dma_start3A_98 = tpu.memref_slice %arg4[%add3A_94, %dma_start3A_97] : memref<51200x128xf32, #tpu.memory_space<hbm>> -> memref<80x128xf32, #tpu.memory_space<hbm>>
      tpu.enqueue_dma source(%arg8 : memref<80x128xf32, #tpu.memory_space<vmem>>) target(%dma_start3A_98 : memref<80x128xf32, #tpu.memory_space<hbm>>) target_semaphore(%arg16 : memref<!tpu.dma_semaphore, #tpu.memory_space<semaphore_mem>>)
      %mul3A_99 = arith.constant 4 : i32
      %mul3A_100 = arith.muli %mul3A_99, %scan3A_32 : i32
      %add3A_101 = arith.constant 3 : i32
      %add3A_102 = arith.addi %mul3A_100, %add3A_101 : i32
      %add3A_103 = arith.constant 2 : i32
      %add3A_104 = arith.addi %add3A_102, %add3A_103 : i32
      %lt3A_105 = arith.constant 20 : i32
      %lt3A_106 = arith.cmpi slt, %add3A_104, %lt3A_105 : i32
      %convert_element_type3A_107 = arith.extui %lt3A_106 : i1 to i32
      %cond3A_108 = arith.constant 0 : i32
      %cond3A_109 = arith.cmpi ne, %convert_element_type3A_107, %cond3A_108 : i32
      scf.if %cond3A_109 {
        %ge3A = arith.constant 2 : i32
        %ge3A_122 = arith.cmpi sge, %add3A_102, %ge3A : i32
        %convert_element_type3A_123 = arith.extui %ge3A_122 : i1 to i32
        %cond3A_124 = arith.constant 0 : i32
        %cond3A_125 = arith.cmpi ne, %convert_element_type3A_123, %cond3A_124 : i32
        scf.if %cond3A_125 {
          %dma_wait3A_134 = arith.constant 0 : i32
          %dma_wait3A_135 = tpu.memref_slice %arg4[%mul3A_2, %dma_wait3A_134] : memref<51200x128xf32, #tpu.memory_space<hbm>> -> memref<80x128xf32, #tpu.memory_space<hbm>>
          %dma_wait3A_136 = arith.constant 0 : i32
          %dma_wait3A_137 = tpu.memref_slice %arg4[%mul3A_2, %dma_wait3A_136] : memref<51200x128xf32, #tpu.memory_space<hbm>> -> memref<80x128xf32, #tpu.memory_space<hbm>>
          tpu.wait_dma2 semaphore(%arg15 : memref<!tpu.dma_semaphore, #tpu.memory_space<semaphore_mem>>) src(%arg7 : memref<80x128xf32, #tpu.memory_space<vmem>>) dst(%dma_wait3A_137 : memref<80x128xf32, #tpu.memory_space<hbm>>)
        } else {
        }
        %add3A_126 = arith.constant 2 : i32
        %add3A_127 = arith.addi %add3A_102, %add3A_126 : i32
        %mul3A_128 = arith.constant 80 : i32
        %mul3A_129 = arith.muli %add3A_127, %mul3A_128 : i32
        %dma_start3A_130 = tpu.memref_slice %arg5[%mul3A_129] : memref<1600xi32, #tpu.memory_space<vmem>> -> memref<80xi32, #tpu.memory_space<vmem>>
        %dma_start3A_131 = arith.constant 0 : i32
        %dma_start3A_132 = arith.constant 0 : i32
        %dma_start3A_133 = tpu.memref_slice %arg3[%dma_start3A_131, %dma_start3A_132] : memref<100000x128xf32, #tpu.memory_space<hbm>> -> memref<100000x128xf32, #tpu.memory_space<hbm>>
        tpu.enqueue_indirect_dma source(%dma_start3A_133 : memref<100000x128xf32, #tpu.memory_space<hbm>>) target(%arg7 : memref<80x128xf32, #tpu.memory_space<vmem>>) offsets(%dma_start3A_130 : memref<80xi32, #tpu.memory_space<vmem>>) semaphore(%arg11 : memref<!tpu.dma_semaphore, #tpu.memory_space<semaphore_mem>>)
      } else {
      }
      %dma_wait3A_110 = arith.constant 0 : i32
      %dma_wait3A_111 = tpu.memref_slice %arg5[%dma_wait3A_110] : memref<1600xi32, #tpu.memory_space<vmem>> -> memref<80xi32, #tpu.memory_space<vmem>>
      %dma_wait3A_112 = arith.constant 0 : i32
      %dma_wait3A_113 = arith.constant 0 : i32
      %dma_wait3A_114 = tpu.memref_slice %arg3[%dma_wait3A_112, %dma_wait3A_113] : memref<100000x128xf32, #tpu.memory_space<hbm>> -> memref<100000x128xf32, #tpu.memory_space<hbm>>
      tpu.wait_indirect_dma semaphore(%arg13 : memref<!tpu.dma_semaphore, #tpu.memory_space<semaphore_mem>>) src(%dma_wait3A_114 : memref<100000x128xf32, #tpu.memory_space<hbm>>) dst(%arg9 : memref<80x128xf32, #tpu.memory_space<vmem>>)
      %mul3A_115 = arith.constant 80 : i32
      %mul3A_116 = arith.muli %add3A_102, %mul3A_115 : i32
      %add3A_117 = arith.addi %mul3A_2, %mul3A_116 : i32
      %dma_start3A_118 = arith.constant 0 : i32
      %dma_start3A_119 = tpu.memref_slice %arg4[%add3A_117, %dma_start3A_118] : memref<51200x128xf32, #tpu.memory_space<hbm>> -> memref<80x128xf32, #tpu.memory_space<hbm>>
      %dma_start3A_120 = arith.constant 0 : i32
      %dma_start3A_121 = tpu.memref_slice %arg4[%add3A_117, %dma_start3A_120] : memref<51200x128xf32, #tpu.memory_space<hbm>> -> memref<80x128xf32, #tpu.memory_space<hbm>>
      tpu.enqueue_dma source(%arg9 : memref<80x128xf32, #tpu.memory_space<vmem>>) target(%dma_start3A_121 : memref<80x128xf32, #tpu.memory_space<hbm>>) target_semaphore(%arg17 : memref<!tpu.dma_semaphore, #tpu.memory_space<semaphore_mem>>)
    }
    %scan3A_16 = arith.constant 5 : i32
    %dma_wait3A = arith.constant 0 : i32
    %dma_wait3A_17 = tpu.memref_slice %arg4[%mul3A_2, %dma_wait3A] : memref<51200x128xf32, #tpu.memory_space<hbm>> -> memref<80x128xf32, #tpu.memory_space<hbm>>
    %dma_wait3A_18 = arith.constant 0 : i32
    %dma_wait3A_19 = tpu.memref_slice %arg4[%mul3A_2, %dma_wait3A_18] : memref<51200x128xf32, #tpu.memory_space<hbm>> -> memref<80x128xf32, #tpu.memory_space<hbm>>
    tpu.wait_dma2 semaphore(%arg14 : memref<!tpu.dma_semaphore, #tpu.memory_space<semaphore_mem>>) src(%arg6 : memref<80x128xf32, #tpu.memory_space<vmem>>) dst(%dma_wait3A_19 : memref<80x128xf32, #tpu.memory_space<hbm>>)
    %dma_wait3A_20 = arith.constant 0 : i32
    %dma_wait3A_21 = tpu.memref_slice %arg4[%mul3A_2, %dma_wait3A_20] : memref<51200x128xf32, #tpu.memory_space<hbm>> -> memref<80x128xf32, #tpu.memory_space<hbm>>
    %dma_wait3A_22 = arith.constant 0 : i32
    %dma_wait3A_23 = tpu.memref_slice %arg4[%mul3A_2, %dma_wait3A_22] : memref<51200x128xf32, #tpu.memory_space<hbm>> -> memref<80x128xf32, #tpu.memory_space<hbm>>
    tpu.wait_dma2 semaphore(%arg15 : memref<!tpu.dma_semaphore, #tpu.memory_space<semaphore_mem>>) src(%arg7 : memref<80x128xf32, #tpu.memory_space<vmem>>) dst(%dma_wait3A_23 : memref<80x128xf32, #tpu.memory_space<hbm>>)
    %dma_wait3A_24 = arith.constant 0 : i32
    %dma_wait3A_25 = tpu.memref_slice %arg4[%mul3A_2, %dma_wait3A_24] : memref<51200x128xf32, #tpu.memory_space<hbm>> -> memref<80x128xf32, #tpu.memory_space<hbm>>
    %dma_wait3A_26 = arith.constant 0 : i32
    %dma_wait3A_27 = tpu.memref_slice %arg4[%mul3A_2, %dma_wait3A_26] : memref<51200x128xf32, #tpu.memory_space<hbm>> -> memref<80x128xf32, #tpu.memory_space<hbm>>
    tpu.wait_dma2 semaphore(%arg16 : memref<!tpu.dma_semaphore, #tpu.memory_space<semaphore_mem>>) src(%arg8 : memref<80x128xf32, #tpu.memory_space<vmem>>) dst(%dma_wait3A_27 : memref<80x128xf32, #tpu.memory_space<hbm>>)
    %dma_wait3A_28 = arith.constant 0 : i32
    %dma_wait3A_29 = tpu.memref_slice %arg4[%mul3A_2, %dma_wait3A_28] : memref<51200x128xf32, #tpu.memory_space<hbm>> -> memref<80x128xf32, #tpu.memory_space<hbm>>
    %dma_wait3A_30 = arith.constant 0 : i32
    %dma_wait3A_31 = tpu.memref_slice %arg4[%mul3A_2, %dma_wait3A_30] : memref<51200x128xf32, #tpu.memory_space<hbm>> -> memref<80x128xf32, #tpu.memory_space<hbm>>
    tpu.wait_dma2 semaphore(%arg17 : memref<!tpu.dma_semaphore, #tpu.memory_space<semaphore_mem>>) src(%arg9 : memref<80x128xf32, #tpu.memory_space<vmem>>) dst(%dma_wait3A_31 : memref<80x128xf32, #tpu.memory_space<hbm>>)
    return
  }
}

module attributes {stable_mosaic.version = 14 : i64} {
  func.func @_ln_body(%arg0: i32, %arg1: memref<16x200x128xf32, #tpu.memory_space<vmem>>, %arg2: memref<16x200xf32, #tpu.memory_space<vmem>>, %arg3: memref<200x128xf32, #tpu.memory_space<vmem>>, %arg4: memref<2x128xf32, #tpu.memory_space<vmem>>, %arg5: memref<128xf32, #tpu.memory_space<vmem>>, %arg6: memref<128xf32, #tpu.memory_space<vmem>>, %arg7: memref<16x200x128xf32, #tpu.memory_space<vmem>>) attributes {dimension_semantics = [#tpu.dimension_semantics<arbitrary>], iteration_bounds = array<i64: 16>, scalar_prefetch = 0 : i64, scratch_operands = 0 : i64, tpu.core_type = #tpu.core_type<tc>, window_params = [{transform_indices = @transform_0, window_bounds = array<i64: 16, 200, 128>}, {transform_indices = @transform_1, window_bounds = array<i64: 16, 200>}, {pipeline_mode = #tpu.pipeline_mode<synchronous>, transform_indices = @transform_2, window_bounds = array<i64: 200, 128>}, {pipeline_mode = #tpu.pipeline_mode<synchronous>, transform_indices = @transform_3, window_bounds = array<i64: 2, 128>}, {pipeline_mode = #tpu.pipeline_mode<synchronous>, transform_indices = @transform_4, window_bounds = array<i64: 128>}, {pipeline_mode = #tpu.pipeline_mode<synchronous>, transform_indices = @transform_5, window_bounds = array<i64: 128>}, {transform_indices = @transform_6, window_bounds = array<i64: 16, 200, 128>}]} {
    %get3A = arith.constant 0 : index
    %get3A_0 = arith.constant 0 : index
    %get3A_1 = arith.constant 0 : index
    %get3A_2 = vector.load %arg1[%get3A, %get3A_0, %get3A_1] : memref<16x200x128xf32, #tpu.memory_space<vmem>>, vector<16x200x128xf32>
    %get3A_3 = arith.constant 0 : index
    %get3A_4 = arith.constant 0 : index
    %get3A_5 = vector.load %arg2[%get3A_3, %get3A_4] : memref<16x200xf32, #tpu.memory_space<vmem>>, vector<16x200xf32>
    %get3A_6 = arith.constant 0 : index
    %get3A_7 = arith.constant 0 : index
    %get3A_8 = vector.load %arg3[%get3A_6, %get3A_7] : memref<200x128xf32, #tpu.memory_space<vmem>>, vector<200x128xf32>
    %get3A_9 = arith.constant 0 : index
    %get3A_10 = arith.constant 0 : index
    %get3A_11 = vector.load %arg4[%get3A_9, %get3A_10] : memref<2x128xf32, #tpu.memory_space<vmem>>, vector<2x128xf32>
    %broadcast_in_dim3A = vector.shape_cast %get3A_8 : vector<200x128xf32> to vector<1x200x128xf32>
    %add3A = vector.broadcast %broadcast_in_dim3A : vector<1x200x128xf32> to vector<16x200x128xf32>
    %add3A_12 = arith.addf %get3A_2, %add3A : vector<16x200x128xf32>
    %slice3A = vector.extract_strided_slice %get3A_11 {offsets = [0, 0], sizes = [1, 128], strides = [1, 1]} : vector<2x128xf32> to vector<1x128xf32>
    %squeeze3A = vector.shape_cast %slice3A : vector<1x128xf32> to vector<128xf32>
    %broadcast_in_dim3A_13 = vector.shape_cast %squeeze3A : vector<128xf32> to vector<1x1x128xf32>
    %add3A_14 = vector.broadcast %broadcast_in_dim3A_13 : vector<1x1x128xf32> to vector<16x200x128xf32>
    %add3A_15 = arith.addf %add3A_12, %add3A_14 : vector<16x200x128xf32>
    %broadcast_in_dim3A_16 = vector.shape_cast %get3A_5 : vector<16x200xf32> to vector<16x200x1xf32>
    %slice3A_17 = vector.extract_strided_slice %get3A_11 {offsets = [1, 0], sizes = [1, 128], strides = [1, 1]} : vector<2x128xf32> to vector<1x128xf32>
    %squeeze3A_18 = vector.shape_cast %slice3A_17 : vector<1x128xf32> to vector<128xf32>
    %slice3A_19 = vector.extract_strided_slice %get3A_11 {offsets = [0, 0], sizes = [1, 128], strides = [1, 1]} : vector<2x128xf32> to vector<1x128xf32>
    %squeeze3A_20 = vector.shape_cast %slice3A_19 : vector<1x128xf32> to vector<128xf32>
    %sub3A = arith.subf %squeeze3A_18, %squeeze3A_20 : vector<128xf32>
    %broadcast_in_dim3A_21 = vector.shape_cast %sub3A : vector<128xf32> to vector<1x1x128xf32>
    %mul3A = vector.broadcast %broadcast_in_dim3A_16 : vector<16x200x1xf32> to vector<16x200x128xf32>
    %mul3A_22 = vector.broadcast %broadcast_in_dim3A_21 : vector<1x1x128xf32> to vector<16x200x128xf32>
    %mul3A_23 = arith.mulf %mul3A, %mul3A_22 : vector<16x200x128xf32>
    %add3A_24 = arith.addf %add3A_15, %mul3A_23 : vector<16x200x128xf32>
    %reduce_sum3A = arith.constant dense<0.000000e+00> : vector<16x200xf32>
    %reduce_sum3A_25 = vector.multi_reduction <add>, %add3A_24, %reduce_sum3A [2] : vector<16x200x128xf32> to vector<16x200xf32>
    %broadcast_in_dim3A_26 = vector.shape_cast %reduce_sum3A_25 : vector<16x200xf32> to vector<16x200x1xf32>
    %div3A = arith.constant 1.280000e+02 : f32
    %div3A_27 = vector.broadcast %div3A : f32 to vector<16x200x1xf32>
    %div3A_28 = arith.divf %broadcast_in_dim3A_26, %div3A_27 : vector<16x200x1xf32>
    %sub3A_29 = vector.broadcast %div3A_28 : vector<16x200x1xf32> to vector<16x200x128xf32>
    %sub3A_30 = arith.subf %add3A_24, %sub3A_29 : vector<16x200x128xf32>
    %mul3A_31 = arith.mulf %sub3A_30, %sub3A_30 : vector<16x200x128xf32>
    %reduce_sum3A_32 = arith.constant dense<0.000000e+00> : vector<16x200xf32>
    %reduce_sum3A_33 = vector.multi_reduction <add>, %mul3A_31, %reduce_sum3A_32 [2] : vector<16x200x128xf32> to vector<16x200xf32>
    %broadcast_in_dim3A_34 = vector.shape_cast %reduce_sum3A_33 : vector<16x200xf32> to vector<16x200x1xf32>
    %div3A_35 = arith.constant 1.280000e+02 : f32
    %div3A_36 = vector.broadcast %div3A_35 : f32 to vector<16x200x1xf32>
    %div3A_37 = arith.divf %broadcast_in_dim3A_34, %div3A_36 : vector<16x200x1xf32>
    %add3A_38 = arith.constant 9.99999974E-6 : f32
    %add3A_39 = vector.broadcast %add3A_38 : f32 to vector<16x200x1xf32>
    %add3A_40 = arith.addf %div3A_37, %add3A_39 : vector<16x200x1xf32>
    %rsqrt3A = math.rsqrt %add3A_40 : vector<16x200x1xf32>
    %mul3A_41 = vector.broadcast %rsqrt3A : vector<16x200x1xf32> to vector<16x200x128xf32>
    %mul3A_42 = arith.mulf %sub3A_30, %mul3A_41 : vector<16x200x128xf32>
    %get3A_43 = arith.constant 0 : index
    %get3A_44 = vector.load %arg5[%get3A_43] : memref<128xf32, #tpu.memory_space<vmem>>, vector<128xf32>
    %broadcast_in_dim3A_45 = vector.shape_cast %get3A_44 : vector<128xf32> to vector<1x1x128xf32>
    %mul3A_46 = vector.broadcast %broadcast_in_dim3A_45 : vector<1x1x128xf32> to vector<16x200x128xf32>
    %mul3A_47 = arith.mulf %mul3A_42, %mul3A_46 : vector<16x200x128xf32>
    %get3A_48 = arith.constant 0 : index
    %get3A_49 = vector.load %arg6[%get3A_48] : memref<128xf32, #tpu.memory_space<vmem>>, vector<128xf32>
    %broadcast_in_dim3A_50 = vector.shape_cast %get3A_49 : vector<128xf32> to vector<1x1x128xf32>
    %add3A_51 = vector.broadcast %broadcast_in_dim3A_50 : vector<1x1x128xf32> to vector<16x200x128xf32>
    %add3A_52 = arith.addf %mul3A_47, %add3A_51 : vector<16x200x128xf32>
    %swap3A = arith.constant 0 : index
    %swap3A_53 = arith.constant 0 : index
    %swap3A_54 = arith.constant 0 : index
    %swap3A_55 = vector.load %arg7[%swap3A, %swap3A_53, %swap3A_54] : memref<16x200x128xf32, #tpu.memory_space<vmem>>, vector<16x200x128xf32>
    tpu.vector_store %arg7[%swap3A, %swap3A_53, %swap3A_54], %add3A_52 {strides = array<i32>} : memref<16x200x128xf32, #tpu.memory_space<vmem>>, vector<16x200x128xf32>,
    return
  }
  func.func @transform_0(%arg0: i32) -> (i32, i32, i32) {
    %c0_i32 = arith.constant 0 : i32
    %c0_i32_0 = arith.constant 0 : i32
    %c0_i32_1 = arith.constant 0 : i32
    return %arg0, %c0_i32, %c0_i32_0 : i32, i32, i32
  }
  func.func @transform_1(%arg0: i32) -> (i32, i32) {
    %c0_i32 = arith.constant 0 : i32
    %c0_i32_0 = arith.constant 0 : i32
    return %arg0, %c0_i32 : i32, i32
  }
  func.func @transform_2(%arg0: i32) -> (i32, i32) {
    %c0_i32 = arith.constant 0 : i32
    %c0_i32_0 = arith.constant 0 : i32
    %c0_i32_1 = arith.constant 0 : i32
    return %c0_i32, %c0_i32_0 : i32, i32
  }
  func.func @transform_3(%arg0: i32) -> (i32, i32) {
    %c0_i32 = arith.constant 0 : i32
    %c0_i32_0 = arith.constant 0 : i32
    %c0_i32_1 = arith.constant 0 : i32
    return %c0_i32, %c0_i32_0 : i32, i32
  }
  func.func @transform_4(%arg0: i32) -> i32 {
    %c0_i32 = arith.constant 0 : i32
    %c0_i32_0 = arith.constant 0 : i32
    return %c0_i32 : i32
  }
  func.func @transform_5(%arg0: i32) -> i32 {
    %c0_i32 = arith.constant 0 : i32
    %c0_i32_0 = arith.constant 0 : i32
    return %c0_i32 : i32
  }
  func.func @transform_6(%arg0: i32) -> (i32, i32, i32) {
    %c0_i32 = arith.constant 0 : i32
    %c0_i32_0 = arith.constant 0 : i32
    %c0_i32_1 = arith.constant 0 : i32
    return %arg0, %c0_i32, %c0_i32_0 : i32, i32, i32
  }
}

module attributes {stable_mosaic.version = 14 : i64} {
  func.func @_ln_body_alias(%arg0: i32, %arg1: memref<1x8x128xf32, #tpu.memory_space<vmem>>, %arg2: memref<16x200x128xf32, #tpu.memory_space<vmem>>, %arg3: memref<16x200xf32, #tpu.memory_space<vmem>>, %arg4: memref<200x128xf32, #tpu.memory_space<vmem>>, %arg5: memref<2x128xf32, #tpu.memory_space<vmem>>, %arg6: memref<128xf32, #tpu.memory_space<vmem>>, %arg7: memref<128xf32, #tpu.memory_space<vmem>>, %arg8: memref<16x200x128xf32, #tpu.memory_space<vmem>>) attributes {dimension_semantics = [#tpu.dimension_semantics<arbitrary>], iteration_bounds = array<i64: 16>, scalar_prefetch = 0 : i64, scratch_operands = 0 : i64, tpu.core_type = #tpu.core_type<tc>, window_params = [{transform_indices = @transform_0, window_bounds = array<i64: 1, 8, 128>}, {transform_indices = @transform_1, window_bounds = array<i64: 16, 200, 128>}, {transform_indices = @transform_2, window_bounds = array<i64: 16, 200>}, {pipeline_mode = #tpu.pipeline_mode<synchronous>, transform_indices = @transform_3, window_bounds = array<i64: 200, 128>}, {pipeline_mode = #tpu.pipeline_mode<synchronous>, transform_indices = @transform_4, window_bounds = array<i64: 2, 128>}, {pipeline_mode = #tpu.pipeline_mode<synchronous>, transform_indices = @transform_5, window_bounds = array<i64: 128>}, {pipeline_mode = #tpu.pipeline_mode<synchronous>, transform_indices = @transform_6, window_bounds = array<i64: 128>}, {transform_indices = @transform_7, window_bounds = array<i64: 16, 200, 128>}]} {
    %get3A = arith.constant 0 : index
    %get3A_0 = arith.constant 0 : index
    %get3A_1 = arith.constant 0 : index
    %get3A_2 = vector.load %arg2[%get3A, %get3A_0, %get3A_1] : memref<16x200x128xf32, #tpu.memory_space<vmem>>, vector<16x200x128xf32>
    %get3A_3 = arith.constant 0 : index
    %get3A_4 = arith.constant 0 : index
    %get3A_5 = vector.load %arg3[%get3A_3, %get3A_4] : memref<16x200xf32, #tpu.memory_space<vmem>>, vector<16x200xf32>
    %get3A_6 = arith.constant 0 : index
    %get3A_7 = arith.constant 0 : index
    %get3A_8 = vector.load %arg4[%get3A_6, %get3A_7] : memref<200x128xf32, #tpu.memory_space<vmem>>, vector<200x128xf32>
    %get3A_9 = arith.constant 0 : index
    %get3A_10 = arith.constant 0 : index
    %get3A_11 = vector.load %arg5[%get3A_9, %get3A_10] : memref<2x128xf32, #tpu.memory_space<vmem>>, vector<2x128xf32>
    %broadcast_in_dim3A = vector.shape_cast %get3A_8 : vector<200x128xf32> to vector<1x200x128xf32>
    %add3A = vector.broadcast %broadcast_in_dim3A : vector<1x200x128xf32> to vector<16x200x128xf32>
    %add3A_12 = arith.addf %get3A_2, %add3A : vector<16x200x128xf32>
    %slice3A = vector.extract_strided_slice %get3A_11 {offsets = [0, 0], sizes = [1, 128], strides = [1, 1]} : vector<2x128xf32> to vector<1x128xf32>
    %squeeze3A = vector.shape_cast %slice3A : vector<1x128xf32> to vector<128xf32>
    %broadcast_in_dim3A_13 = vector.shape_cast %squeeze3A : vector<128xf32> to vector<1x1x128xf32>
    %add3A_14 = vector.broadcast %broadcast_in_dim3A_13 : vector<1x1x128xf32> to vector<16x200x128xf32>
    %add3A_15 = arith.addf %add3A_12, %add3A_14 : vector<16x200x128xf32>
    %broadcast_in_dim3A_16 = vector.shape_cast %get3A_5 : vector<16x200xf32> to vector<16x200x1xf32>
    %slice3A_17 = vector.extract_strided_slice %get3A_11 {offsets = [1, 0], sizes = [1, 128], strides = [1, 1]} : vector<2x128xf32> to vector<1x128xf32>
    %squeeze3A_18 = vector.shape_cast %slice3A_17 : vector<1x128xf32> to vector<128xf32>
    %slice3A_19 = vector.extract_strided_slice %get3A_11 {offsets = [0, 0], sizes = [1, 128], strides = [1, 1]} : vector<2x128xf32> to vector<1x128xf32>
    %squeeze3A_20 = vector.shape_cast %slice3A_19 : vector<1x128xf32> to vector<128xf32>
    %sub3A = arith.subf %squeeze3A_18, %squeeze3A_20 : vector<128xf32>
    %broadcast_in_dim3A_21 = vector.shape_cast %sub3A : vector<128xf32> to vector<1x1x128xf32>
    %mul3A = vector.broadcast %broadcast_in_dim3A_16 : vector<16x200x1xf32> to vector<16x200x128xf32>
    %mul3A_22 = vector.broadcast %broadcast_in_dim3A_21 : vector<1x1x128xf32> to vector<16x200x128xf32>
    %mul3A_23 = arith.mulf %mul3A, %mul3A_22 : vector<16x200x128xf32>
    %add3A_24 = arith.addf %add3A_15, %mul3A_23 : vector<16x200x128xf32>
    %reduce_sum3A = arith.constant dense<0.000000e+00> : vector<16x200xf32>
    %reduce_sum3A_25 = vector.multi_reduction <add>, %add3A_24, %reduce_sum3A [2] : vector<16x200x128xf32> to vector<16x200xf32>
    %broadcast_in_dim3A_26 = vector.shape_cast %reduce_sum3A_25 : vector<16x200xf32> to vector<16x200x1xf32>
    %div3A = arith.constant 1.280000e+02 : f32
    %div3A_27 = vector.broadcast %div3A : f32 to vector<16x200x1xf32>
    %div3A_28 = arith.divf %broadcast_in_dim3A_26, %div3A_27 : vector<16x200x1xf32>
    %sub3A_29 = vector.broadcast %div3A_28 : vector<16x200x1xf32> to vector<16x200x128xf32>
    %sub3A_30 = arith.subf %add3A_24, %sub3A_29 : vector<16x200x128xf32>
    %mul3A_31 = arith.mulf %sub3A_30, %sub3A_30 : vector<16x200x128xf32>
    %reduce_sum3A_32 = arith.constant dense<0.000000e+00> : vector<16x200xf32>
    %reduce_sum3A_33 = vector.multi_reduction <add>, %mul3A_31, %reduce_sum3A_32 [2] : vector<16x200x128xf32> to vector<16x200xf32>
    %broadcast_in_dim3A_34 = vector.shape_cast %reduce_sum3A_33 : vector<16x200xf32> to vector<16x200x1xf32>
    %div3A_35 = arith.constant 1.280000e+02 : f32
    %div3A_36 = vector.broadcast %div3A_35 : f32 to vector<16x200x1xf32>
    %div3A_37 = arith.divf %broadcast_in_dim3A_34, %div3A_36 : vector<16x200x1xf32>
    %add3A_38 = arith.constant 9.99999974E-6 : f32
    %add3A_39 = vector.broadcast %add3A_38 : f32 to vector<16x200x1xf32>
    %add3A_40 = arith.addf %div3A_37, %add3A_39 : vector<16x200x1xf32>
    %rsqrt3A = math.rsqrt %add3A_40 : vector<16x200x1xf32>
    %mul3A_41 = vector.broadcast %rsqrt3A : vector<16x200x1xf32> to vector<16x200x128xf32>
    %mul3A_42 = arith.mulf %sub3A_30, %mul3A_41 : vector<16x200x128xf32>
    %get3A_43 = arith.constant 0 : index
    %get3A_44 = vector.load %arg6[%get3A_43] : memref<128xf32, #tpu.memory_space<vmem>>, vector<128xf32>
    %broadcast_in_dim3A_45 = vector.shape_cast %get3A_44 : vector<128xf32> to vector<1x1x128xf32>
    %mul3A_46 = vector.broadcast %broadcast_in_dim3A_45 : vector<1x1x128xf32> to vector<16x200x128xf32>
    %mul3A_47 = arith.mulf %mul3A_42, %mul3A_46 : vector<16x200x128xf32>
    %get3A_48 = arith.constant 0 : index
    %get3A_49 = vector.load %arg7[%get3A_48] : memref<128xf32, #tpu.memory_space<vmem>>, vector<128xf32>
    %broadcast_in_dim3A_50 = vector.shape_cast %get3A_49 : vector<128xf32> to vector<1x1x128xf32>
    %add3A_51 = vector.broadcast %broadcast_in_dim3A_50 : vector<1x1x128xf32> to vector<16x200x128xf32>
    %add3A_52 = arith.addf %mul3A_47, %add3A_51 : vector<16x200x128xf32>
    %swap3A = arith.constant 0 : index
    %swap3A_53 = arith.constant 0 : index
    %swap3A_54 = arith.constant 0 : index
    %swap3A_55 = vector.load %arg8[%swap3A, %swap3A_53, %swap3A_54] : memref<16x200x128xf32, #tpu.memory_space<vmem>>, vector<16x200x128xf32>
    tpu.vector_store %arg8[%swap3A, %swap3A_53, %swap3A_54], %add3A_52 {strides = array<i32>} : memref<16x200x128xf32, #tpu.memory_space<vmem>>, vector<16x200x128xf32>,
    return
  }
  func.func @transform_0(%arg0: i32) -> (i32, i32, i32) {
    %c0_i32 = arith.constant 0 : i32
    %c0_i32_0 = arith.constant 0 : i32
    %c0_i32_1 = arith.constant 0 : i32
    %c0_i32_2 = arith.constant 0 : i32
    return %c0_i32, %c0_i32_0, %c0_i32_1 : i32, i32, i32
  }
  func.func @transform_1(%arg0: i32) -> (i32, i32, i32) {
    %c0_i32 = arith.constant 0 : i32
    %c0_i32_0 = arith.constant 0 : i32
    %c0_i32_1 = arith.constant 0 : i32
    return %arg0, %c0_i32, %c0_i32_0 : i32, i32, i32
  }
  func.func @transform_2(%arg0: i32) -> (i32, i32) {
    %c0_i32 = arith.constant 0 : i32
    %c0_i32_0 = arith.constant 0 : i32
    return %arg0, %c0_i32 : i32, i32
  }
  func.func @transform_3(%arg0: i32) -> (i32, i32) {
    %c0_i32 = arith.constant 0 : i32
    %c0_i32_0 = arith.constant 0 : i32
    %c0_i32_1 = arith.constant 0 : i32
    return %c0_i32, %c0_i32_0 : i32, i32
  }
  func.func @transform_4(%arg0: i32) -> (i32, i32) {
    %c0_i32 = arith.constant 0 : i32
    %c0_i32_0 = arith.constant 0 : i32
    %c0_i32_1 = arith.constant 0 : i32
    return %c0_i32, %c0_i32_0 : i32, i32
  }
  func.func @transform_5(%arg0: i32) -> i32 {
    %c0_i32 = arith.constant 0 : i32
    %c0_i32_0 = arith.constant 0 : i32
    return %c0_i32 : i32
  }
  func.func @transform_6(%arg0: i32) -> i32 {
    %c0_i32 = arith.constant 0 : i32
    %c0_i32_0 = arith.constant 0 : i32
    return %c0_i32 : i32
  }
  func.func @transform_7(%arg0: i32) -> (i32, i32, i32) {
    %add3A = arith.constant 16 : i32
    %add3A_0 = arith.addi %arg0, %add3A : i32
    %c0_i32 = arith.constant 0 : i32
    %c0_i32_1 = arith.constant 0 : i32
    %c0_i32_2 = arith.constant 0 : i32
    return %add3A_0, %c0_i32, %c0_i32_1 : i32, i32, i32
  }
}

module attributes {stable_mosaic.version = 14 : i64} {
  func.func @_ln_body_alias(%arg0: i32, %arg1: memref<1x8x128xf32, #tpu.memory_space<vmem>>, %arg2: memref<16x200x128xf32, #tpu.memory_space<vmem>>, %arg3: memref<16x200xf32, #tpu.memory_space<vmem>>, %arg4: memref<200x128xf32, #tpu.memory_space<vmem>>, %arg5: memref<2x128xf32, #tpu.memory_space<vmem>>, %arg6: memref<128xf32, #tpu.memory_space<vmem>>, %arg7: memref<128xf32, #tpu.memory_space<vmem>>, %arg8: memref<16x200x128xf32, #tpu.memory_space<vmem>>) attributes {dimension_semantics = [#tpu.dimension_semantics<arbitrary>], iteration_bounds = array<i64: 16>, scalar_prefetch = 0 : i64, scratch_operands = 0 : i64, tpu.core_type = #tpu.core_type<tc>, window_params = [{transform_indices = @transform_0, window_bounds = array<i64: 1, 8, 128>}, {transform_indices = @transform_1, window_bounds = array<i64: 16, 200, 128>}, {transform_indices = @transform_2, window_bounds = array<i64: 16, 200>}, {pipeline_mode = #tpu.pipeline_mode<synchronous>, transform_indices = @transform_3, window_bounds = array<i64: 200, 128>}, {pipeline_mode = #tpu.pipeline_mode<synchronous>, transform_indices = @transform_4, window_bounds = array<i64: 2, 128>}, {pipeline_mode = #tpu.pipeline_mode<synchronous>, transform_indices = @transform_5, window_bounds = array<i64: 128>}, {pipeline_mode = #tpu.pipeline_mode<synchronous>, transform_indices = @transform_6, window_bounds = array<i64: 128>}, {transform_indices = @transform_7, window_bounds = array<i64: 16, 200, 128>}]} {
    %get3A = arith.constant 0 : index
    %get3A_0 = arith.constant 0 : index
    %get3A_1 = arith.constant 0 : index
    %get3A_2 = vector.load %arg2[%get3A, %get3A_0, %get3A_1] : memref<16x200x128xf32, #tpu.memory_space<vmem>>, vector<16x200x128xf32>
    %get3A_3 = arith.constant 0 : index
    %get3A_4 = arith.constant 0 : index
    %get3A_5 = vector.load %arg3[%get3A_3, %get3A_4] : memref<16x200xf32, #tpu.memory_space<vmem>>, vector<16x200xf32>
    %get3A_6 = arith.constant 0 : index
    %get3A_7 = arith.constant 0 : index
    %get3A_8 = vector.load %arg4[%get3A_6, %get3A_7] : memref<200x128xf32, #tpu.memory_space<vmem>>, vector<200x128xf32>
    %get3A_9 = arith.constant 0 : index
    %get3A_10 = arith.constant 0 : index
    %get3A_11 = vector.load %arg5[%get3A_9, %get3A_10] : memref<2x128xf32, #tpu.memory_space<vmem>>, vector<2x128xf32>
    %broadcast_in_dim3A = vector.shape_cast %get3A_8 : vector<200x128xf32> to vector<1x200x128xf32>
    %add3A = vector.broadcast %broadcast_in_dim3A : vector<1x200x128xf32> to vector<16x200x128xf32>
    %add3A_12 = arith.addf %get3A_2, %add3A : vector<16x200x128xf32>
    %slice3A = vector.extract_strided_slice %get3A_11 {offsets = [0, 0], sizes = [1, 128], strides = [1, 1]} : vector<2x128xf32> to vector<1x128xf32>
    %squeeze3A = vector.shape_cast %slice3A : vector<1x128xf32> to vector<128xf32>
    %broadcast_in_dim3A_13 = vector.shape_cast %squeeze3A : vector<128xf32> to vector<1x1x128xf32>
    %add3A_14 = vector.broadcast %broadcast_in_dim3A_13 : vector<1x1x128xf32> to vector<16x200x128xf32>
    %add3A_15 = arith.addf %add3A_12, %add3A_14 : vector<16x200x128xf32>
    %broadcast_in_dim3A_16 = vector.shape_cast %get3A_5 : vector<16x200xf32> to vector<16x200x1xf32>
    %slice3A_17 = vector.extract_strided_slice %get3A_11 {offsets = [1, 0], sizes = [1, 128], strides = [1, 1]} : vector<2x128xf32> to vector<1x128xf32>
    %squeeze3A_18 = vector.shape_cast %slice3A_17 : vector<1x128xf32> to vector<128xf32>
    %slice3A_19 = vector.extract_strided_slice %get3A_11 {offsets = [0, 0], sizes = [1, 128], strides = [1, 1]} : vector<2x128xf32> to vector<1x128xf32>
    %squeeze3A_20 = vector.shape_cast %slice3A_19 : vector<1x128xf32> to vector<128xf32>
    %sub3A = arith.subf %squeeze3A_18, %squeeze3A_20 : vector<128xf32>
    %broadcast_in_dim3A_21 = vector.shape_cast %sub3A : vector<128xf32> to vector<1x1x128xf32>
    %mul3A = vector.broadcast %broadcast_in_dim3A_16 : vector<16x200x1xf32> to vector<16x200x128xf32>
    %mul3A_22 = vector.broadcast %broadcast_in_dim3A_21 : vector<1x1x128xf32> to vector<16x200x128xf32>
    %mul3A_23 = arith.mulf %mul3A, %mul3A_22 : vector<16x200x128xf32>
    %add3A_24 = arith.addf %add3A_15, %mul3A_23 : vector<16x200x128xf32>
    %reduce_sum3A = arith.constant dense<0.000000e+00> : vector<16x200xf32>
    %reduce_sum3A_25 = vector.multi_reduction <add>, %add3A_24, %reduce_sum3A [2] : vector<16x200x128xf32> to vector<16x200xf32>
    %broadcast_in_dim3A_26 = vector.shape_cast %reduce_sum3A_25 : vector<16x200xf32> to vector<16x200x1xf32>
    %div3A = arith.constant 1.280000e+02 : f32
    %div3A_27 = vector.broadcast %div3A : f32 to vector<16x200x1xf32>
    %div3A_28 = arith.divf %broadcast_in_dim3A_26, %div3A_27 : vector<16x200x1xf32>
    %sub3A_29 = vector.broadcast %div3A_28 : vector<16x200x1xf32> to vector<16x200x128xf32>
    %sub3A_30 = arith.subf %add3A_24, %sub3A_29 : vector<16x200x128xf32>
    %mul3A_31 = arith.mulf %sub3A_30, %sub3A_30 : vector<16x200x128xf32>
    %reduce_sum3A_32 = arith.constant dense<0.000000e+00> : vector<16x200xf32>
    %reduce_sum3A_33 = vector.multi_reduction <add>, %mul3A_31, %reduce_sum3A_32 [2] : vector<16x200x128xf32> to vector<16x200xf32>
    %broadcast_in_dim3A_34 = vector.shape_cast %reduce_sum3A_33 : vector<16x200xf32> to vector<16x200x1xf32>
    %div3A_35 = arith.constant 1.280000e+02 : f32
    %div3A_36 = vector.broadcast %div3A_35 : f32 to vector<16x200x1xf32>
    %div3A_37 = arith.divf %broadcast_in_dim3A_34, %div3A_36 : vector<16x200x1xf32>
    %add3A_38 = arith.constant 9.99999974E-6 : f32
    %add3A_39 = vector.broadcast %add3A_38 : f32 to vector<16x200x1xf32>
    %add3A_40 = arith.addf %div3A_37, %add3A_39 : vector<16x200x1xf32>
    %rsqrt3A = math.rsqrt %add3A_40 : vector<16x200x1xf32>
    %mul3A_41 = vector.broadcast %rsqrt3A : vector<16x200x1xf32> to vector<16x200x128xf32>
    %mul3A_42 = arith.mulf %sub3A_30, %mul3A_41 : vector<16x200x128xf32>
    %get3A_43 = arith.constant 0 : index
    %get3A_44 = vector.load %arg6[%get3A_43] : memref<128xf32, #tpu.memory_space<vmem>>, vector<128xf32>
    %broadcast_in_dim3A_45 = vector.shape_cast %get3A_44 : vector<128xf32> to vector<1x1x128xf32>
    %mul3A_46 = vector.broadcast %broadcast_in_dim3A_45 : vector<1x1x128xf32> to vector<16x200x128xf32>
    %mul3A_47 = arith.mulf %mul3A_42, %mul3A_46 : vector<16x200x128xf32>
    %get3A_48 = arith.constant 0 : index
    %get3A_49 = vector.load %arg7[%get3A_48] : memref<128xf32, #tpu.memory_space<vmem>>, vector<128xf32>
    %broadcast_in_dim3A_50 = vector.shape_cast %get3A_49 : vector<128xf32> to vector<1x1x128xf32>
    %add3A_51 = vector.broadcast %broadcast_in_dim3A_50 : vector<1x1x128xf32> to vector<16x200x128xf32>
    %add3A_52 = arith.addf %mul3A_47, %add3A_51 : vector<16x200x128xf32>
    %swap3A = arith.constant 0 : index
    %swap3A_53 = arith.constant 0 : index
    %swap3A_54 = arith.constant 0 : index
    %swap3A_55 = vector.load %arg8[%swap3A, %swap3A_53, %swap3A_54] : memref<16x200x128xf32, #tpu.memory_space<vmem>>, vector<16x200x128xf32>
    tpu.vector_store %arg8[%swap3A, %swap3A_53, %swap3A_54], %add3A_52 {strides = array<i32>} : memref<16x200x128xf32, #tpu.memory_space<vmem>>, vector<16x200x128xf32>,
    return
  }
  func.func @transform_0(%arg0: i32) -> (i32, i32, i32) {
    %c0_i32 = arith.constant 0 : i32
    %c0_i32_0 = arith.constant 0 : i32
    %c0_i32_1 = arith.constant 0 : i32
    %c0_i32_2 = arith.constant 0 : i32
    return %c0_i32, %c0_i32_0, %c0_i32_1 : i32, i32, i32
  }
  func.func @transform_1(%arg0: i32) -> (i32, i32, i32) {
    %c0_i32 = arith.constant 0 : i32
    %c0_i32_0 = arith.constant 0 : i32
    %c0_i32_1 = arith.constant 0 : i32
    return %arg0, %c0_i32, %c0_i32_0 : i32, i32, i32
  }
  func.func @transform_2(%arg0: i32) -> (i32, i32) {
    %c0_i32 = arith.constant 0 : i32
    %c0_i32_0 = arith.constant 0 : i32
    return %arg0, %c0_i32 : i32, i32
  }
  func.func @transform_3(%arg0: i32) -> (i32, i32) {
    %c0_i32 = arith.constant 0 : i32
    %c0_i32_0 = arith.constant 0 : i32
    %c0_i32_1 = arith.constant 0 : i32
    return %c0_i32, %c0_i32_0 : i32, i32
  }
  func.func @transform_4(%arg0: i32) -> (i32, i32) {
    %c0_i32 = arith.constant 0 : i32
    %c0_i32_0 = arith.constant 0 : i32
    %c0_i32_1 = arith.constant 0 : i32
    return %c0_i32, %c0_i32_0 : i32, i32
  }
  func.func @transform_5(%arg0: i32) -> i32 {
    %c0_i32 = arith.constant 0 : i32
    %c0_i32_0 = arith.constant 0 : i32
    return %c0_i32 : i32
  }
  func.func @transform_6(%arg0: i32) -> i32 {
    %c0_i32 = arith.constant 0 : i32
    %c0_i32_0 = arith.constant 0 : i32
    return %c0_i32 : i32
  }
  func.func @transform_7(%arg0: i32) -> (i32, i32, i32) {
    %add3A = arith.constant 32 : i32
    %add3A_0 = arith.addi %arg0, %add3A : i32
    %c0_i32 = arith.constant 0 : i32
    %c0_i32_1 = arith.constant 0 : i32
    %c0_i32_2 = arith.constant 0 : i32
    return %add3A_0, %c0_i32, %c0_i32_1 : i32, i32, i32
  }
}

module attributes {stable_mosaic.version = 14 : i64} {
  func.func @_ln_body_alias(%arg0: i32, %arg1: memref<1x8x128xf32, #tpu.memory_space<vmem>>, %arg2: memref<16x200x128xf32, #tpu.memory_space<vmem>>, %arg3: memref<16x200xf32, #tpu.memory_space<vmem>>, %arg4: memref<200x128xf32, #tpu.memory_space<vmem>>, %arg5: memref<2x128xf32, #tpu.memory_space<vmem>>, %arg6: memref<128xf32, #tpu.memory_space<vmem>>, %arg7: memref<128xf32, #tpu.memory_space<vmem>>, %arg8: memref<16x200x128xf32, #tpu.memory_space<vmem>>) attributes {dimension_semantics = [#tpu.dimension_semantics<arbitrary>], iteration_bounds = array<i64: 16>, scalar_prefetch = 0 : i64, scratch_operands = 0 : i64, tpu.core_type = #tpu.core_type<tc>, window_params = [{transform_indices = @transform_0, window_bounds = array<i64: 1, 8, 128>}, {transform_indices = @transform_1, window_bounds = array<i64: 16, 200, 128>}, {transform_indices = @transform_2, window_bounds = array<i64: 16, 200>}, {pipeline_mode = #tpu.pipeline_mode<synchronous>, transform_indices = @transform_3, window_bounds = array<i64: 200, 128>}, {pipeline_mode = #tpu.pipeline_mode<synchronous>, transform_indices = @transform_4, window_bounds = array<i64: 2, 128>}, {pipeline_mode = #tpu.pipeline_mode<synchronous>, transform_indices = @transform_5, window_bounds = array<i64: 128>}, {pipeline_mode = #tpu.pipeline_mode<synchronous>, transform_indices = @transform_6, window_bounds = array<i64: 128>}, {transform_indices = @transform_7, window_bounds = array<i64: 16, 200, 128>}]} {
    %get3A = arith.constant 0 : index
    %get3A_0 = arith.constant 0 : index
    %get3A_1 = arith.constant 0 : index
    %get3A_2 = vector.load %arg2[%get3A, %get3A_0, %get3A_1] : memref<16x200x128xf32, #tpu.memory_space<vmem>>, vector<16x200x128xf32>
    %get3A_3 = arith.constant 0 : index
    %get3A_4 = arith.constant 0 : index
    %get3A_5 = vector.load %arg3[%get3A_3, %get3A_4] : memref<16x200xf32, #tpu.memory_space<vmem>>, vector<16x200xf32>
    %get3A_6 = arith.constant 0 : index
    %get3A_7 = arith.constant 0 : index
    %get3A_8 = vector.load %arg4[%get3A_6, %get3A_7] : memref<200x128xf32, #tpu.memory_space<vmem>>, vector<200x128xf32>
    %get3A_9 = arith.constant 0 : index
    %get3A_10 = arith.constant 0 : index
    %get3A_11 = vector.load %arg5[%get3A_9, %get3A_10] : memref<2x128xf32, #tpu.memory_space<vmem>>, vector<2x128xf32>
    %broadcast_in_dim3A = vector.shape_cast %get3A_8 : vector<200x128xf32> to vector<1x200x128xf32>
    %add3A = vector.broadcast %broadcast_in_dim3A : vector<1x200x128xf32> to vector<16x200x128xf32>
    %add3A_12 = arith.addf %get3A_2, %add3A : vector<16x200x128xf32>
    %slice3A = vector.extract_strided_slice %get3A_11 {offsets = [0, 0], sizes = [1, 128], strides = [1, 1]} : vector<2x128xf32> to vector<1x128xf32>
    %squeeze3A = vector.shape_cast %slice3A : vector<1x128xf32> to vector<128xf32>
    %broadcast_in_dim3A_13 = vector.shape_cast %squeeze3A : vector<128xf32> to vector<1x1x128xf32>
    %add3A_14 = vector.broadcast %broadcast_in_dim3A_13 : vector<1x1x128xf32> to vector<16x200x128xf32>
    %add3A_15 = arith.addf %add3A_12, %add3A_14 : vector<16x200x128xf32>
    %broadcast_in_dim3A_16 = vector.shape_cast %get3A_5 : vector<16x200xf32> to vector<16x200x1xf32>
    %slice3A_17 = vector.extract_strided_slice %get3A_11 {offsets = [1, 0], sizes = [1, 128], strides = [1, 1]} : vector<2x128xf32> to vector<1x128xf32>
    %squeeze3A_18 = vector.shape_cast %slice3A_17 : vector<1x128xf32> to vector<128xf32>
    %slice3A_19 = vector.extract_strided_slice %get3A_11 {offsets = [0, 0], sizes = [1, 128], strides = [1, 1]} : vector<2x128xf32> to vector<1x128xf32>
    %squeeze3A_20 = vector.shape_cast %slice3A_19 : vector<1x128xf32> to vector<128xf32>
    %sub3A = arith.subf %squeeze3A_18, %squeeze3A_20 : vector<128xf32>
    %broadcast_in_dim3A_21 = vector.shape_cast %sub3A : vector<128xf32> to vector<1x1x128xf32>
    %mul3A = vector.broadcast %broadcast_in_dim3A_16 : vector<16x200x1xf32> to vector<16x200x128xf32>
    %mul3A_22 = vector.broadcast %broadcast_in_dim3A_21 : vector<1x1x128xf32> to vector<16x200x128xf32>
    %mul3A_23 = arith.mulf %mul3A, %mul3A_22 : vector<16x200x128xf32>
    %add3A_24 = arith.addf %add3A_15, %mul3A_23 : vector<16x200x128xf32>
    %reduce_sum3A = arith.constant dense<0.000000e+00> : vector<16x200xf32>
    %reduce_sum3A_25 = vector.multi_reduction <add>, %add3A_24, %reduce_sum3A [2] : vector<16x200x128xf32> to vector<16x200xf32>
    %broadcast_in_dim3A_26 = vector.shape_cast %reduce_sum3A_25 : vector<16x200xf32> to vector<16x200x1xf32>
    %div3A = arith.constant 1.280000e+02 : f32
    %div3A_27 = vector.broadcast %div3A : f32 to vector<16x200x1xf32>
    %div3A_28 = arith.divf %broadcast_in_dim3A_26, %div3A_27 : vector<16x200x1xf32>
    %sub3A_29 = vector.broadcast %div3A_28 : vector<16x200x1xf32> to vector<16x200x128xf32>
    %sub3A_30 = arith.subf %add3A_24, %sub3A_29 : vector<16x200x128xf32>
    %mul3A_31 = arith.mulf %sub3A_30, %sub3A_30 : vector<16x200x128xf32>
    %reduce_sum3A_32 = arith.constant dense<0.000000e+00> : vector<16x200xf32>
    %reduce_sum3A_33 = vector.multi_reduction <add>, %mul3A_31, %reduce_sum3A_32 [2] : vector<16x200x128xf32> to vector<16x200xf32>
    %broadcast_in_dim3A_34 = vector.shape_cast %reduce_sum3A_33 : vector<16x200xf32> to vector<16x200x1xf32>
    %div3A_35 = arith.constant 1.280000e+02 : f32
    %div3A_36 = vector.broadcast %div3A_35 : f32 to vector<16x200x1xf32>
    %div3A_37 = arith.divf %broadcast_in_dim3A_34, %div3A_36 : vector<16x200x1xf32>
    %add3A_38 = arith.constant 9.99999974E-6 : f32
    %add3A_39 = vector.broadcast %add3A_38 : f32 to vector<16x200x1xf32>
    %add3A_40 = arith.addf %div3A_37, %add3A_39 : vector<16x200x1xf32>
    %rsqrt3A = math.rsqrt %add3A_40 : vector<16x200x1xf32>
    %mul3A_41 = vector.broadcast %rsqrt3A : vector<16x200x1xf32> to vector<16x200x128xf32>
    %mul3A_42 = arith.mulf %sub3A_30, %mul3A_41 : vector<16x200x128xf32>
    %get3A_43 = arith.constant 0 : index
    %get3A_44 = vector.load %arg6[%get3A_43] : memref<128xf32, #tpu.memory_space<vmem>>, vector<128xf32>
    %broadcast_in_dim3A_45 = vector.shape_cast %get3A_44 : vector<128xf32> to vector<1x1x128xf32>
    %mul3A_46 = vector.broadcast %broadcast_in_dim3A_45 : vector<1x1x128xf32> to vector<16x200x128xf32>
    %mul3A_47 = arith.mulf %mul3A_42, %mul3A_46 : vector<16x200x128xf32>
    %get3A_48 = arith.constant 0 : index
    %get3A_49 = vector.load %arg7[%get3A_48] : memref<128xf32, #tpu.memory_space<vmem>>, vector<128xf32>
    %broadcast_in_dim3A_50 = vector.shape_cast %get3A_49 : vector<128xf32> to vector<1x1x128xf32>
    %add3A_51 = vector.broadcast %broadcast_in_dim3A_50 : vector<1x1x128xf32> to vector<16x200x128xf32>
    %add3A_52 = arith.addf %mul3A_47, %add3A_51 : vector<16x200x128xf32>
    %swap3A = arith.constant 0 : index
    %swap3A_53 = arith.constant 0 : index
    %swap3A_54 = arith.constant 0 : index
    %swap3A_55 = vector.load %arg8[%swap3A, %swap3A_53, %swap3A_54] : memref<16x200x128xf32, #tpu.memory_space<vmem>>, vector<16x200x128xf32>
    tpu.vector_store %arg8[%swap3A, %swap3A_53, %swap3A_54], %add3A_52 {strides = array<i32>} : memref<16x200x128xf32, #tpu.memory_space<vmem>>, vector<16x200x128xf32>,
    return
  }
  func.func @transform_0(%arg0: i32) -> (i32, i32, i32) {
    %c0_i32 = arith.constant 0 : i32
    %c0_i32_0 = arith.constant 0 : i32
    %c0_i32_1 = arith.constant 0 : i32
    %c0_i32_2 = arith.constant 0 : i32
    return %c0_i32, %c0_i32_0, %c0_i32_1 : i32, i32, i32
  }
  func.func @transform_1(%arg0: i32) -> (i32, i32, i32) {
    %c0_i32 = arith.constant 0 : i32
    %c0_i32_0 = arith.constant 0 : i32
    %c0_i32_1 = arith.constant 0 : i32
    return %arg0, %c0_i32, %c0_i32_0 : i32, i32, i32
  }
  func.func @transform_2(%arg0: i32) -> (i32, i32) {
    %c0_i32 = arith.constant 0 : i32
    %c0_i32_0 = arith.constant 0 : i32
    return %arg0, %c0_i32 : i32, i32
  }
  func.func @transform_3(%arg0: i32) -> (i32, i32) {
    %c0_i32 = arith.constant 0 : i32
    %c0_i32_0 = arith.constant 0 : i32
    %c0_i32_1 = arith.constant 0 : i32
    return %c0_i32, %c0_i32_0 : i32, i32
  }
  func.func @transform_4(%arg0: i32) -> (i32, i32) {
    %c0_i32 = arith.constant 0 : i32
    %c0_i32_0 = arith.constant 0 : i32
    %c0_i32_1 = arith.constant 0 : i32
    return %c0_i32, %c0_i32_0 : i32, i32
  }
  func.func @transform_5(%arg0: i32) -> i32 {
    %c0_i32 = arith.constant 0 : i32
    %c0_i32_0 = arith.constant 0 : i32
    return %c0_i32 : i32
  }
  func.func @transform_6(%arg0: i32) -> i32 {
    %c0_i32 = arith.constant 0 : i32
    %c0_i32_0 = arith.constant 0 : i32
    return %c0_i32 : i32
  }
  func.func @transform_7(%arg0: i32) -> (i32, i32, i32) {
    %add3A = arith.constant 48 : i32
    %add3A_0 = arith.addi %arg0, %add3A : i32
    %c0_i32 = arith.constant 0 : i32
    %c0_i32_1 = arith.constant 0 : i32
    %c0_i32_2 = arith.constant 0 : i32
    return %add3A_0, %c0_i32, %c0_i32_1 : i32, i32, i32
  }
}

</mosaic_0001>

<sc_bundles>
// kernel: kernel.10.cloned.1.call-start
scs
__scs_entry_jumppad:
0x0: {  	(pc) =	sbr.rel $0x88, $3  }
0x1: {  	(tag) =	ssettag $0x0;
	lr =	simm.s32 $0x1  }
0x2: {  	[smem:$0x3F9A] =	sst lr;
	_ =	strace $0xD0000000  }
0x3: {  	_ = 	snop  }
0x4: {  	_ = 	snop  }
0x5: {  	_ = 	snop  }
0x6: {  	_ = 	snop  }
0x7: {  	_ = 	snop  }
__scs_overlays_trampoline_lowered:
0x8: {  	[smem:$0x3FA9] =	sst s0  }
0x9: {  	[smem:$0x3FAA] =	sst s1  }
0xa: {  	[smem:$0x3FAB] =	sst s2  }
0xb: {  	[smem:$0x3FAC] =	sst s3  }
0xc: {  	[smem:$0x3FAD] =	sst s4  }
0xd: {  	[smem:$0x3FAE] =	sst s5  }
0xe: {  	[smem:$0x3FAF] =	sst s6  }
0xf: {  	[smem:$0x3FB0] =	sst s7  }
0x10: {  	[smem:$0x3FB1] =	sst s8  }
0x11: {  	[smem:$0x3FB2] =	sst s9;
	s0 =	simm.s32 @!p0 $0x0  }
0x12: {  	s1 =	sld [smem:$0x3F98];
	s0 =	simm.s32 @p0 $0x1  }
0x13: {  	[smem:$0x3FB3] =	sst s0;
	s0 =	simm.s32 @!p1 $0x0  }
0x14: {  	s2 =	sld [smem:$0x3F97];
	s0 =	simm.s32 @p1 $0x1  }
0x15: {  	[smem:$0x3FB4] =	sst s0;
	s0 =	simm.s32 @!p2 $0x0  }
0x16: {  	s3 =	sld [smem:$0x3FDB];
	s0 =	simm.s32 @p2 $0x1  }
0x17: {  	s4 =	simm.s32 $0x1BF5;
	[smem:$0x3FB6] =	sst s0  }
0x18: {  	s0 =	sld [smem:$0x3F99];
	_ =	swait.ge [sflag:s4], $0x0  }
0x19: {  	s7 =	sld [smem:$0x3F9A]  }
0x1a: {  	s8 =	sadd.s32 $0xFFFFE003, lr  }
0x1b: {  	s9 =	sadd.s32 $0xFFFFFEF7, lr;
	s5 =	simm.s32 $0xFFFFFFFF;
	p2 =	slt.u32 s8, $0xFFFFF086  }
0x1c: {  	p1 =	slt.u32 s9, $0xF7A;
	s5 =	simm.s32 @!p2 $0x0  }
0x1d: {  	s5 =	simm.s32 @p1 $0x1;
	p0 =	seq.s32 s7, s2  }
0x1e: {  	s7 =	smul.u32 @!p0 $0xF7A, s2;
	p2 =	seq.s32 @!p0 s5, $0x0  }
0x1f: {  	s9 =	smul.u32 $0xF7A, s1;
	s8 =	simm.s32 @!p0 $0x1BF5;
	p2 =	por !p2, p0  }
0x20: {  	[sflag:s8] =	ssyncset.s32 @!p0 $0xFFFFF086;
	s6 =	sadd.s32 @!p0 s3, s7;
	s7 =	simm.s32 @!p0 $0x108  }
0x21: {  	s3 =	sadd.s32 s3, s9;
	s6 =	sadd.s32 @!p0 $0x88, s6;
	s7 =	simm.s32 @p2 $0x1082  }
0x22: {  	[simem:s7], [sflag:s8] =	dma.local @!p0 [hbm:s6], $0xF7A  }
0x23: {  	s9 =	sor.u32 $0xD0000000, s2;
	s6 =	simm.s32 $0x108;
	_ =	swait.ge @!p0 [sflag:s8], $0x0  }
0x24: {  	s3 =	sadd.s32 $0x88, s3;
	s6 =	simm.s32 @!p1 $0x1082;
	[sflag:s4] =	ssyncset.s32 $0xFFFFF086  }
0x25: {  	[simem:s6], [sflag:s4] =	dma.local [hbm:s3], $0xF7A  }
0x26: {  	[smem:$0x3F9A] =	sst s1;
	(tag) =	ssettag s2;
	_ =	strace s9  }
0x27: {  	s1 =	sld [smem:$0x3FAA]  }
0x28: {  	s2 =	sld [smem:$0x3FAB]  }
0x29: {  	s4 =	sld [smem:$0x3FAD]  }
0x2a: {  	p0 =	seq.s32 s5, $0x0;
	s5 =	sld [smem:$0x3FAE]  }
0x2b: {  	s6 =	sld [smem:$0x3FAF]  }
0x2c: {  	s7 =	sld [smem:$0x3FB0]  }
0x2d: {  	s3 =	simm.s32 $0x108;
	s8 =	sld [smem:$0x3FB1]  }
0x2e: {  	s3 =	simm.s32 @!p0 $0x1082;
	s9 =	sld [smem:$0x3FB2]  }
0x2f: {  	lr =	sadd.s32 s0, s3;
	s0 =	sld [smem:$0x3FA9]  }
0x30: {  	s3 =	sld [smem:$0x3FAC]  }
0x31: {  	[smem:$0x3FB5] =	sst s10  }
0x32: {  	s10 =	sld [smem:$0x3FB3];
	_ =	sdelay $0x3  }
0x33: {  	p0 =	seq.s32 s10, $0x1;
	s10 =	sld [smem:$0x3FB5];
	_ =	sdelay $0x3  }
0x34: {  	[smem:$0x3FB5] =	sst s10  }
0x35: {  	s10 =	sld [smem:$0x3FB4];
	_ =	sdelay $0x3  }
0x36: {  	p1 =	seq.s32 s10, $0x1;
	s10 =	sld [smem:$0x3FB5];
	_ =	sdelay $0x3  }
0x37: {  	[smem:$0x3FB5] =	sst s10  }
0x38: {  	s10 =	sld [smem:$0x3FB6]  }
0x39: {  	_ = 	snop;
	(pc) =	sbr.ind lr, $3  }
0x3a: {  	_ = 	snop  }
0x3b: {  	_ = 	snop  }
0x3c: {  	p2 =	seq.s32 s10, $0x1;
	s10 =	sld [smem:$0x3FB5]  }
0x3d: {  	_ =	shalt  }
0x3e: {  	_ =	shalt  }
0x3f: {  	_ =	shalt  }
0x40: {  	_ =	shalt  }
0x41: {  	_ =	shalt  }
0x42: {  	_ =	shalt  }
0x43: {  	_ =	shalt  }
0x44: {  	_ =	shalt  }
0x45: {  	_ =	shalt  }
0x46: {  	_ =	shalt  }
0x47: {  	_ =	shalt  }
0x48: {  	_ =	shalt  }
0x49: {  	_ =	shalt  }
0x4a: {  	_ =	shalt  }
0x4b: {  	_ =	shalt  }
0x4c: {  	_ =	shalt  }
0x4d: {  	_ =	shalt  }
0x4e: {  	_ =	shalt  }
0x4f: {  	_ =	shalt  }
0x50: {  	_ =	shalt  }
0x51: {  	_ =	shalt  }
0x52: {  	_ =	shalt  }
0x53: {  	_ =	shalt  }
0x54: {  	_ =	shalt  }
0x55: {  	_ =	shalt  }
0x56: {  	_ =	shalt  }
0x57: {  	_ =	shalt  }
0x58: {  	_ =	shalt  }
0x59: {  	_ =	shalt  }
0x5a: {  	_ =	shalt  }
0x5b: {  	_ =	shalt  }
0x5c: {  	_ =	shalt  }
0x5d: {  	_ =	shalt  }
0x5e: {  	_ =	shalt  }
0x5f: {  	_ =	shalt  }
0x60: {  	_ =	shalt  }
0x61: {  	_ =	shalt  }
0x62: {  	_ =	shalt  }
0x63: {  	_ =	shalt  }
0x64: {  	_ =	shalt  }
0x65: {  	_ =	shalt  }
0x66: {  	_ =	shalt  }
0x67: {  	_ =	shalt  }
0x68: {  	_ =	shalt  }
0x69: {  	_ =	shalt  }
0x6a: {  	_ =	shalt  }
0x6b: {  	_ =	shalt  }
0x6c: {  	_ =	shalt  }
0x6d: {  	_ =	shalt  }
0x6e: {  	_ =	shalt  }
0x6f: {  	_ =	shalt  }
0x70: {  	_ =	shalt  }
0x71: {  	_ =	shalt  }
0x72: {  	_ =	shalt  }
0x73: {  	_ =	shalt  }
0x74: {  	_ =	shalt  }
0x75: {  	_ =	shalt  }
0x76: {  	_ =	shalt  }
0x77: {  	_ =	shalt  }
0x78: {  	_ =	shalt  }
0x79: {  	_ =	shalt  }
0x7a: {  	_ =	shalt  }
0x7b: {  	_ =	shalt  }
0x7c: {  	_ =	shalt  }
0x7d: {  	_ =	shalt  }
0x7e: {  	_ =	shalt  }
0x7f: {  	_ =	shalt  }
0x80: {  	_ =	shalt  }
0x81: {  	_ =	shalt  }
0x82: {  	_ =	shalt  }
0x83: {  	_ =	shalt  }
0x84: {  	_ =	shalt  }
0x85: {  	_ =	shalt  }
0x86: {  	_ =	shalt  }
0x87: {  	_ =	shalt  }
.Lfunc_end0:
.L_simem_size_0:
called_computation_lowered:
.L_overlay_start_0:
0x88: {  	s2 =	sld [smem:$0x3FD9]  }
0x89: {  	s3 =	sld [smem:$0x3FFE];
	_ =	sdelay $0x1  }
0x8a: {  	s1 =	srdreg.scid  }
0x8b: {  	s0 =	sand.u32 $0x1, s1  }
0x8c: {  	s17 =	sshll.u32 s0, $0xA;
	s2 =	sadd.s32 s3, s2  }
0x8d: {  	s2 =	sadd.s32 s2, s17  }
0x8e: {  	[smem:$0x3FC1] =	sst s2  }
0x8f: {  	_ = 	snop  }
0x90: {  	s2 =	sld [smem:$0x3FC7]  }
0x91: {  	s18 =	sld [smem:$0x3FD0];
	(tm) =	ssettm $0x1  }
0x92: {  	s4 =	sld [smem:$0x3FFB];
	_ =	sdelay $0x3  }
0x93: {  	_ =	strace s4  }
0x94: {  	s4 =	sld [smem:$0x3FFC];
	_ =	sdelay $0x3  }
0x95: {  	_ =	strace s4  }
0x96: {  	s4 =	sld [smem:$0x3FFD];
	_ =	sdelay $0x3  }
0x97: {  	_ =	strace s4  }
0x98: {  	_ =	strace $0x8FFFFFFF  }
0x99: {  	s19 =	sld [smem:$0x3FDB];
	_ =	sdelay $0x1  }
0x9a: {  	s5 =	simm.s32 $_scs_section_size  }
0x9b: {  	s6 =	simm.s32 $_size__tile_overlayer_lowered;
	s7 =	simm.s32 $_tile_overlayer_lowered  }
0x9c: {  	s22 =	simm.s32 $0x1BFF;
	s21 =	sshll.u32 s7, $0x1;
	s4 =	sadd.s32 s5, s19  }
0x9d: {  	s8 =	simm.s32 $0x0;
	s20 =	sshll.u32 s6, $0x1;
	s6 =	sadd.s32 s21, s4  }
0x9e: {  	[timem:s8], [sflag:s22] =	dma.local [hbm:s6], s20  }
0x9f: {  	_ =	swait.ge [sflag:s22], s20  }
0xa0: {  	s5 =	ssub.s32 $0x0, s20;
	[sflag:s22] =	ssyncset.done $0x0  }
0xa1: {  	[sflag:s22] =	ssyncadd.s32 s5;
	_ =	sdelay $0x1  }
0xa2: {  	s23 =	simm.s32 $0x1B8B  }
0xa3: {  	_ =	swait.ge [sflag:s23], $0x1  }
0xa4: {  	[sflag:s23] =	ssyncset.done $0x0  }
0xa5: {  	s25 =	simm.s32 $0x1B8E;
	s24 =	sld [smem:$0x3FFE];
	[sflag:s23] =	ssyncadd.s32 $0xFFFFFFFF  }
0xa6: {  	s26 =	simm.s32 $execute0_lowered;
	[smem:$0x3FD2] =	sst s25  }
0xa7: {  	s6 =	sshll.u32 s26, $0x1;
	_ =	strace $0x80000046;
	[dreg:$0x1] =	wrdreg $0xFFFFFFFF  }
0xa8: {  	s28 =	simm.s32 $_size_execute0_lowered;
	s4 =	sadd.s32 s4, s6;
	[dreg:$0x0] =	wrdreg $0x0  }
0xa9: {  	s6 =	sshll.u32 s28, $0x1;
	[dreg:$0x2] =	wrdreg s4  }
0xaa: {  	[dreg:$0x3] =	wrdreg s6  }
0xab: {  	[dreg:$0x4] =	wrdreg $0xC0  }
0xac: {  	_ =	task [dreg:s8], $0x5FFFF  }
0xad: {  	[dreg:$0x1] =	wrdreg $0xFFFFFFFF  }
0xae: {  	[dreg:$0x0] =	wrdreg $0x60  }
0xaf: {  	[dreg:$0x2] =	wrdreg s18  }
0xb0: {  	[dreg:$0x3] =	wrdreg s2  }
0xb1: {  	[dreg:$0x4] =	wrdreg s24  }
0xb2: {  	[dreg:$0x5] =	wrdreg $0x9  }
0xb3: {  	_ =	task.clear_ibuf [dreg:s8], $0x6FFFF;
	_ =	strace $0x90000046  }
0xb4: {  	s29 =	simm.s32 $0x9;
	_ =	strace $0x80000048  }
0xb5: {  	_ =	swait.ge [sflag:s29], $0x1  }
0xb6: {  	[sflag:s29] =	ssyncadd.s32 $0xFFFFFFFF  }
0xb7: {  	_ =	strace $0x90000048  }
0xb8: {  	_ =	sfence  }
0xb9: {  	s30 =	sld [smem:$0x0];
	_ =	sdelay $0x2  }
0xba: {  	s31 =	sshll.u32 s1, $0xD;
	s1 =	sshrl.u32 s1, $0x2  }
0xbb: {  	s3 =	sand.u32 $0x4000, s31;
	s1 =	sadd.s32 s1, s30  }
0xbc: {  	s0 =	sor.u32 s3, s0;
	s1 =	sshll.u32 s1, $0x11  }
0xbd: {  	s0 =	sor.u32 s1, s0  }
0xbe: {  	s0 =	sadd.s32 $0x8F2B, s0  }
0xbf: {  	[sflag:s0] =	ssyncadd.remote.s32 $0x1  }
0xc0: {  	_ =	sfence.sel $0xFFFF  }
0xc1: {  	[dreg:$0x0] =	wrdreg $0xFFFFFFFF;
	(pc) =	sbr.abs _section_cstart, $3  }
0xc2: {  	[dreg:$0x1] =	wrdreg $0xFFFFFFFF  }
0xc3: {  	_ =	task.clear_ibuf [dreg:s8], $0x2FFFF;
	_ =	strace $0x9FFFFFFF  }
0xc4: {  	(tm) =	ssettm $0x7FFFFFFF  }
0xc5: {  	_ =	shalt  }
tec
execute0_lowered:
.L_overlay_start_1:
0x0: {  	(tag) =	ssettag $0x1  }
0x1: {  	s4 =	rddreg [dreg:$0x0]  }
0x2: {  	s0 =	stileid.u32;
	s2 =	rddreg [dreg:$0x1]  }
0x3: {  	s1 =	srdreg.scid;
	s6 =	rddreg [dreg:$0x2];
	s3 =	simm.s32 $0x0  }
0x4: {  	s10 =	simm.s32 $0x2E80;
	s11 =	simm.s32 $0x5680;
	s12 =	simm.s32 $0x1  }
0x5: {  	s13 =	simm.s32 $0x7E80;
	s14 =	simm.s32 $0x2;
	s15 =	simm.s32 $0x3  }
0x6: {  	s16 =	simm.s32 $0x4;
	s17 =	simm.s32 $0x5;
	s18 =	simm.s32 $0x6  }
0x7: {  	s19 =	simm.s32 $0x7;
	s20 =	simm.s32 $0x8;
	s21 =	simm.s32 $0x0  }
0x8: {  	s5 =	sand.u32 $0x1, s1;
	s29 =	sshll.u32 s0, $0x1;
	s7 =	smul.u32 $0xC800, s0  }
0x9: {  	s8 =	sor.u32 s5, s29;
	s9 =	ssub.s32 $0x2, s5;
	s5 =	smul.u32 $0x6400, s5  }
0xa: {  	[smem:$0x7FF] =	sst s3;
	s8 =	smul.u32 $0x640, s8;
	s30 =	sshrl.u32 s9, $0x1  }
0xb: {  	_ =	strace $0x80000047;
	s6 =	sadd.s32 s7, s6;
	s7 =	ssub.s32 s9, s30  }
0xc: {  	s6 =	sadd.s32 s5, s6;
	s9 =	simm.s32 $0x680;
	s8 =	sshrl.u32 s8, $0x3  }
0xd: {  	s5 =	smax.u32 s7, $0x1;
	s6 =	sadd.s32 $0x2000, s6;
	s31 =	sadd.s32 s4, s8  }
0xe: {  	s7 =	simm.s32 $0x9;
	s8 =	simm.s32 $0x50;
	[dreg:$0x4] =	wrdreg s31  }
.LBB2_1:
0xf: {  	s0 =	rddreg [dreg:$0x4]  }
0x10: {  	[tilespmem:s3], [sflag:$0x9] =	stream.linear.gather [hbm4b:s0+s3], $0x640, $0x38;
	[tilespmem:$0xA680] =	vst v63  }
0x11: {  	_ =	swait.ge [sflag:s7], $0x640  }
0x12: {  	[sflag:s7] =	ssyncset.done $0x0  }
0x13: {  	p0 =	por $0x1, $0x1;
	[sflag:s7] =	ssyncadd.s32 $0xFFFFF9C0  }
0x14: {  	[tilespmem:s9], [sflag:$0x1] =	stream.indirect.gather [hbm4b:s2+s8], $0x80, s3, s8, $0xb8;
	[tilespmem:$0xA680] =	vst v63  }
0x15: {  	s22 =	simm.s32 @!p0 $0x7  }
0x16: {  	[tilespmem:s10], [sflag:$0x2] =	stream.indirect.gather [hbm4b:s2+s8], $0x80, s8, s8, $0xb8;
	[tilespmem:$0xA680] =	vst v63  }
0x17: {  	_ =	swait.ge @!p0 [sflag:s22], $0x2800  }
0x18: {  	[sflag:s22] =	ssyncset.done @!p0 $0x0  }
0x19: {  	s23 =	simm.s32 $0xA0;
	[sflag:s22] =	ssyncadd.s32 @!p0 $0xFFFFD800  }
0x1a: {  	[tilespmem:s11], [sflag:$0x3] =	stream.indirect.gather [hbm4b:s2+s8], $0x80, s23, s8, $0xb8;
	[tilespmem:$0xA680] =	vst v63  }
0x1b: {  	_ =	swait.ge [sflag:s12], $0x2800  }
0x1c: {  	[sflag:s12] =	ssyncset.done $0x0  }
0x1d: {  	s22 =	simm.s32 @!p0 $0x8;
	[sflag:s12] =	ssyncadd.s32 $0xFFFFD800  }
0x1e: {  	[hbm4b:s6+s3] =	stream.linear.scatter [tilespmem:s9], [sflag:$0x5], $0x2800, $0x38;
	[tilespmem:$0xA680] =	vst v63  }
0x1f: {  	_ =	swait.ge @!p0 [sflag:s22], $0x2800  }
0x20: {  	[sflag:s22] =	ssyncset.done @!p0 $0x0  }
0x21: {  	s29 =	simm.s32 $0xF0;
	[sflag:s22] =	ssyncadd.s32 @!p0 $0xFFFFD800  }
0x22: {  	[tilespmem:s13], [sflag:$0x4] =	stream.indirect.gather [hbm4b:s2+s8], $0x80, s29, s8, $0xb8;
	[tilespmem:$0xA680] =	vst v63  }
0x23: {  	_ =	swait.ge [sflag:s14], $0x2800  }
0x24: {  	p0 =	por $0x0, $0x0;
	[sflag:s14] =	ssyncset.done $0x0  }
0x25: {  	s30 =	sadd.s32 $0x500, s6;
	s23 =	simm.s32 @!p0 $0x5;
	[sflag:s14] =	ssyncadd.s32 $0xFFFFD800  }
0x26: {  	[hbm4b:s30+s3] =	stream.linear.scatter [tilespmem:s10], [sflag:$0x6], $0x2800, $0x38;
	[tilespmem:$0xA680] =	vst v63  }
0x27: {  	_ =	swait.ge @!p0 [sflag:s23], $0x2800  }
0x28: {  	s22 =	simm.s32 @!p0 $0x140;
	[sflag:s23] =	ssyncset.done @!p0 $0x0  }
0x29: {  	s25 =	simm.s32 @!p0 $0x50;
	s24 =	simm.s32 @!p0 $0x680;
	[sflag:s23] =	ssyncadd.s32 @!p0 $0xFFFFD800  }
0x2a: {  	[tilespmem:s24], [sflag:$0x1] =	stream.indirect.gather @!p0 [hbm4b:s2+s25], $0x80, s22, s25, $0xb8;
	[tilespmem:$0xA680] =	vst v63  }
0x2b: {  	_ =	swait.ge [sflag:s15], $0x2800  }
0x2c: {  	[sflag:s15] =	ssyncset.done $0x0  }
0x2d: {  	s31 =	sadd.s32 $0xA00, s6;
	s26 =	simm.s32 @!p0 $0x6;
	[sflag:s15] =	ssyncadd.s32 $0xFFFFD800  }
0x2e: {  	[hbm4b:s31+s3] =	stream.linear.scatter [tilespmem:s11], [sflag:$0x7], $0x2800, $0x38;
	[tilespmem:$0xA680] =	vst v63  }
0x2f: {  	_ =	swait.ge @!p0 [sflag:s26], $0x2800  }
0x30: {  	p1 =	por $0x0, $0x0;
	s28 =	simm.s32 @!p0 $0x2E80;
	[sflag:s26] =	ssyncset.done @!p0 $0x0  }
0x31: {  	s23 =	sadd.s32 $0x1400, s6;
	s22 =	simm.s32 @!p0 $0x190;
	[sflag:s26] =	ssyncadd.s32 @!p0 $0xFFFFD800  }
0x32: {  	[tilespmem:s28], [sflag:$0x2] =	stream.indirect.gather @!p0 [hbm4b:s2+s25], $0x80, s22, s25, $0xb8;
	[tilespmem:$0xA680] =	vst v63  }
0x33: {  	s24 =	simm.s32 $0x500;
	s26 =	simm.s32 $0xA00;
	s25 =	sadd.s32 $0xF00, s6  }
0x34: {  	s22 =	sadd.s32 $0xF00, s23;
	s28 =	sadd.s32 $0x1400, s23;
	_ =	swait.ge [sflag:s16], $0x2800  }
.LBB2_2:
0x35: {  	s29 =	simm.s32 @!p1 $0x7  }
0x36: {  	[sflag:s16] =	ssyncset.done $0x0;
	s30 =	smov.u32 s26;
	s26 =	sadd.s32 $0x500, s26  }
0x37: {  	s31 =	sadd.s32 $0xF00, s28;
	p0 =	sne.s32 s26, $0x1900;
	[sflag:s16] =	ssyncadd.s32 $0xFFFFD800  }
0x38: {  	[hbm4b:s25+s3] =	stream.linear.scatter [tilespmem:s13], [sflag:$0x8], $0x2800, $0x38;
	[tilespmem:$0xA680] =	vst v63  }
0x39: {  	s1 =	sshra.s32 s24, $0x2;
	s25 =	smov.u32 s22;
	_ =	swait.ge @!p1 [sflag:s29], $0x2800  }
0x3a: {  	s0 =	sadd.s32 $0xA0, s1;
	s22 =	smov.u32 s31;
	[sflag:s29] =	ssyncset.done @!p1 $0x0  }
0x3b: {  	[sflag:s29] =	ssyncadd.s32 @!p1 $0xFFFFD800  }
0x3c: {  	[tilespmem:s11], [sflag:$0x3] =	stream.indirect.gather [hbm4b:s2+s8], $0x80, s0, s8, $0xb8;
	[tilespmem:$0xA680] =	vst v63  }
0x3d: {  	_ =	swait.ge [sflag:s12], $0x2800  }
0x3e: {  	s0 =	simm.s32 @!p1 $0x8;
	[sflag:s12] =	ssyncset.done $0x0  }
0x3f: {  	[sflag:s12] =	ssyncadd.s32 $0xFFFFD800  }
0x40: {  	[hbm4b:s23+s3] =	stream.linear.scatter [tilespmem:s9], [sflag:$0x5], $0x2800, $0x38;
	[tilespmem:$0xA680] =	vst v63  }
0x41: {  	_ =	swait.ge @!p1 [sflag:s0], $0x2800  }
0x42: {  	s1 =	sadd.s32 $0xF0, s1;
	[sflag:s0] =	ssyncset.done @!p1 $0x0  }
0x43: {  	[sflag:s0] =	ssyncadd.s32 @!p1 $0xFFFFD800  }
0x44: {  	[tilespmem:s13], [sflag:$0x4] =	stream.indirect.gather [hbm4b:s2+s8], $0x80, s1, s8, $0xb8;
	[tilespmem:$0xA680] =	vst v63  }
0x45: {  	_ =	swait.ge [sflag:s14], $0x2800  }
0x46: {  	s0 =	sadd.s32 $0x500, s23;
	p1 =	seq.s32 s24, $0x1400;
	[sflag:s14] =	ssyncset.done $0x0  }
0x47: {  	s1 =	simm.s32 @!p1 $0x5;
	s24 =	sshra.s32 @!p1 s24, $0x2;
	[sflag:s14] =	ssyncadd.s32 $0xFFFFD800  }
0x48: {  	[hbm4b:s0+s3] =	stream.linear.scatter [tilespmem:s10], [sflag:$0x6], $0x2800, $0x38;
	[tilespmem:$0xA680] =	vst v63  }
0x49: {  	s29 =	sadd.s32 @!p1 $0x190, s24;
	s0 =	sadd.s32 @!p1 $0x140, s24;
	_ =	swait.ge @!p1 [sflag:s1], $0x2800  }
0x4a: {  	s31 =	simm.s32 @!p1 $0x50;
	s4 =	simm.s32 @!p1 $0x680;
	[sflag:s1] =	ssyncset.done @!p1 $0x0  }
0x4b: {  	s24 =	smov.u32 s30;
	[sflag:s1] =	ssyncadd.s32 @!p1 $0xFFFFD800  }
0x4c: {  	[tilespmem:s4], [sflag:$0x1] =	stream.indirect.gather @!p1 [hbm4b:s2+s31], $0x80, s0, s31, $0xb8;
	[tilespmem:$0xA680] =	vst v63  }
0x4d: {  	_ =	swait.ge [sflag:s15], $0x2800  }
0x4e: {  	s0 =	sadd.s32 $0xA00, s23;
	s23 =	smov.u32 s28;
	[sflag:s15] =	ssyncset.done $0x0  }
0x4f: {  	s1 =	simm.s32 @!p1 $0x6;
	[sflag:s15] =	ssyncadd.s32 $0xFFFFD800  }
0x50: {  	[hbm4b:s0+s3] =	stream.linear.scatter [tilespmem:s11], [sflag:$0x7], $0x2800, $0x38;
	[tilespmem:$0xA680] =	vst v63  }
.Ltmp0:
0x51: {  	_ =	swait.ge @!p1 [sflag:s1], $0x2800;
	(pc) =	sbr.rel @p0 .LBB2_2-.Ltmp0, $4  }
0x52: {  	s0 =	simm.s32 @!p1 $0x2E80;
	[sflag:s1] =	ssyncset.done @!p1 $0x0  }
0x53: {  	[sflag:s1] =	ssyncadd.s32 @!p1 $0xFFFFD800  }
0x54: {  	[tilespmem:s0], [sflag:$0x2] =	stream.indirect.gather @!p1 [hbm4b:s2+s31], $0x80, s29, s31, $0xb8;
	[tilespmem:$0xA680] =	vst v63  }
0x55: {  	s28 =	sadd.s32 $0x1400, s28;
	p1 =	seq.s32 s24, $0x0;
	_ =	swait.ge [sflag:s16], $0x2800  }
0x56: {  	[sflag:s16] =	ssyncset.done $0x0  }
0x57: {  	s0 =	simm.s32 @!p1 $0x7;
	[sflag:s16] =	ssyncadd.s32 $0xFFFFD800  }
0x58: {  	[hbm4b:s25+s3] =	stream.linear.scatter [tilespmem:s13], [sflag:$0x8], $0x2800, $0x38;
	[tilespmem:$0xA680] =	vst v63  }
0x59: {  	_ =	swait.ge @!p1 [sflag:s0], $0x2800  }
0x5a: {  	s1 =	sshra.s32 s24, $0x2;
	[sflag:s0] =	ssyncset.done @!p1 $0x0  }
0x5b: {  	s4 =	sadd.s32 $0xA0, s1;
	[sflag:s0] =	ssyncadd.s32 @!p1 $0xFFFFD800  }
0x5c: {  	[tilespmem:s11], [sflag:$0x3] =	stream.indirect.gather [hbm4b:s2+s8], $0x80, s4, s8, $0xb8;
	[tilespmem:$0xA680] =	vst v63  }
0x5d: {  	_ =	swait.ge [sflag:s12], $0x2800  }
0x5e: {  	[sflag:s12] =	ssyncset.done $0x0  }
0x5f: {  	s0 =	simm.s32 @!p1 $0x8;
	[sflag:s12] =	ssyncadd.s32 $0xFFFFD800  }
0x60: {  	[hbm4b:s23+s3] =	stream.linear.scatter [tilespmem:s9], [sflag:$0x5], $0x2800, $0x38;
	[tilespmem:$0xA680] =	vst v63  }
0x61: {  	_ =	swait.ge @!p1 [sflag:s0], $0x2800  }
0x62: {  	[sflag:s0] =	ssyncset.done @!p1 $0x0  }
0x63: {  	s1 =	sadd.s32 $0xF0, s1;
	[sflag:s0] =	ssyncadd.s32 @!p1 $0xFFFFD800  }
0x64: {  	[tilespmem:s13], [sflag:$0x4] =	stream.indirect.gather [hbm4b:s2+s8], $0x80, s1, s8, $0xb8;
	[tilespmem:$0xA680] =	vst v63  }
0x65: {  	_ =	swait.ge [sflag:s14], $0x2800  }
0x66: {  	p0 =	seq.s32 s24, $0x1400;
	[sflag:s14] =	ssyncset.done $0x0  }
0x67: {  	s30 =	sadd.s32 $0x500, s23;
	s1 =	simm.s32 @!p0 $0x5;
	[sflag:s14] =	ssyncadd.s32 $0xFFFFD800  }
0x68: {  	[hbm4b:s30+s3] =	stream.linear.scatter [tilespmem:s10], [sflag:$0x6], $0x2800, $0x38;
	[tilespmem:$0xA680] =	vst v63  }
0x69: {  	_ =	swait.ge @!p0 [sflag:s1], $0x2800  }
0x6a: {  	s25 =	simm.s32 @!p0 $0x680;
	s0 =	sshra.s32 @!p0 s24, $0x2;
	[sflag:s1] =	ssyncset.done @!p0 $0x0  }
0x6b: {  	s24 =	simm.s32 @!p0 $0x50;
	s4 =	sadd.s32 @!p0 $0x140, s0;
	[sflag:s1] =	ssyncadd.s32 @!p0 $0xFFFFD800  }
0x6c: {  	[tilespmem:s25], [sflag:$0x1] =	stream.indirect.gather @!p0 [hbm4b:s2+s24], $0x80, s4, s24, $0xb8;
	[tilespmem:$0xA680] =	vst v63  }
0x6d: {  	_ =	swait.ge [sflag:s15], $0x2800  }
0x6e: {  	[sflag:s15] =	ssyncset.done $0x0  }
0x6f: {  	s31 =	sadd.s32 $0xA00, s23;
	s4 =	simm.s32 @!p0 $0x6;
	[sflag:s15] =	ssyncadd.s32 $0xFFFFD800  }
0x70: {  	[hbm4b:s31+s3] =	stream.linear.scatter [tilespmem:s11], [sflag:$0x7], $0x2800, $0x38;
	[tilespmem:$0xA680] =	vst v63  }
0x71: {  	_ =	swait.ge @!p0 [sflag:s4], $0x2800  }
0x72: {  	[sflag:s4] =	ssyncset.done @!p0 $0x0  }
0x73: {  	s0 =	sadd.s32 @!p0 $0x190, s0;
	s1 =	simm.s32 @!p0 $0x2E80;
	[sflag:s4] =	ssyncadd.s32 @!p0 $0xFFFFD800  }
0x74: {  	[tilespmem:s1], [sflag:$0x2] =	stream.indirect.gather @!p0 [hbm4b:s2+s24], $0x80, s0, s24, $0xb8;
	[tilespmem:$0xA680] =	vst v63  }
0x75: {  	_ =	swait.ge [sflag:s16], $0x2800  }
0x76: {  	[sflag:s16] =	ssyncset.done $0x0  }
0x77: {  	[sflag:s16] =	ssyncadd.s32 $0xFFFFD800  }
0x78: {  	[hbm4b:s22+s3] =	stream.linear.scatter [tilespmem:s13], [sflag:$0x8], $0x2800, $0x38;
	[tilespmem:$0xA680] =	vst v63  }
0x79: {  	_ =	swait.ge [sflag:s17], $0x2800  }
0x7a: {  	[sflag:s17] =	ssyncset.done $0x0  }
0x7b: {  	[sflag:s17] =	ssyncadd.s32 $0xFFFFD800  }
0x7c: {  	_ =	swait.ge [sflag:s18], $0x2800  }
0x7d: {  	[sflag:s18] =	ssyncset.done $0x0  }
0x7e: {  	s21 =	sadd.s32 $0x1, s21;
	[sflag:s18] =	ssyncadd.s32 $0xFFFFD800  }
0x7f: {  	p0 =	sne.s32 s21, s5;
	_ =	swait.ge [sflag:s19], $0x2800  }
.Ltmp1:
0x80: {  	[sflag:s19] =	ssyncset.done $0x0;
	(pc) =	sbr.rel @p0 .LBB2_1-.Ltmp1, $4  }
0x81: {  	[sflag:s19] =	ssyncadd.s32 $0xFFFFD800  }
0x82: {  	_ =	swait.ge [sflag:s20], $0x2800  }
0x83: {  	[sflag:s20] =	ssyncset.done $0x0  }
0x84: {  	[sflag:s20] =	ssyncadd.s32 $0xFFFFD800  }
0x85: {  	_ =	sfence.sel $0x180000  }
0x86: {  	[bflag:$0x0] =	sbarrier.arrive $0xFFFF  }
0x87: {  	_ =	strace $0x90000047  }
0x88: {  	s0 =	stileid.u32;
	[bflag:$0x2] =	sbarrier.arrive $0xFFFF  }
0x89: {  	p0 =	sne.s32 s0, $0x0;
	s0 =	rddreg [dreg:$0x3]  }
0x8a: {  	s0 =	sadd.s32 @!p0 $0x100000, s0  }
0x8b: {  	[sflag:s0] =	ssyncadd.tile.s32 @!p0 $0x1;
	_ =	shalt  }
.Lfunc_end2:
_tile_overlayer_lowered:
.L_overlay_start_2:
0x8c: {  	(tag) =	ssettag $0x2  }
0x8d: {  	s0 =	rddreg [dreg:$0x0];
	s2 =	stileid.u32  }
0x8e: {  	s1 =	rddreg [dreg:$0x1];
	p0 =	sne.s32 s2, $0x0  }
0x8f: {  	s3 =	rddreg [dreg:$0x2];
	[bflag:$0x3] =	sbarrier.arrive $0xFFFF;
	s2 =	simm.s32 @!p0 $0x1C09  }
0x90: {  	[timem:s3], [sflag:s2] =	dma.local @!p0 [hbm:s0], s1  }
0x91: {  	s0 =	simm.s32 @!p0 $0x9  }
0x92: {  	_ =	swait.ge @!p0 [sflag:s0], s1  }
0x93: {  	s1 =	ssub.s32 @!p0 $0x0, s1;
	[sflag:s0] =	ssyncset.done @!p0 $0x0  }
0x94: {  	[sflag:s0] =	ssyncadd.s32 @!p0 s1  }
0x95: {  	[bflag:$0x3] =	sbarrier.arrive $0xFFFF  }
0x96: {  	_ =	shalt  }

// kernel: kernel.13.cloned.1.call-start
scs
__scs_entry_jumppad:
0x0: {  	(pc) =	sbr.rel $0x88, $3  }
0x1: {  	(tag) =	ssettag $0x0;
	lr =	simm.s32 $0x1  }
0x2: {  	[smem:$0x3F9A] =	sst lr;
	_ =	strace $0xD0000000  }
0x3: {  	_ = 	snop  }
0x4: {  	_ = 	snop  }
0x5: {  	_ = 	snop  }
0x6: {  	_ = 	snop  }
0x7: {  	_ = 	snop  }
__scs_overlays_trampoline_lowered:
0x8: {  	[smem:$0x3FA9] =	sst s0  }
0x9: {  	[smem:$0x3FAA] =	sst s1  }
0xa: {  	[smem:$0x3FAB] =	sst s2  }
0xb: {  	[smem:$0x3FAC] =	sst s3  }
0xc: {  	[smem:$0x3FAD] =	sst s4  }
0xd: {  	[smem:$0x3FAE] =	sst s5  }
0xe: {  	[smem:$0x3FAF] =	sst s6  }
0xf: {  	[smem:$0x3FB0] =	sst s7  }
0x10: {  	[smem:$0x3FB1] =	sst s8  }
0x11: {  	[smem:$0x3FB2] =	sst s9;
	s0 =	simm.s32 @!p0 $0x0  }
0x12: {  	s1 =	sld [smem:$0x3F98];
	s0 =	simm.s32 @p0 $0x1  }
0x13: {  	[smem:$0x3FB3] =	sst s0;
	s0 =	simm.s32 @!p1 $0x0  }
0x14: {  	s2 =	sld [smem:$0x3F97];
	s0 =	simm.s32 @p1 $0x1  }
0x15: {  	[smem:$0x3FB4] =	sst s0;
	s0 =	simm.s32 @!p2 $0x0  }
0x16: {  	s3 =	sld [smem:$0x3FDB];
	s0 =	simm.s32 @p2 $0x1  }
0x17: {  	s4 =	simm.s32 $0x1BF5;
	[smem:$0x3FB6] =	sst s0  }
0x18: {  	s0 =	sld [smem:$0x3F99];
	_ =	swait.ge [sflag:s4], $0x0  }
0x19: {  	s7 =	sld [smem:$0x3F9A]  }
0x1a: {  	s8 =	sadd.s32 $0xFFFFE003, lr  }
0x1b: {  	s9 =	sadd.s32 $0xFFFFFEF7, lr;
	s5 =	simm.s32 $0xFFFFFFFF;
	p2 =	slt.u32 s8, $0xFFFFF086  }
0x1c: {  	p1 =	slt.u32 s9, $0xF7A;
	s5 =	simm.s32 @!p2 $0x0  }
0x1d: {  	s5 =	simm.s32 @p1 $0x1;
	p0 =	seq.s32 s7, s2  }
0x1e: {  	s7 =	smul.u32 @!p0 $0xF7A, s2;
	p2 =	seq.s32 @!p0 s5, $0x0  }
0x1f: {  	s9 =	smul.u32 $0xF7A, s1;
	s8 =	simm.s32 @!p0 $0x1BF5;
	p2 =	por !p2, p0  }
0x20: {  	[sflag:s8] =	ssyncset.s32 @!p0 $0xFFFFF086;
	s6 =	sadd.s32 @!p0 s3, s7;
	s7 =	simm.s32 @!p0 $0x108  }
0x21: {  	s3 =	sadd.s32 s3, s9;
	s6 =	sadd.s32 @!p0 $0x88, s6;
	s7 =	simm.s32 @p2 $0x1082  }
0x22: {  	[simem:s7], [sflag:s8] =	dma.local @!p0 [hbm:s6], $0xF7A  }
0x23: {  	s9 =	sor.u32 $0xD0000000, s2;
	s6 =	simm.s32 $0x108;
	_ =	swait.ge @!p0 [sflag:s8], $0x0  }
0x24: {  	s3 =	sadd.s32 $0x88, s3;
	s6 =	simm.s32 @!p1 $0x1082;
	[sflag:s4] =	ssyncset.s32 $0xFFFFF086  }
0x25: {  	[simem:s6], [sflag:s4] =	dma.local [hbm:s3], $0xF7A  }
0x26: {  	[smem:$0x3F9A] =	sst s1;
	(tag) =	ssettag s2;
	_ =	strace s9  }
0x27: {  	s1 =	sld [smem:$0x3FAA]  }
0x28: {  	s2 =	sld [smem:$0x3FAB]  }
0x29: {  	s4 =	sld [smem:$0x3FAD]  }
0x2a: {  	p0 =	seq.s32 s5, $0x0;
	s5 =	sld [smem:$0x3FAE]  }
0x2b: {  	s6 =	sld [smem:$0x3FAF]  }
0x2c: {  	s7 =	sld [smem:$0x3FB0]  }
0x2d: {  	s3 =	simm.s32 $0x108;
	s8 =	sld [smem:$0x3FB1]  }
0x2e: {  	s3 =	simm.s32 @!p0 $0x1082;
	s9 =	sld [smem:$0x3FB2]  }
0x2f: {  	lr =	sadd.s32 s0, s3;
	s0 =	sld [smem:$0x3FA9]  }
0x30: {  	s3 =	sld [smem:$0x3FAC]  }
0x31: {  	[smem:$0x3FB5] =	sst s10  }
0x32: {  	s10 =	sld [smem:$0x3FB3];
	_ =	sdelay $0x3  }
0x33: {  	p0 =	seq.s32 s10, $0x1;
	s10 =	sld [smem:$0x3FB5];
	_ =	sdelay $0x3  }
0x34: {  	[smem:$0x3FB5] =	sst s10  }
0x35: {  	s10 =	sld [smem:$0x3FB4];
	_ =	sdelay $0x3  }
0x36: {  	p1 =	seq.s32 s10, $0x1;
	s10 =	sld [smem:$0x3FB5];
	_ =	sdelay $0x3  }
0x37: {  	[smem:$0x3FB5] =	sst s10  }
0x38: {  	s10 =	sld [smem:$0x3FB6]  }
0x39: {  	_ = 	snop;
	(pc) =	sbr.ind lr, $3  }
0x3a: {  	_ = 	snop  }
0x3b: {  	_ = 	snop  }
0x3c: {  	p2 =	seq.s32 s10, $0x1;
	s10 =	sld [smem:$0x3FB5]  }
0x3d: {  	_ =	shalt  }
0x3e: {  	_ =	shalt  }
0x3f: {  	_ =	shalt  }
0x40: {  	_ =	shalt  }
0x41: {  	_ =	shalt  }
0x42: {  	_ =	shalt  }
0x43: {  	_ =	shalt  }
0x44: {  	_ =	shalt  }
0x45: {  	_ =	shalt  }
0x46: {  	_ =	shalt  }
0x47: {  	_ =	shalt  }
0x48: {  	_ =	shalt  }
0x49: {  	_ =	shalt  }
0x4a: {  	_ =	shalt  }
0x4b: {  	_ =	shalt  }
0x4c: {  	_ =	shalt  }
0x4d: {  	_ =	shalt  }
0x4e: {  	_ =	shalt  }
0x4f: {  	_ =	shalt  }
0x50: {  	_ =	shalt  }
0x51: {  	_ =	shalt  }
0x52: {  	_ =	shalt  }
0x53: {  	_ =	shalt  }
0x54: {  	_ =	shalt  }
0x55: {  	_ =	shalt  }
0x56: {  	_ =	shalt  }
0x57: {  	_ =	shalt  }
0x58: {  	_ =	shalt  }
0x59: {  	_ =	shalt  }
0x5a: {  	_ =	shalt  }
0x5b: {  	_ =	shalt  }
0x5c: {  	_ =	shalt  }
0x5d: {  	_ =	shalt  }
0x5e: {  	_ =	shalt  }
0x5f: {  	_ =	shalt  }
0x60: {  	_ =	shalt  }
0x61: {  	_ =	shalt  }
0x62: {  	_ =	shalt  }
0x63: {  	_ =	shalt  }
0x64: {  	_ =	shalt  }
0x65: {  	_ =	shalt  }
0x66: {  	_ =	shalt  }
0x67: {  	_ =	shalt  }
0x68: {  	_ =	shalt  }
0x69: {  	_ =	shalt  }
0x6a: {  	_ =	shalt  }
0x6b: {  	_ =	shalt  }
0x6c: {  	_ =	shalt  }
0x6d: {  	_ =	shalt  }
0x6e: {  	_ =	shalt  }
0x6f: {  	_ =	shalt  }
0x70: {  	_ =	shalt  }
0x71: {  	_ =	shalt  }
0x72: {  	_ =	shalt  }
0x73: {  	_ =	shalt  }
0x74: {  	_ =	shalt  }
0x75: {  	_ =	shalt  }
0x76: {  	_ =	shalt  }
0x77: {  	_ =	shalt  }
0x78: {  	_ =	shalt  }
0x79: {  	_ =	shalt  }
0x7a: {  	_ =	shalt  }
0x7b: {  	_ =	shalt  }
0x7c: {  	_ =	shalt  }
0x7d: {  	_ =	shalt  }
0x7e: {  	_ =	shalt  }
0x7f: {  	_ =	shalt  }
0x80: {  	_ =	shalt  }
0x81: {  	_ =	shalt  }
0x82: {  	_ =	shalt  }
0x83: {  	_ =	shalt  }
0x84: {  	_ =	shalt  }
0x85: {  	_ =	shalt  }
0x86: {  	_ =	shalt  }
0x87: {  	_ =	shalt  }
.Lfunc_end0:
.L_simem_size_0:
called_computation.1_lowered:
.L_overlay_start_0:
0x88: {  	s2 =	sld [smem:$0x3FD9]  }
0x89: {  	s3 =	sld [smem:$0x3FFE];
	_ =	sdelay $0x1  }
0x8a: {  	s1 =	srdreg.scid  }
0x8b: {  	s0 =	sand.u32 $0x1, s1  }
0x8c: {  	s17 =	sshll.u32 s0, $0xA;
	s2 =	sadd.s32 s3, s2  }
0x8d: {  	s2 =	sadd.s32 s2, s17  }
0x8e: {  	[smem:$0x3FC1] =	sst s2  }
0x8f: {  	_ = 	snop  }
0x90: {  	s18 =	sld [smem:$0x3FC7];
	(tm) =	ssettm $0x1  }
0x91: {  	s19 =	sld [smem:$0x3FFB];
	_ =	sdelay $0x3  }
0x92: {  	_ =	strace s19  }
0x93: {  	s2 =	sld [smem:$0x3FFC];
	_ =	sdelay $0x3  }
0x94: {  	_ =	strace s2  }
0x95: {  	s2 =	sld [smem:$0x3FFD];
	_ =	sdelay $0x3  }
0x96: {  	_ =	strace s2  }
0x97: {  	_ =	strace $0x8FFFFFFF  }
0x98: {  	s20 =	sld [smem:$0x3FDB];
	_ =	sdelay $0x1  }
0x99: {  	s4 =	simm.s32 $_scs_section_size  }
0x9a: {  	s5 =	simm.s32 $_size__tile_overlayer_lowered;
	s6 =	simm.s32 $_tile_overlayer_lowered  }
0x9b: {  	s7 =	simm.s32 $0x1BFF;
	s21 =	sshll.u32 s6, $0x1;
	s4 =	sadd.s32 s4, s20  }
0x9c: {  	s22 =	simm.s32 $0x0;
	s5 =	sshll.u32 s5, $0x1;
	s6 =	sadd.s32 s21, s4  }
0x9d: {  	[timem:s22], [sflag:s7] =	dma.local [hbm:s6], s5  }
0x9e: {  	_ =	swait.ge [sflag:s7], s5  }
0x9f: {  	s5 =	ssub.s32 $0x0, s5;
	[sflag:s7] =	ssyncset.done $0x0  }
0xa0: {  	[sflag:s7] =	ssyncadd.s32 s5;
	_ =	sdelay $0x1  }
0xa1: {  	s23 =	simm.s32 $0x1B8B  }
0xa2: {  	_ =	swait.ge [sflag:s23], $0x1  }
0xa3: {  	[sflag:s23] =	ssyncset.done $0x0  }
0xa4: {  	[sflag:s23] =	ssyncadd.s32 $0xFFFFFFFF  }
0xa5: {  	s5 =	sld [smem:$0x0]  }
0xa6: {  	s6 =	sand.u32 $0xFFFFFFFE, s1  }
0xa7: {  	p0 =	sne.s32 s1, s6  }
0xa8: {  	s6 =	sshll.u32 @p0 s6, $0xE  }
0xa9: {  	s6 =	sadd.s32 @p0 $0x11B8D, s6;
	s7 =	sshll.u32 @p0 s5, $0x11  }
0xaa: {  	s6 =	sor.u32 @p0 s7, s6  }
0xab: {  	[sflag:s6] =	ssyncadd.remote.s32 @p0 $0x1;
	_ =	sdelay $0x1  }
0xac: {  	s6 =	simm.s32 @p0 $0x1B8D  }
0xad: {  	_ =	swait.eq @p0 [sflag:s6], $0x1  }
0xae: {  	[sflag:s6] =	ssyncadd.s32 @p0 $0xFFFFFFFF  }
0xaf: {  	s7 =	sshll.u32 @!p0 s1, $0xE  }
0xb0: {  	s7 =	sor.u32 @!p0 $0x4000, s7;
	s6 =	simm.s32 @!p0 $0x1B8D  }
0xb1: {  	s5 =	sshll.u32 @!p0 s5, $0x11;
	s7 =	sadd.s32 @!p0 $0x11B8D, s7;
	_ =	swait.eq @!p0 [sflag:s6], $0x1  }
0xb2: {  	s5 =	sor.u32 @!p0 s5, s7;
	[sflag:s6] =	ssyncadd.s32 @!p0 $0xFFFFFFFF  }
0xb3: {  	s25 =	simm.s32 $0x1B8E;
	s24 =	sld [smem:$0x3FFE];
	[sflag:s5] =	ssyncadd.remote.s32 @!p0 $0x1  }
0xb4: {  	s26 =	simm.s32 $execute0_lowered;
	[smem:$0x3FD2] =	sst s25  }
0xb5: {  	s6 =	sshll.u32 s26, $0x1;
	_ =	strace $0x80000049;
	[dreg:$0x1] =	wrdreg $0xFFFFFFFF  }
0xb6: {  	s28 =	simm.s32 $_size_execute0_lowered;
	s4 =	sadd.s32 s4, s6;
	[dreg:$0x0] =	wrdreg $0x0  }
0xb7: {  	s6 =	sshll.u32 s28, $0x1;
	[dreg:$0x2] =	wrdreg s4  }
0xb8: {  	[dreg:$0x3] =	wrdreg s6  }
0xb9: {  	[dreg:$0x4] =	wrdreg $0xC0  }
0xba: {  	_ =	task [dreg:s22], $0x5FFFF  }
0xbb: {  	[dreg:$0x1] =	wrdreg $0xFFFFFFFF  }
0xbc: {  	[dreg:$0x0] =	wrdreg $0x60  }
0xbd: {  	[dreg:$0x2] =	wrdreg s24  }
0xbe: {  	[dreg:$0x3] =	wrdreg s18  }
0xbf: {  	[dreg:$0x4] =	wrdreg $0xA  }
0xc0: {  	_ =	task.clear_ibuf [dreg:s22], $0x5FFFF;
	_ =	strace $0x90000049  }
0xc1: {  	s29 =	simm.s32 $0xA;
	_ =	strace $0x8000004B  }
0xc2: {  	_ =	swait.ge [sflag:s29], $0x1  }
0xc3: {  	[sflag:s29] =	ssyncadd.s32 $0xFFFFFFFF  }
0xc4: {  	_ =	strace $0x9000004B  }
0xc5: {  	_ =	sfence  }
0xc6: {  	s30 =	sld [smem:$0x0];
	_ =	sdelay $0x2  }
0xc7: {  	s31 =	sshll.u32 s1, $0xD;
	s1 =	sshrl.u32 s1, $0x2  }
0xc8: {  	s4 =	sand.u32 $0x4000, s31;
	s1 =	sadd.s32 s1, s30  }
0xc9: {  	s0 =	sor.u32 s4, s0;
	s1 =	sshll.u32 s1, $0x11  }
0xca: {  	s0 =	sor.u32 s1, s0  }
0xcb: {  	s0 =	sadd.s32 $0x8F2B, s0  }
0xcc: {  	[sflag:s0] =	ssyncadd.remote.s32 $0x1  }
0xcd: {  	_ =	sfence.sel $0xFFFF  }
0xce: {  	[dreg:$0x0] =	wrdreg $0xFFFFFFFF;
	(pc) =	sbr.abs _section_cstart, $3  }
0xcf: {  	[dreg:$0x1] =	wrdreg $0xFFFFFFFF  }
0xd0: {  	_ =	task.clear_ibuf [dreg:s22], $0x2FFFF;
	_ =	strace $0x9FFFFFFF  }
0xd1: {  	(tm) =	ssettm $0x7FFFFFFF  }
tec
execute0_lowered:
.L_overlay_start_1:
0x0: {  	(tag) =	ssettag $0x1  }
0x1: {  	s1 =	srdreg.scid  }
0x2: {  	s0 =	stileid.u32;
	s4 =	rddreg [dreg:$0x0]  }
0x3: {  	s2 =	rddreg [dreg:$0x1];
	s3 =	simm.s32 $0x0;
	s10 =	simm.s32 $0x2E80  }
0x4: {  	s11 =	simm.s32 $0x5680;
	s12 =	simm.s32 $0x1;
	s13 =	simm.s32 $0x7E80  }
0x5: {  	s14 =	simm.s32 $0x2;
	s15 =	simm.s32 $0x3;
	s16 =	simm.s32 $0x4  }
0x6: {  	s17 =	simm.s32 $0x5;
	s18 =	simm.s32 $0x6;
	s19 =	simm.s32 $0x7  }
0x7: {  	s20 =	simm.s32 $0x8;
	s5 =	sand.u32 $0x1, s1;
	s29 =	sshll.u32 s0, $0x1  }
0x8: {  	s21 =	simm.s32 $0x0;
	s7 =	smul.u32 $0xC800, s0;
	s6 =	sor.u32 s5, s29  }
0x9: {  	[smem:$0x7FF] =	sst s3;
	s8 =	ssub.s32 $0x2, s5;
	s6 =	smul.u32 $0x640, s6  }
0xa: {  	_ =	strace $0x8000004A;
	s5 =	smul.u32 $0x6400, s5;
	s9 =	sshrl.u32 s8, $0x1  }
0xb: {  	s7 =	sadd.s32 s7, s4;
	s30 =	ssub.s32 s8, s9;
	s6 =	sshrl.u32 s6, $0x3  }
0xc: {  	s7 =	sadd.s32 s5, s7;
	s8 =	simm.s32 $0x50;
	s4 =	sadd.s32 s6, s4  }
0xd: {  	s9 =	simm.s32 $0x680;
	s5 =	smax.u32 s30, $0x1;
	s31 =	sadd.s32 $0xCA000, s4  }
0xe: {  	s6 =	sadd.s32 $0xCEE00, s7;
	s7 =	simm.s32 $0x9;
	[dreg:$0x3] =	wrdreg s31  }
.LBB2_1:
0xf: {  	s0 =	rddreg [dreg:$0x3]  }
0x10: {  	[tilespmem:s3], [sflag:$0x9] =	stream.linear.gather [hbm4b:s0+s3], $0x640, $0x38;
	[tilespmem:$0xA680] =	vst v63  }
0x11: {  	_ =	swait.ge [sflag:s7], $0x640  }
0x12: {  	[sflag:s7] =	ssyncset.done $0x0  }
0x13: {  	p0 =	por $0x1, $0x1;
	[sflag:s7] =	ssyncadd.s32 $0xFFFFF9C0  }
0x14: {  	[tilespmem:s9], [sflag:$0x1] =	stream.indirect.gather [hbm4b:s2+s8], $0x80, s3, s8, $0xb8;
	[tilespmem:$0xA680] =	vst v63  }
0x15: {  	s22 =	simm.s32 @!p0 $0x7  }
0x16: {  	[tilespmem:s10], [sflag:$0x2] =	stream.indirect.gather [hbm4b:s2+s8], $0x80, s8, s8, $0xb8;
	[tilespmem:$0xA680] =	vst v63  }
0x17: {  	_ =	swait.ge @!p0 [sflag:s22], $0x2800  }
0x18: {  	[sflag:s22] =	ssyncset.done @!p0 $0x0  }
0x19: {  	s23 =	simm.s32 $0xA0;
	[sflag:s22] =	ssyncadd.s32 @!p0 $0xFFFFD800  }
0x1a: {  	[tilespmem:s11], [sflag:$0x3] =	stream.indirect.gather [hbm4b:s2+s8], $0x80, s23, s8, $0xb8;
	[tilespmem:$0xA680] =	vst v63  }
0x1b: {  	_ =	swait.ge [sflag:s12], $0x2800  }
0x1c: {  	[sflag:s12] =	ssyncset.done $0x0  }
0x1d: {  	s22 =	simm.s32 @!p0 $0x8;
	[sflag:s12] =	ssyncadd.s32 $0xFFFFD800  }
0x1e: {  	[hbm4b:s6+s3] =	stream.linear.scatter [tilespmem:s9], [sflag:$0x5], $0x2800, $0x38;
	[tilespmem:$0xA680] =	vst v63  }
0x1f: {  	_ =	swait.ge @!p0 [sflag:s22], $0x2800  }
0x20: {  	[sflag:s22] =	ssyncset.done @!p0 $0x0  }
0x21: {  	s29 =	simm.s32 $0xF0;
	[sflag:s22] =	ssyncadd.s32 @!p0 $0xFFFFD800  }
0x22: {  	[tilespmem:s13], [sflag:$0x4] =	stream.indirect.gather [hbm4b:s2+s8], $0x80, s29, s8, $0xb8;
	[tilespmem:$0xA680] =	vst v63  }
0x23: {  	_ =	swait.ge [sflag:s14], $0x2800  }
0x24: {  	p0 =	por $0x0, $0x0;
	[sflag:s14] =	ssyncset.done $0x0  }
0x25: {  	s30 =	sadd.s32 $0x500, s6;
	s23 =	simm.s32 @!p0 $0x5;
	[sflag:s14] =	ssyncadd.s32 $0xFFFFD800  }
0x26: {  	[hbm4b:s30+s3] =	stream.linear.scatter [tilespmem:s10], [sflag:$0x6], $0x2800, $0x38;
	[tilespmem:$0xA680] =	vst v63  }
0x27: {  	_ =	swait.ge @!p0 [sflag:s23], $0x2800  }
0x28: {  	s22 =	simm.s32 @!p0 $0x140;
	[sflag:s23] =	ssyncset.done @!p0 $0x0  }
0x29: {  	s25 =	simm.s32 @!p0 $0x50;
	s24 =	simm.s32 @!p0 $0x680;
	[sflag:s23] =	ssyncadd.s32 @!p0 $0xFFFFD800  }
0x2a: {  	[tilespmem:s24], [sflag:$0x1] =	stream.indirect.gather @!p0 [hbm4b:s2+s25], $0x80, s22, s25, $0xb8;
	[tilespmem:$0xA680] =	vst v63  }
0x2b: {  	_ =	swait.ge [sflag:s15], $0x2800  }
0x2c: {  	[sflag:s15] =	ssyncset.done $0x0  }
0x2d: {  	s31 =	sadd.s32 $0xA00, s6;
	s26 =	simm.s32 @!p0 $0x6;
	[sflag:s15] =	ssyncadd.s32 $0xFFFFD800  }
0x2e: {  	[hbm4b:s31+s3] =	stream.linear.scatter [tilespmem:s11], [sflag:$0x7], $0x2800, $0x38;
	[tilespmem:$0xA680] =	vst v63  }
0x2f: {  	_ =	swait.ge @!p0 [sflag:s26], $0x2800  }
0x30: {  	p1 =	por $0x0, $0x0;
	s28 =	simm.s32 @!p0 $0x2E80;
	[sflag:s26] =	ssyncset.done @!p0 $0x0  }
0x31: {  	s23 =	sadd.s32 $0x1400, s6;
	s22 =	simm.s32 @!p0 $0x190;
	[sflag:s26] =	ssyncadd.s32 @!p0 $0xFFFFD800  }
0x32: {  	[tilespmem:s28], [sflag:$0x2] =	stream.indirect.gather @!p0 [hbm4b:s2+s25], $0x80, s22, s25, $0xb8;
	[tilespmem:$0xA680] =	vst v63  }
0x33: {  	s24 =	simm.s32 $0x500;
	s26 =	simm.s32 $0xA00;
	s25 =	sadd.s32 $0xF00, s6  }
0x34: {  	s22 =	sadd.s32 $0xF00, s23;
	s28 =	sadd.s32 $0x1400, s23;
	_ =	swait.ge [sflag:s16], $0x2800  }
.LBB2_2:
0x35: {  	s29 =	simm.s32 @!p1 $0x7  }
0x36: {  	[sflag:s16] =	ssyncset.done $0x0;
	s30 =	smov.u32 s26;
	s26 =	sadd.s32 $0x500, s26  }
0x37: {  	s31 =	sadd.s32 $0xF00, s28;
	p0 =	sne.s32 s26, $0x1900;
	[sflag:s16] =	ssyncadd.s32 $0xFFFFD800  }
0x38: {  	[hbm4b:s25+s3] =	stream.linear.scatter [tilespmem:s13], [sflag:$0x8], $0x2800, $0x38;
	[tilespmem:$0xA680] =	vst v63  }
0x39: {  	s1 =	sshra.s32 s24, $0x2;
	s25 =	smov.u32 s22;
	_ =	swait.ge @!p1 [sflag:s29], $0x2800  }
0x3a: {  	s0 =	sadd.s32 $0xA0, s1;
	s22 =	smov.u32 s31;
	[sflag:s29] =	ssyncset.done @!p1 $0x0  }
0x3b: {  	[sflag:s29] =	ssyncadd.s32 @!p1 $0xFFFFD800  }
0x3c: {  	[tilespmem:s11], [sflag:$0x3] =	stream.indirect.gather [hbm4b:s2+s8], $0x80, s0, s8, $0xb8;
	[tilespmem:$0xA680] =	vst v63  }
0x3d: {  	_ =	swait.ge [sflag:s12], $0x2800  }
0x3e: {  	s0 =	simm.s32 @!p1 $0x8;
	[sflag:s12] =	ssyncset.done $0x0  }
0x3f: {  	[sflag:s12] =	ssyncadd.s32 $0xFFFFD800  }
0x40: {  	[hbm4b:s23+s3] =	stream.linear.scatter [tilespmem:s9], [sflag:$0x5], $0x2800, $0x38;
	[tilespmem:$0xA680] =	vst v63  }
0x41: {  	_ =	swait.ge @!p1 [sflag:s0], $0x2800  }
0x42: {  	s1 =	sadd.s32 $0xF0, s1;
	[sflag:s0] =	ssyncset.done @!p1 $0x0  }
0x43: {  	[sflag:s0] =	ssyncadd.s32 @!p1 $0xFFFFD800  }
0x44: {  	[tilespmem:s13], [sflag:$0x4] =	stream.indirect.gather [hbm4b:s2+s8], $0x80, s1, s8, $0xb8;
	[tilespmem:$0xA680] =	vst v63  }
0x45: {  	_ =	swait.ge [sflag:s14], $0x2800  }
0x46: {  	s0 =	sadd.s32 $0x500, s23;
	p1 =	seq.s32 s24, $0x1400;
	[sflag:s14] =	ssyncset.done $0x0  }
0x47: {  	s1 =	simm.s32 @!p1 $0x5;
	s24 =	sshra.s32 @!p1 s24, $0x2;
	[sflag:s14] =	ssyncadd.s32 $0xFFFFD800  }
0x48: {  	[hbm4b:s0+s3] =	stream.linear.scatter [tilespmem:s10], [sflag:$0x6], $0x2800, $0x38;
	[tilespmem:$0xA680] =	vst v63  }
0x49: {  	s29 =	sadd.s32 @!p1 $0x190, s24;
	s0 =	sadd.s32 @!p1 $0x140, s24;
	_ =	swait.ge @!p1 [sflag:s1], $0x2800  }
0x4a: {  	s31 =	simm.s32 @!p1 $0x50;
	s4 =	simm.s32 @!p1 $0x680;
	[sflag:s1] =	ssyncset.done @!p1 $0x0  }
0x4b: {  	s24 =	smov.u32 s30;
	[sflag:s1] =	ssyncadd.s32 @!p1 $0xFFFFD800  }
0x4c: {  	[tilespmem:s4], [sflag:$0x1] =	stream.indirect.gather @!p1 [hbm4b:s2+s31], $0x80, s0, s31, $0xb8;
	[tilespmem:$0xA680] =	vst v63  }
0x4d: {  	_ =	swait.ge [sflag:s15], $0x2800  }
0x4e: {  	s0 =	sadd.s32 $0xA00, s23;
	s23 =	smov.u32 s28;
	[sflag:s15] =	ssyncset.done $0x0  }
0x4f: {  	s1 =	simm.s32 @!p1 $0x6;
	[sflag:s15] =	ssyncadd.s32 $0xFFFFD800  }
0x50: {  	[hbm4b:s0+s3] =	stream.linear.scatter [tilespmem:s11], [sflag:$0x7], $0x2800, $0x38;
	[tilespmem:$0xA680] =	vst v63  }
.Ltmp0:
0x51: {  	_ =	swait.ge @!p1 [sflag:s1], $0x2800;
	(pc) =	sbr.rel @p0 .LBB2_2-.Ltmp0, $4  }
0x52: {  	s0 =	simm.s32 @!p1 $0x2E80;
	[sflag:s1] =	ssyncset.done @!p1 $0x0  }
0x53: {  	[sflag:s1] =	ssyncadd.s32 @!p1 $0xFFFFD800  }
0x54: {  	[tilespmem:s0], [sflag:$0x2] =	stream.indirect.gather @!p1 [hbm4b:s2+s31], $0x80, s29, s31, $0xb8;
	[tilespmem:$0xA680] =	vst v63  }
0x55: {  	s28 =	sadd.s32 $0x1400, s28;
	p1 =	seq.s32 s24, $0x0;
	_ =	swait.ge [sflag:s16], $0x2800  }
0x56: {  	[sflag:s16] =	ssyncset.done $0x0  }
0x57: {  	s0 =	simm.s32 @!p1 $0x7;
	[sflag:s16] =	ssyncadd.s32 $0xFFFFD800  }
0x58: {  	[hbm4b:s25+s3] =	stream.linear.scatter [tilespmem:s13], [sflag:$0x8], $0x2800, $0x38;
	[tilespmem:$0xA680] =	vst v63  }
0x59: {  	_ =	swait.ge @!p1 [sflag:s0], $0x2800  }
0x5a: {  	s1 =	sshra.s32 s24, $0x2;
	[sflag:s0] =	ssyncset.done @!p1 $0x0  }
0x5b: {  	s4 =	sadd.s32 $0xA0, s1;
	[sflag:s0] =	ssyncadd.s32 @!p1 $0xFFFFD800  }
0x5c: {  	[tilespmem:s11], [sflag:$0x3] =	stream.indirect.gather [hbm4b:s2+s8], $0x80, s4, s8, $0xb8;
	[tilespmem:$0xA680] =	vst v63  }
0x5d: {  	_ =	swait.ge [sflag:s12], $0x2800  }
0x5e: {  	[sflag:s12] =	ssyncset.done $0x0  }
0x5f: {  	s0 =	simm.s32 @!p1 $0x8;
	[sflag:s12] =	ssyncadd.s32 $0xFFFFD800  }
0x60: {  	[hbm4b:s23+s3] =	stream.linear.scatter [tilespmem:s9], [sflag:$0x5], $0x2800, $0x38;
	[tilespmem:$0xA680] =	vst v63  }
0x61: {  	_ =	swait.ge @!p1 [sflag:s0], $0x2800  }
0x62: {  	[sflag:s0] =	ssyncset.done @!p1 $0x0  }
0x63: {  	s1 =	sadd.s32 $0xF0, s1;
	[sflag:s0] =	ssyncadd.s32 @!p1 $0xFFFFD800  }
0x64: {  	[tilespmem:s13], [sflag:$0x4] =	stream.indirect.gather [hbm4b:s2+s8], $0x80, s1, s8, $0xb8;
	[tilespmem:$0xA680] =	vst v63  }
0x65: {  	_ =	swait.ge [sflag:s14], $0x2800  }
0x66: {  	p0 =	seq.s32 s24, $0x1400;
	[sflag:s14] =	ssyncset.done $0x0  }
0x67: {  	s30 =	sadd.s32 $0x500, s23;
	s1 =	simm.s32 @!p0 $0x5;
	[sflag:s14] =	ssyncadd.s32 $0xFFFFD800  }
0x68: {  	[hbm4b:s30+s3] =	stream.linear.scatter [tilespmem:s10], [sflag:$0x6], $0x2800, $0x38;
	[tilespmem:$0xA680] =	vst v63  }
0x69: {  	_ =	swait.ge @!p0 [sflag:s1], $0x2800  }
0x6a: {  	s25 =	simm.s32 @!p0 $0x680;
	s0 =	sshra.s32 @!p0 s24, $0x2;
	[sflag:s1] =	ssyncset.done @!p0 $0x0  }
0x6b: {  	s24 =	simm.s32 @!p0 $0x50;
	s4 =	sadd.s32 @!p0 $0x140, s0;
	[sflag:s1] =	ssyncadd.s32 @!p0 $0xFFFFD800  }
0x6c: {  	[tilespmem:s25], [sflag:$0x1] =	stream.indirect.gather @!p0 [hbm4b:s2+s24], $0x80, s4, s24, $0xb8;
	[tilespmem:$0xA680] =	vst v63  }
0x6d: {  	_ =	swait.ge [sflag:s15], $0x2800  }
0x6e: {  	[sflag:s15] =	ssyncset.done $0x0  }
0x6f: {  	s31 =	sadd.s32 $0xA00, s23;
	s4 =	simm.s32 @!p0 $0x6;
	[sflag:s15] =	ssyncadd.s32 $0xFFFFD800  }
0x70: {  	[hbm4b:s31+s3] =	stream.linear.scatter [tilespmem:s11], [sflag:$0x7], $0x2800, $0x38;
	[tilespmem:$0xA680] =	vst v63  }
0x71: {  	_ =	swait.ge @!p0 [sflag:s4], $0x2800  }
0x72: {  	[sflag:s4] =	ssyncset.done @!p0 $0x0  }
0x73: {  	s0 =	sadd.s32 @!p0 $0x190, s0;
	s1 =	simm.s32 @!p0 $0x2E80;
	[sflag:s4] =	ssyncadd.s32 @!p0 $0xFFFFD800  }
0x74: {  	[tilespmem:s1], [sflag:$0x2] =	stream.indirect.gather @!p0 [hbm4b:s2+s24], $0x80, s0, s24, $0xb8;
	[tilespmem:$0xA680] =	vst v63  }
0x75: {  	_ =	swait.ge [sflag:s16], $0x2800  }
0x76: {  	[sflag:s16] =	ssyncset.done $0x0  }
0x77: {  	[sflag:s16] =	ssyncadd.s32 $0xFFFFD800  }
0x78: {  	[hbm4b:s22+s3] =	stream.linear.scatter [tilespmem:s13], [sflag:$0x8], $0x2800, $0x38;
	[tilespmem:$0xA680] =	vst v63  }
0x79: {  	_ =	swait.ge [sflag:s17], $0x2800  }
0x7a: {  	[sflag:s17] =	ssyncset.done $0x0  }
0x7b: {  	[sflag:s17] =	ssyncadd.s32 $0xFFFFD800  }
0x7c: {  	_ =	swait.ge [sflag:s18], $0x2800  }
0x7d: {  	[sflag:s18] =	ssyncset.done $0x0  }
0x7e: {  	s21 =	sadd.s32 $0x1, s21;
	[sflag:s18] =	ssyncadd.s32 $0xFFFFD800  }
0x7f: {  	p0 =	sne.s32 s21, s5;
	_ =	swait.ge [sflag:s19], $0x2800  }
.Ltmp1:
0x80: {  	[sflag:s19] =	ssyncset.done $0x0;
	(pc) =	sbr.rel @p0 .LBB2_1-.Ltmp1, $4  }
0x81: {  	[sflag:s19] =	ssyncadd.s32 $0xFFFFD800  }
0x82: {  	_ =	swait.ge [sflag:s20], $0x2800  }
0x83: {  	[sflag:s20] =	ssyncset.done $0x0  }
0x84: {  	[sflag:s20] =	ssyncadd.s32 $0xFFFFD800  }
0x85: {  	_ =	sfence.sel $0x180000  }
0x86: {  	[bflag:$0x0] =	sbarrier.arrive $0xFFFF  }
0x87: {  	_ =	strace $0x9000004A  }
0x88: {  	s0 =	stileid.u32;
	[bflag:$0x2] =	sbarrier.arrive $0xFFFF  }
0x89: {  	p0 =	sne.s32 s0, $0x0;
	s0 =	rddreg [dreg:$0x2]  }
0x8a: {  	s0 =	sadd.s32 @!p0 $0x100000, s0  }
0x8b: {  	[sflag:s0] =	ssyncadd.tile.s32 @!p0 $0x1;
	_ =	shalt  }
.Lfunc_end2:
_tile_overlayer_lowered:
.L_overlay_start_2:
0x8c: {  	(tag) =	ssettag $0x2  }
0x8d: {  	s0 =	rddreg [dreg:$0x0];
	s2 =	stileid.u32  }
0x8e: {  	s1 =	rddreg [dreg:$0x1];
	p0 =	sne.s32 s2, $0x0  }
0x8f: {  	s3 =	rddreg [dreg:$0x2];
	[bflag:$0x3] =	sbarrier.arrive $0xFFFF;
	s2 =	simm.s32 @!p0 $0x1C09  }
0x90: {  	[timem:s3], [sflag:s2] =	dma.local @!p0 [hbm:s0], s1  }
0x91: {  	s0 =	simm.s32 @!p0 $0x9  }
0x92: {  	_ =	swait.ge @!p0 [sflag:s0], s1  }
0x93: {  	s1 =	ssub.s32 @!p0 $0x0, s1;
	[sflag:s0] =	ssyncset.done @!p0 $0x0  }
0x94: {  	[sflag:s0] =	ssyncadd.s32 @!p0 s1  }
0x95: {  	[bflag:$0x3] =	sbarrier.arrive $0xFFFF  }
0x96: {  	_ =	shalt  }

// kernel: kernel.16.cloned.1.call-start
scs
__scs_entry_jumppad:
0x0: {  	(pc) =	sbr.rel $0x88, $3  }
0x1: {  	(tag) =	ssettag $0x0;
	lr =	simm.s32 $0x1  }
0x2: {  	[smem:$0x3F9A] =	sst lr;
	_ =	strace $0xD0000000  }
0x3: {  	_ = 	snop  }
0x4: {  	_ = 	snop  }
0x5: {  	_ = 	snop  }
0x6: {  	_ = 	snop  }
0x7: {  	_ = 	snop  }
__scs_overlays_trampoline_lowered:
0x8: {  	[smem:$0x3FA9] =	sst s0  }
0x9: {  	[smem:$0x3FAA] =	sst s1  }
0xa: {  	[smem:$0x3FAB] =	sst s2  }
0xb: {  	[smem:$0x3FAC] =	sst s3  }
0xc: {  	[smem:$0x3FAD] =	sst s4  }
0xd: {  	[smem:$0x3FAE] =	sst s5  }
0xe: {  	[smem:$0x3FAF] =	sst s6  }
0xf: {  	[smem:$0x3FB0] =	sst s7  }
0x10: {  	[smem:$0x3FB1] =	sst s8  }
0x11: {  	[smem:$0x3FB2] =	sst s9;
	s0 =	simm.s32 @!p0 $0x0  }
0x12: {  	s1 =	sld [smem:$0x3F98];
	s0 =	simm.s32 @p0 $0x1  }
0x13: {  	[smem:$0x3FB3] =	sst s0;
	s0 =	simm.s32 @!p1 $0x0  }
0x14: {  	s2 =	sld [smem:$0x3F97];
	s0 =	simm.s32 @p1 $0x1  }
0x15: {  	[smem:$0x3FB4] =	sst s0;
	s0 =	simm.s32 @!p2 $0x0  }
0x16: {  	s3 =	sld [smem:$0x3FDB];
	s0 =	simm.s32 @p2 $0x1  }
0x17: {  	s4 =	simm.s32 $0x1BF5;
	[smem:$0x3FB6] =	sst s0  }
0x18: {  	s0 =	sld [smem:$0x3F99];
	_ =	swait.ge [sflag:s4], $0x0  }
0x19: {  	s7 =	sld [smem:$0x3F9A]  }
0x1a: {  	s8 =	sadd.s32 $0xFFFFE003, lr  }
0x1b: {  	s9 =	sadd.s32 $0xFFFFFEF7, lr;
	s5 =	simm.s32 $0xFFFFFFFF;
	p2 =	slt.u32 s8, $0xFFFFF086  }
0x1c: {  	p1 =	slt.u32 s9, $0xF7A;
	s5 =	simm.s32 @!p2 $0x0  }
0x1d: {  	s5 =	simm.s32 @p1 $0x1;
	p0 =	seq.s32 s7, s2  }
0x1e: {  	s7 =	smul.u32 @!p0 $0xF7A, s2;
	p2 =	seq.s32 @!p0 s5, $0x0  }
0x1f: {  	s9 =	smul.u32 $0xF7A, s1;
	s8 =	simm.s32 @!p0 $0x1BF5;
	p2 =	por !p2, p0  }
0x20: {  	[sflag:s8] =	ssyncset.s32 @!p0 $0xFFFFF086;
	s6 =	sadd.s32 @!p0 s3, s7;
	s7 =	simm.s32 @!p0 $0x108  }
0x21: {  	s3 =	sadd.s32 s3, s9;
	s6 =	sadd.s32 @!p0 $0x88, s6;
	s7 =	simm.s32 @p2 $0x1082  }
0x22: {  	[simem:s7], [sflag:s8] =	dma.local @!p0 [hbm:s6], $0xF7A  }
0x23: {  	s9 =	sor.u32 $0xD0000000, s2;
	s6 =	simm.s32 $0x108;
	_ =	swait.ge @!p0 [sflag:s8], $0x0  }
0x24: {  	s3 =	sadd.s32 $0x88, s3;
	s6 =	simm.s32 @!p1 $0x1082;
	[sflag:s4] =	ssyncset.s32 $0xFFFFF086  }
0x25: {  	[simem:s6], [sflag:s4] =	dma.local [hbm:s3], $0xF7A  }
0x26: {  	[smem:$0x3F9A] =	sst s1;
	(tag) =	ssettag s2;
	_ =	strace s9  }
0x27: {  	s1 =	sld [smem:$0x3FAA]  }
0x28: {  	s2 =	sld [smem:$0x3FAB]  }
0x29: {  	s4 =	sld [smem:$0x3FAD]  }
0x2a: {  	p0 =	seq.s32 s5, $0x0;
	s5 =	sld [smem:$0x3FAE]  }
0x2b: {  	s6 =	sld [smem:$0x3FAF]  }
0x2c: {  	s7 =	sld [smem:$0x3FB0]  }
0x2d: {  	s3 =	simm.s32 $0x108;
	s8 =	sld [smem:$0x3FB1]  }
0x2e: {  	s3 =	simm.s32 @!p0 $0x1082;
	s9 =	sld [smem:$0x3FB2]  }
0x2f: {  	lr =	sadd.s32 s0, s3;
	s0 =	sld [smem:$0x3FA9]  }
0x30: {  	s3 =	sld [smem:$0x3FAC]  }
0x31: {  	[smem:$0x3FB5] =	sst s10  }
0x32: {  	s10 =	sld [smem:$0x3FB3];
	_ =	sdelay $0x3  }
0x33: {  	p0 =	seq.s32 s10, $0x1;
	s10 =	sld [smem:$0x3FB5];
	_ =	sdelay $0x3  }
0x34: {  	[smem:$0x3FB5] =	sst s10  }
0x35: {  	s10 =	sld [smem:$0x3FB4];
	_ =	sdelay $0x3  }
0x36: {  	p1 =	seq.s32 s10, $0x1;
	s10 =	sld [smem:$0x3FB5];
	_ =	sdelay $0x3  }
0x37: {  	[smem:$0x3FB5] =	sst s10  }
0x38: {  	s10 =	sld [smem:$0x3FB6]  }
0x39: {  	_ = 	snop;
	(pc) =	sbr.ind lr, $3  }
0x3a: {  	_ = 	snop  }
0x3b: {  	_ = 	snop  }
0x3c: {  	p2 =	seq.s32 s10, $0x1;
	s10 =	sld [smem:$0x3FB5]  }
0x3d: {  	_ =	shalt  }
0x3e: {  	_ =	shalt  }
0x3f: {  	_ =	shalt  }
0x40: {  	_ =	shalt  }
0x41: {  	_ =	shalt  }
0x42: {  	_ =	shalt  }
0x43: {  	_ =	shalt  }
0x44: {  	_ =	shalt  }
0x45: {  	_ =	shalt  }
0x46: {  	_ =	shalt  }
0x47: {  	_ =	shalt  }
0x48: {  	_ =	shalt  }
0x49: {  	_ =	shalt  }
0x4a: {  	_ =	shalt  }
0x4b: {  	_ =	shalt  }
0x4c: {  	_ =	shalt  }
0x4d: {  	_ =	shalt  }
0x4e: {  	_ =	shalt  }
0x4f: {  	_ =	shalt  }
0x50: {  	_ =	shalt  }
0x51: {  	_ =	shalt  }
0x52: {  	_ =	shalt  }
0x53: {  	_ =	shalt  }
0x54: {  	_ =	shalt  }
0x55: {  	_ =	shalt  }
0x56: {  	_ =	shalt  }
0x57: {  	_ =	shalt  }
0x58: {  	_ =	shalt  }
0x59: {  	_ =	shalt  }
0x5a: {  	_ =	shalt  }
0x5b: {  	_ =	shalt  }
0x5c: {  	_ =	shalt  }
0x5d: {  	_ =	shalt  }
0x5e: {  	_ =	shalt  }
0x5f: {  	_ =	shalt  }
0x60: {  	_ =	shalt  }
0x61: {  	_ =	shalt  }
0x62: {  	_ =	shalt  }
0x63: {  	_ =	shalt  }
0x64: {  	_ =	shalt  }
0x65: {  	_ =	shalt  }
0x66: {  	_ =	shalt  }
0x67: {  	_ =	shalt  }
0x68: {  	_ =	shalt  }
0x69: {  	_ =	shalt  }
0x6a: {  	_ =	shalt  }
0x6b: {  	_ =	shalt  }
0x6c: {  	_ =	shalt  }
0x6d: {  	_ =	shalt  }
0x6e: {  	_ =	shalt  }
0x6f: {  	_ =	shalt  }
0x70: {  	_ =	shalt  }
0x71: {  	_ =	shalt  }
0x72: {  	_ =	shalt  }
0x73: {  	_ =	shalt  }
0x74: {  	_ =	shalt  }
0x75: {  	_ =	shalt  }
0x76: {  	_ =	shalt  }
0x77: {  	_ =	shalt  }
0x78: {  	_ =	shalt  }
0x79: {  	_ =	shalt  }
0x7a: {  	_ =	shalt  }
0x7b: {  	_ =	shalt  }
0x7c: {  	_ =	shalt  }
0x7d: {  	_ =	shalt  }
0x7e: {  	_ =	shalt  }
0x7f: {  	_ =	shalt  }
0x80: {  	_ =	shalt  }
0x81: {  	_ =	shalt  }
0x82: {  	_ =	shalt  }
0x83: {  	_ =	shalt  }
0x84: {  	_ =	shalt  }
0x85: {  	_ =	shalt  }
0x86: {  	_ =	shalt  }
0x87: {  	_ =	shalt  }
.Lfunc_end0:
.L_simem_size_0:
called_computation.2_lowered:
.L_overlay_start_0:
0x88: {  	s2 =	sld [smem:$0x3FD9]  }
0x89: {  	s3 =	sld [smem:$0x3FFE];
	_ =	sdelay $0x1  }
0x8a: {  	s1 =	srdreg.scid  }
0x8b: {  	s0 =	sand.u32 $0x1, s1  }
0x8c: {  	s17 =	sshll.u32 s0, $0xA;
	s2 =	sadd.s32 s3, s2  }
0x8d: {  	s2 =	sadd.s32 s2, s17  }
0x8e: {  	[smem:$0x3FC1] =	sst s2  }
0x8f: {  	_ = 	snop  }
0x90: {  	s18 =	sld [smem:$0x3FC7];
	(tm) =	ssettm $0x1  }
0x91: {  	s19 =	sld [smem:$0x3FFB];
	_ =	sdelay $0x3  }
0x92: {  	_ =	strace s19  }
0x93: {  	s2 =	sld [smem:$0x3FFC];
	_ =	sdelay $0x3  }
0x94: {  	_ =	strace s2  }
0x95: {  	s2 =	sld [smem:$0x3FFD];
	_ =	sdelay $0x3  }
0x96: {  	_ =	strace s2  }
0x97: {  	_ =	strace $0x8FFFFFFF  }
0x98: {  	s20 =	sld [smem:$0x3FDB];
	_ =	sdelay $0x1  }
0x99: {  	s4 =	simm.s32 $_scs_section_size  }
0x9a: {  	s5 =	simm.s32 $_size__tile_overlayer_lowered;
	s6 =	simm.s32 $_tile_overlayer_lowered  }
0x9b: {  	s7 =	simm.s32 $0x1BFF;
	s21 =	sshll.u32 s6, $0x1;
	s4 =	sadd.s32 s4, s20  }
0x9c: {  	s22 =	simm.s32 $0x0;
	s5 =	sshll.u32 s5, $0x1;
	s6 =	sadd.s32 s21, s4  }
0x9d: {  	[timem:s22], [sflag:s7] =	dma.local [hbm:s6], s5  }
0x9e: {  	_ =	swait.ge [sflag:s7], s5  }
0x9f: {  	s5 =	ssub.s32 $0x0, s5;
	[sflag:s7] =	ssyncset.done $0x0  }
0xa0: {  	[sflag:s7] =	ssyncadd.s32 s5;
	_ =	sdelay $0x1  }
0xa1: {  	s23 =	simm.s32 $0x1B8B  }
0xa2: {  	_ =	swait.ge [sflag:s23], $0x1  }
0xa3: {  	[sflag:s23] =	ssyncset.done $0x0  }
0xa4: {  	[sflag:s23] =	ssyncadd.s32 $0xFFFFFFFF  }
0xa5: {  	s5 =	sld [smem:$0x0]  }
0xa6: {  	s6 =	sand.u32 $0xFFFFFFFE, s1  }
0xa7: {  	p0 =	sne.s32 s1, s6  }
0xa8: {  	s6 =	sshll.u32 @p0 s6, $0xE  }
0xa9: {  	s6 =	sadd.s32 @p0 $0x11B8D, s6;
	s7 =	sshll.u32 @p0 s5, $0x11  }
0xaa: {  	s6 =	sor.u32 @p0 s7, s6  }
0xab: {  	[sflag:s6] =	ssyncadd.remote.s32 @p0 $0x1;
	_ =	sdelay $0x1  }
0xac: {  	s6 =	simm.s32 @p0 $0x1B8D  }
0xad: {  	_ =	swait.eq @p0 [sflag:s6], $0x1  }
0xae: {  	[sflag:s6] =	ssyncadd.s32 @p0 $0xFFFFFFFF  }
0xaf: {  	s7 =	sshll.u32 @!p0 s1, $0xE  }
0xb0: {  	s7 =	sor.u32 @!p0 $0x4000, s7;
	s6 =	simm.s32 @!p0 $0x1B8D  }
0xb1: {  	s5 =	sshll.u32 @!p0 s5, $0x11;
	s7 =	sadd.s32 @!p0 $0x11B8D, s7;
	_ =	swait.eq @!p0 [sflag:s6], $0x1  }
0xb2: {  	s5 =	sor.u32 @!p0 s5, s7;
	[sflag:s6] =	ssyncadd.s32 @!p0 $0xFFFFFFFF  }
0xb3: {  	s25 =	simm.s32 $0x1B8E;
	s24 =	sld [smem:$0x3FFE];
	[sflag:s5] =	ssyncadd.remote.s32 @!p0 $0x1  }
0xb4: {  	s26 =	simm.s32 $execute0_lowered;
	[smem:$0x3FD2] =	sst s25  }
0xb5: {  	s6 =	sshll.u32 s26, $0x1;
	_ =	strace $0x8000004C;
	[dreg:$0x1] =	wrdreg $0xFFFFFFFF  }
0xb6: {  	s28 =	simm.s32 $_size_execute0_lowered;
	s4 =	sadd.s32 s4, s6;
	[dreg:$0x0] =	wrdreg $0x0  }
0xb7: {  	s6 =	sshll.u32 s28, $0x1;
	[dreg:$0x2] =	wrdreg s4  }
0xb8: {  	[dreg:$0x3] =	wrdreg s6  }
0xb9: {  	[dreg:$0x4] =	wrdreg $0xC0  }
0xba: {  	_ =	task [dreg:s22], $0x5FFFF  }
0xbb: {  	[dreg:$0x1] =	wrdreg $0xFFFFFFFF  }
0xbc: {  	[dreg:$0x0] =	wrdreg $0x60  }
0xbd: {  	[dreg:$0x2] =	wrdreg s24  }
0xbe: {  	[dreg:$0x3] =	wrdreg s18  }
0xbf: {  	[dreg:$0x4] =	wrdreg $0xB  }
0xc0: {  	_ =	task.clear_ibuf [dreg:s22], $0x5FFFF;
	_ =	strace $0x9000004C  }
0xc1: {  	s29 =	simm.s32 $0xB;
	_ =	strace $0x8000004E  }
0xc2: {  	_ =	swait.ge [sflag:s29], $0x1  }
0xc3: {  	[sflag:s29] =	ssyncadd.s32 $0xFFFFFFFF  }
0xc4: {  	_ =	strace $0x9000004E  }
0xc5: {  	_ =	sfence  }
0xc6: {  	s30 =	sld [smem:$0x0];
	_ =	sdelay $0x2  }
0xc7: {  	s31 =	sshll.u32 s1, $0xD;
	s1 =	sshrl.u32 s1, $0x2  }
0xc8: {  	s4 =	sand.u32 $0x4000, s31;
	s1 =	sadd.s32 s1, s30  }
0xc9: {  	s0 =	sor.u32 s4, s0;
	s1 =	sshll.u32 s1, $0x11  }
0xca: {  	s0 =	sor.u32 s1, s0  }
0xcb: {  	s0 =	sadd.s32 $0x8F2B, s0  }
0xcc: {  	[sflag:s0] =	ssyncadd.remote.s32 $0x1  }
0xcd: {  	_ =	sfence.sel $0xFFFF  }
0xce: {  	[dreg:$0x0] =	wrdreg $0xFFFFFFFF;
	(pc) =	sbr.abs _section_cstart, $3  }
0xcf: {  	[dreg:$0x1] =	wrdreg $0xFFFFFFFF  }
0xd0: {  	_ =	task.clear_ibuf [dreg:s22], $0x2FFFF;
	_ =	strace $0x9FFFFFFF  }
0xd1: {  	(tm) =	ssettm $0x7FFFFFFF  }
tec
execute0_lowered:
.L_overlay_start_1:
0x0: {  	(tag) =	ssettag $0x1  }
0x1: {  	s1 =	srdreg.scid  }
0x2: {  	s0 =	stileid.u32;
	s4 =	rddreg [dreg:$0x0]  }
0x3: {  	s2 =	rddreg [dreg:$0x1];
	s3 =	simm.s32 $0x0;
	s10 =	simm.s32 $0x2E80  }
0x4: {  	s11 =	simm.s32 $0x5680;
	s12 =	simm.s32 $0x1;
	s13 =	simm.s32 $0x7E80  }
0x5: {  	s14 =	simm.s32 $0x2;
	s15 =	simm.s32 $0x3;
	s16 =	simm.s32 $0x4  }
0x6: {  	s17 =	simm.s32 $0x5;
	s18 =	simm.s32 $0x6;
	s19 =	simm.s32 $0x7  }
0x7: {  	s20 =	simm.s32 $0x8;
	s5 =	sand.u32 $0x1, s1;
	s29 =	sshll.u32 s0, $0x1  }
0x8: {  	s21 =	simm.s32 $0x0;
	s7 =	smul.u32 $0xC800, s0;
	s6 =	sor.u32 s5, s29  }
0x9: {  	[smem:$0x7FF] =	sst s3;
	s8 =	ssub.s32 $0x2, s5;
	s6 =	smul.u32 $0x640, s6  }
0xa: {  	_ =	strace $0x8000004D;
	s5 =	smul.u32 $0x6400, s5;
	s9 =	sshrl.u32 s8, $0x1  }
0xb: {  	s7 =	sadd.s32 s7, s4;
	s30 =	ssub.s32 s8, s9;
	s6 =	sshrl.u32 s6, $0x3  }
0xc: {  	s7 =	sadd.s32 s5, s7;
	s8 =	simm.s32 $0x50;
	s4 =	sadd.s32 s6, s4  }
0xd: {  	s9 =	simm.s32 $0x680;
	s5 =	smax.u32 s30, $0x1;
	s31 =	sadd.s32 $0xCBA00, s4  }
0xe: {  	s6 =	sadd.s32 $0x196E00, s7;
	s7 =	simm.s32 $0x9;
	[dreg:$0x3] =	wrdreg s31  }
.LBB2_1:
0xf: {  	s0 =	rddreg [dreg:$0x3]  }
0x10: {  	[tilespmem:s3], [sflag:$0x9] =	stream.linear.gather [hbm4b:s0+s3], $0x640, $0x38;
	[tilespmem:$0xA680] =	vst v63  }
0x11: {  	_ =	swait.ge [sflag:s7], $0x640  }
0x12: {  	[sflag:s7] =	ssyncset.done $0x0  }
0x13: {  	p0 =	por $0x1, $0x1;
	[sflag:s7] =	ssyncadd.s32 $0xFFFFF9C0  }
0x14: {  	[tilespmem:s9], [sflag:$0x1] =	stream.indirect.gather [hbm4b:s2+s8], $0x80, s3, s8, $0xb8;
	[tilespmem:$0xA680] =	vst v63  }
0x15: {  	s22 =	simm.s32 @!p0 $0x7  }
0x16: {  	[tilespmem:s10], [sflag:$0x2] =	stream.indirect.gather [hbm4b:s2+s8], $0x80, s8, s8, $0xb8;
	[tilespmem:$0xA680] =	vst v63  }
0x17: {  	_ =	swait.ge @!p0 [sflag:s22], $0x2800  }
0x18: {  	[sflag:s22] =	ssyncset.done @!p0 $0x0  }
0x19: {  	s23 =	simm.s32 $0xA0;
	[sflag:s22] =	ssyncadd.s32 @!p0 $0xFFFFD800  }
0x1a: {  	[tilespmem:s11], [sflag:$0x3] =	stream.indirect.gather [hbm4b:s2+s8], $0x80, s23, s8, $0xb8;
	[tilespmem:$0xA680] =	vst v63  }
0x1b: {  	_ =	swait.ge [sflag:s12], $0x2800  }
0x1c: {  	[sflag:s12] =	ssyncset.done $0x0  }
0x1d: {  	s22 =	simm.s32 @!p0 $0x8;
	[sflag:s12] =	ssyncadd.s32 $0xFFFFD800  }
0x1e: {  	[hbm4b:s6+s3] =	stream.linear.scatter [tilespmem:s9], [sflag:$0x5], $0x2800, $0x38;
	[tilespmem:$0xA680] =	vst v63  }
0x1f: {  	_ =	swait.ge @!p0 [sflag:s22], $0x2800  }
0x20: {  	[sflag:s22] =	ssyncset.done @!p0 $0x0  }
0x21: {  	s29 =	simm.s32 $0xF0;
	[sflag:s22] =	ssyncadd.s32 @!p0 $0xFFFFD800  }
0x22: {  	[tilespmem:s13], [sflag:$0x4] =	stream.indirect.gather [hbm4b:s2+s8], $0x80, s29, s8, $0xb8;
	[tilespmem:$0xA680] =	vst v63  }
0x23: {  	_ =	swait.ge [sflag:s14], $0x2800  }
0x24: {  	p0 =	por $0x0, $0x0;
	[sflag:s14] =	ssyncset.done $0x0  }
0x25: {  	s30 =	sadd.s32 $0x500, s6;
	s23 =	simm.s32 @!p0 $0x5;
	[sflag:s14] =	ssyncadd.s32 $0xFFFFD800  }
0x26: {  	[hbm4b:s30+s3] =	stream.linear.scatter [tilespmem:s10], [sflag:$0x6], $0x2800, $0x38;
	[tilespmem:$0xA680] =	vst v63  }
0x27: {  	_ =	swait.ge @!p0 [sflag:s23], $0x2800  }
0x28: {  	s22 =	simm.s32 @!p0 $0x140;
	[sflag:s23] =	ssyncset.done @!p0 $0x0  }
0x29: {  	s25 =	simm.s32 @!p0 $0x50;
	s24 =	simm.s32 @!p0 $0x680;
	[sflag:s23] =	ssyncadd.s32 @!p0 $0xFFFFD800  }
0x2a: {  	[tilespmem:s24], [sflag:$0x1] =	stream.indirect.gather @!p0 [hbm4b:s2+s25], $0x80, s22, s25, $0xb8;
	[tilespmem:$0xA680] =	vst v63  }
0x2b: {  	_ =	swait.ge [sflag:s15], $0x2800  }
0x2c: {  	[sflag:s15] =	ssyncset.done $0x0  }
0x2d: {  	s31 =	sadd.s32 $0xA00, s6;
	s26 =	simm.s32 @!p0 $0x6;
	[sflag:s15] =	ssyncadd.s32 $0xFFFFD800  }
0x2e: {  	[hbm4b:s31+s3] =	stream.linear.scatter [tilespmem:s11], [sflag:$0x7], $0x2800, $0x38;
	[tilespmem:$0xA680] =	vst v63  }
0x2f: {  	_ =	swait.ge @!p0 [sflag:s26], $0x2800  }
0x30: {  	p1 =	por $0x0, $0x0;
	s28 =	simm.s32 @!p0 $0x2E80;
	[sflag:s26] =	ssyncset.done @!p0 $0x0  }
0x31: {  	s23 =	sadd.s32 $0x1400, s6;
	s22 =	simm.s32 @!p0 $0x190;
	[sflag:s26] =	ssyncadd.s32 @!p0 $0xFFFFD800  }
0x32: {  	[tilespmem:s28], [sflag:$0x2] =	stream.indirect.gather @!p0 [hbm4b:s2+s25], $0x80, s22, s25, $0xb8;
	[tilespmem:$0xA680] =	vst v63  }
0x33: {  	s24 =	simm.s32 $0x500;
	s26 =	simm.s32 $0xA00;
	s25 =	sadd.s32 $0xF00, s6  }
0x34: {  	s22 =	sadd.s32 $0xF00, s23;
	s28 =	sadd.s32 $0x1400, s23;
	_ =	swait.ge [sflag:s16], $0x2800  }
.LBB2_2:
0x35: {  	s29 =	simm.s32 @!p1 $0x7  }
0x36: {  	[sflag:s16] =	ssyncset.done $0x0;
	s30 =	smov.u32 s26;
	s26 =	sadd.s32 $0x500, s26  }
0x37: {  	s31 =	sadd.s32 $0xF00, s28;
	p0 =	sne.s32 s26, $0x1900;
	[sflag:s16] =	ssyncadd.s32 $0xFFFFD800  }
0x38: {  	[hbm4b:s25+s3] =	stream.linear.scatter [tilespmem:s13], [sflag:$0x8], $0x2800, $0x38;
	[tilespmem:$0xA680] =	vst v63  }
0x39: {  	s1 =	sshra.s32 s24, $0x2;
	s25 =	smov.u32 s22;
	_ =	swait.ge @!p1 [sflag:s29], $0x2800  }
0x3a: {  	s0 =	sadd.s32 $0xA0, s1;
	s22 =	smov.u32 s31;
	[sflag:s29] =	ssyncset.done @!p1 $0x0  }
0x3b: {  	[sflag:s29] =	ssyncadd.s32 @!p1 $0xFFFFD800  }
0x3c: {  	[tilespmem:s11], [sflag:$0x3] =	stream.indirect.gather [hbm4b:s2+s8], $0x80, s0, s8, $0xb8;
	[tilespmem:$0xA680] =	vst v63  }
0x3d: {  	_ =	swait.ge [sflag:s12], $0x2800  }
0x3e: {  	s0 =	simm.s32 @!p1 $0x8;
	[sflag:s12] =	ssyncset.done $0x0  }
0x3f: {  	[sflag:s12] =	ssyncadd.s32 $0xFFFFD800  }
0x40: {  	[hbm4b:s23+s3] =	stream.linear.scatter [tilespmem:s9], [sflag:$0x5], $0x2800, $0x38;
	[tilespmem:$0xA680] =	vst v63  }
0x41: {  	_ =	swait.ge @!p1 [sflag:s0], $0x2800  }
0x42: {  	s1 =	sadd.s32 $0xF0, s1;
	[sflag:s0] =	ssyncset.done @!p1 $0x0  }
0x43: {  	[sflag:s0] =	ssyncadd.s32 @!p1 $0xFFFFD800  }
0x44: {  	[tilespmem:s13], [sflag:$0x4] =	stream.indirect.gather [hbm4b:s2+s8], $0x80, s1, s8, $0xb8;
	[tilespmem:$0xA680] =	vst v63  }
0x45: {  	_ =	swait.ge [sflag:s14], $0x2800  }
0x46: {  	s0 =	sadd.s32 $0x500, s23;
	p1 =	seq.s32 s24, $0x1400;
	[sflag:s14] =	ssyncset.done $0x0  }
0x47: {  	s1 =	simm.s32 @!p1 $0x5;
	s24 =	sshra.s32 @!p1 s24, $0x2;
	[sflag:s14] =	ssyncadd.s32 $0xFFFFD800  }
0x48: {  	[hbm4b:s0+s3] =	stream.linear.scatter [tilespmem:s10], [sflag:$0x6], $0x2800, $0x38;
	[tilespmem:$0xA680] =	vst v63  }
0x49: {  	s29 =	sadd.s32 @!p1 $0x190, s24;
	s0 =	sadd.s32 @!p1 $0x140, s24;
	_ =	swait.ge @!p1 [sflag:s1], $0x2800  }
0x4a: {  	s31 =	simm.s32 @!p1 $0x50;
	s4 =	simm.s32 @!p1 $0x680;
	[sflag:s1] =	ssyncset.done @!p1 $0x0  }
0x4b: {  	s24 =	smov.u32 s30;
	[sflag:s1] =	ssyncadd.s32 @!p1 $0xFFFFD800  }
0x4c: {  	[tilespmem:s4], [sflag:$0x1] =	stream.indirect.gather @!p1 [hbm4b:s2+s31], $0x80, s0, s31, $0xb8;
	[tilespmem:$0xA680] =	vst v63  }
0x4d: {  	_ =	swait.ge [sflag:s15], $0x2800  }
0x4e: {  	s0 =	sadd.s32 $0xA00, s23;
	s23 =	smov.u32 s28;
	[sflag:s15] =	ssyncset.done $0x0  }
0x4f: {  	s1 =	simm.s32 @!p1 $0x6;
	[sflag:s15] =	ssyncadd.s32 $0xFFFFD800  }
0x50: {  	[hbm4b:s0+s3] =	stream.linear.scatter [tilespmem:s11], [sflag:$0x7], $0x2800, $0x38;
	[tilespmem:$0xA680] =	vst v63  }
.Ltmp0:
0x51: {  	_ =	swait.ge @!p1 [sflag:s1], $0x2800;
	(pc) =	sbr.rel @p0 .LBB2_2-.Ltmp0, $4  }
0x52: {  	s0 =	simm.s32 @!p1 $0x2E80;
	[sflag:s1] =	ssyncset.done @!p1 $0x0  }
0x53: {  	[sflag:s1] =	ssyncadd.s32 @!p1 $0xFFFFD800  }
0x54: {  	[tilespmem:s0], [sflag:$0x2] =	stream.indirect.gather @!p1 [hbm4b:s2+s31], $0x80, s29, s31, $0xb8;
	[tilespmem:$0xA680] =	vst v63  }
0x55: {  	s28 =	sadd.s32 $0x1400, s28;
	p1 =	seq.s32 s24, $0x0;
	_ =	swait.ge [sflag:s16], $0x2800  }
0x56: {  	[sflag:s16] =	ssyncset.done $0x0  }
0x57: {  	s0 =	simm.s32 @!p1 $0x7;
	[sflag:s16] =	ssyncadd.s32 $0xFFFFD800  }
0x58: {  	[hbm4b:s25+s3] =	stream.linear.scatter [tilespmem:s13], [sflag:$0x8], $0x2800, $0x38;
	[tilespmem:$0xA680] =	vst v63  }
0x59: {  	_ =	swait.ge @!p1 [sflag:s0], $0x2800  }
0x5a: {  	s1 =	sshra.s32 s24, $0x2;
	[sflag:s0] =	ssyncset.done @!p1 $0x0  }
0x5b: {  	s4 =	sadd.s32 $0xA0, s1;
	[sflag:s0] =	ssyncadd.s32 @!p1 $0xFFFFD800  }
0x5c: {  	[tilespmem:s11], [sflag:$0x3] =	stream.indirect.gather [hbm4b:s2+s8], $0x80, s4, s8, $0xb8;
	[tilespmem:$0xA680] =	vst v63  }
0x5d: {  	_ =	swait.ge [sflag:s12], $0x2800  }
0x5e: {  	[sflag:s12] =	ssyncset.done $0x0  }
0x5f: {  	s0 =	simm.s32 @!p1 $0x8;
	[sflag:s12] =	ssyncadd.s32 $0xFFFFD800  }
0x60: {  	[hbm4b:s23+s3] =	stream.linear.scatter [tilespmem:s9], [sflag:$0x5], $0x2800, $0x38;
	[tilespmem:$0xA680] =	vst v63  }
0x61: {  	_ =	swait.ge @!p1 [sflag:s0], $0x2800  }
0x62: {  	[sflag:s0] =	ssyncset.done @!p1 $0x0  }
0x63: {  	s1 =	sadd.s32 $0xF0, s1;
	[sflag:s0] =	ssyncadd.s32 @!p1 $0xFFFFD800  }
0x64: {  	[tilespmem:s13], [sflag:$0x4] =	stream.indirect.gather [hbm4b:s2+s8], $0x80, s1, s8, $0xb8;
	[tilespmem:$0xA680] =	vst v63  }
0x65: {  	_ =	swait.ge [sflag:s14], $0x2800  }
0x66: {  	p0 =	seq.s32 s24, $0x1400;
	[sflag:s14] =	ssyncset.done $0x0  }
0x67: {  	s30 =	sadd.s32 $0x500, s23;
	s1 =	simm.s32 @!p0 $0x5;
	[sflag:s14] =	ssyncadd.s32 $0xFFFFD800  }
0x68: {  	[hbm4b:s30+s3] =	stream.linear.scatter [tilespmem:s10], [sflag:$0x6], $0x2800, $0x38;
	[tilespmem:$0xA680] =	vst v63  }
0x69: {  	_ =	swait.ge @!p0 [sflag:s1], $0x2800  }
0x6a: {  	s25 =	simm.s32 @!p0 $0x680;
	s0 =	sshra.s32 @!p0 s24, $0x2;
	[sflag:s1] =	ssyncset.done @!p0 $0x0  }
0x6b: {  	s24 =	simm.s32 @!p0 $0x50;
	s4 =	sadd.s32 @!p0 $0x140, s0;
	[sflag:s1] =	ssyncadd.s32 @!p0 $0xFFFFD800  }
0x6c: {  	[tilespmem:s25], [sflag:$0x1] =	stream.indirect.gather @!p0 [hbm4b:s2+s24], $0x80, s4, s24, $0xb8;
	[tilespmem:$0xA680] =	vst v63  }
0x6d: {  	_ =	swait.ge [sflag:s15], $0x2800  }
0x6e: {  	[sflag:s15] =	ssyncset.done $0x0  }
0x6f: {  	s31 =	sadd.s32 $0xA00, s23;
	s4 =	simm.s32 @!p0 $0x6;
	[sflag:s15] =	ssyncadd.s32 $0xFFFFD800  }
0x70: {  	[hbm4b:s31+s3] =	stream.linear.scatter [tilespmem:s11], [sflag:$0x7], $0x2800, $0x38;
	[tilespmem:$0xA680] =	vst v63  }
0x71: {  	_ =	swait.ge @!p0 [sflag:s4], $0x2800  }
0x72: {  	[sflag:s4] =	ssyncset.done @!p0 $0x0  }
0x73: {  	s0 =	sadd.s32 @!p0 $0x190, s0;
	s1 =	simm.s32 @!p0 $0x2E80;
	[sflag:s4] =	ssyncadd.s32 @!p0 $0xFFFFD800  }
0x74: {  	[tilespmem:s1], [sflag:$0x2] =	stream.indirect.gather @!p0 [hbm4b:s2+s24], $0x80, s0, s24, $0xb8;
	[tilespmem:$0xA680] =	vst v63  }
0x75: {  	_ =	swait.ge [sflag:s16], $0x2800  }
0x76: {  	[sflag:s16] =	ssyncset.done $0x0  }
0x77: {  	[sflag:s16] =	ssyncadd.s32 $0xFFFFD800  }
0x78: {  	[hbm4b:s22+s3] =	stream.linear.scatter [tilespmem:s13], [sflag:$0x8], $0x2800, $0x38;
	[tilespmem:$0xA680] =	vst v63  }
0x79: {  	_ =	swait.ge [sflag:s17], $0x2800  }
0x7a: {  	[sflag:s17] =	ssyncset.done $0x0  }
0x7b: {  	[sflag:s17] =	ssyncadd.s32 $0xFFFFD800  }
0x7c: {  	_ =	swait.ge [sflag:s18], $0x2800  }
0x7d: {  	[sflag:s18] =	ssyncset.done $0x0  }
0x7e: {  	s21 =	sadd.s32 $0x1, s21;
	[sflag:s18] =	ssyncadd.s32 $0xFFFFD800  }
0x7f: {  	p0 =	sne.s32 s21, s5;
	_ =	swait.ge [sflag:s19], $0x2800  }
.Ltmp1:
0x80: {  	[sflag:s19] =	ssyncset.done $0x0;
	(pc) =	sbr.rel @p0 .LBB2_1-.Ltmp1, $4  }
0x81: {  	[sflag:s19] =	ssyncadd.s32 $0xFFFFD800  }
0x82: {  	_ =	swait.ge [sflag:s20], $0x2800  }
0x83: {  	[sflag:s20] =	ssyncset.done $0x0  }
0x84: {  	[sflag:s20] =	ssyncadd.s32 $0xFFFFD800  }
0x85: {  	_ =	sfence.sel $0x180000  }
0x86: {  	[bflag:$0x0] =	sbarrier.arrive $0xFFFF  }
0x87: {  	_ =	strace $0x9000004D  }
0x88: {  	s0 =	stileid.u32;
	[bflag:$0x2] =	sbarrier.arrive $0xFFFF  }
0x89: {  	p0 =	sne.s32 s0, $0x0;
	s0 =	rddreg [dreg:$0x2]  }
0x8a: {  	s0 =	sadd.s32 @!p0 $0x100000, s0  }
0x8b: {  	[sflag:s0] =	ssyncadd.tile.s32 @!p0 $0x1;
	_ =	shalt  }
.Lfunc_end2:
_tile_overlayer_lowered:
.L_overlay_start_2:
0x8c: {  	(tag) =	ssettag $0x2  }
0x8d: {  	s0 =	rddreg [dreg:$0x0];
	s2 =	stileid.u32  }
0x8e: {  	s1 =	rddreg [dreg:$0x1];
	p0 =	sne.s32 s2, $0x0  }
0x8f: {  	s3 =	rddreg [dreg:$0x2];
	[bflag:$0x3] =	sbarrier.arrive $0xFFFF;
	s2 =	simm.s32 @!p0 $0x1C09  }
0x90: {  	[timem:s3], [sflag:s2] =	dma.local @!p0 [hbm:s0], s1  }
0x91: {  	s0 =	simm.s32 @!p0 $0x9  }
0x92: {  	_ =	swait.ge @!p0 [sflag:s0], s1  }
0x93: {  	s1 =	ssub.s32 @!p0 $0x0, s1;
	[sflag:s0] =	ssyncset.done @!p0 $0x0  }
0x94: {  	[sflag:s0] =	ssyncadd.s32 @!p0 s1  }
0x95: {  	[bflag:$0x3] =	sbarrier.arrive $0xFFFF  }
0x96: {  	_ =	shalt  }

// kernel: kernel.19.cloned.1.call-start
scs
__scs_entry_jumppad:
0x0: {  	(pc) =	sbr.rel $0x88, $3  }
0x1: {  	(tag) =	ssettag $0x0;
	lr =	simm.s32 $0x1  }
0x2: {  	[smem:$0x3F9A] =	sst lr;
	_ =	strace $0xD0000000  }
0x3: {  	_ = 	snop  }
0x4: {  	_ = 	snop  }
0x5: {  	_ = 	snop  }
0x6: {  	_ = 	snop  }
0x7: {  	_ = 	snop  }
__scs_overlays_trampoline_lowered:
0x8: {  	[smem:$0x3FA9] =	sst s0  }
0x9: {  	[smem:$0x3FAA] =	sst s1  }
0xa: {  	[smem:$0x3FAB] =	sst s2  }
0xb: {  	[smem:$0x3FAC] =	sst s3  }
0xc: {  	[smem:$0x3FAD] =	sst s4  }
0xd: {  	[smem:$0x3FAE] =	sst s5  }
0xe: {  	[smem:$0x3FAF] =	sst s6  }
0xf: {  	[smem:$0x3FB0] =	sst s7  }
0x10: {  	[smem:$0x3FB1] =	sst s8  }
0x11: {  	[smem:$0x3FB2] =	sst s9;
	s0 =	simm.s32 @!p0 $0x0  }
0x12: {  	s1 =	sld [smem:$0x3F98];
	s0 =	simm.s32 @p0 $0x1  }
0x13: {  	[smem:$0x3FB3] =	sst s0;
	s0 =	simm.s32 @!p1 $0x0  }
0x14: {  	s2 =	sld [smem:$0x3F97];
	s0 =	simm.s32 @p1 $0x1  }
0x15: {  	[smem:$0x3FB4] =	sst s0;
	s0 =	simm.s32 @!p2 $0x0  }
0x16: {  	s3 =	sld [smem:$0x3FDB];
	s0 =	simm.s32 @p2 $0x1  }
0x17: {  	s4 =	simm.s32 $0x1BF5;
	[smem:$0x3FB6] =	sst s0  }
0x18: {  	s0 =	sld [smem:$0x3F99];
	_ =	swait.ge [sflag:s4], $0x0  }
0x19: {  	s7 =	sld [smem:$0x3F9A]  }
0x1a: {  	s8 =	sadd.s32 $0xFFFFE003, lr  }
0x1b: {  	s9 =	sadd.s32 $0xFFFFFEF7, lr;
	s5 =	simm.s32 $0xFFFFFFFF;
	p2 =	slt.u32 s8, $0xFFFFF086  }
0x1c: {  	p1 =	slt.u32 s9, $0xF7A;
	s5 =	simm.s32 @!p2 $0x0  }
0x1d: {  	s5 =	simm.s32 @p1 $0x1;
	p0 =	seq.s32 s7, s2  }
0x1e: {  	s7 =	smul.u32 @!p0 $0xF7A, s2;
	p2 =	seq.s32 @!p0 s5, $0x0  }
0x1f: {  	s9 =	smul.u32 $0xF7A, s1;
	s8 =	simm.s32 @!p0 $0x1BF5;
	p2 =	por !p2, p0  }
0x20: {  	[sflag:s8] =	ssyncset.s32 @!p0 $0xFFFFF086;
	s6 =	sadd.s32 @!p0 s3, s7;
	s7 =	simm.s32 @!p0 $0x108  }
0x21: {  	s3 =	sadd.s32 s3, s9;
	s6 =	sadd.s32 @!p0 $0x88, s6;
	s7 =	simm.s32 @p2 $0x1082  }
0x22: {  	[simem:s7], [sflag:s8] =	dma.local @!p0 [hbm:s6], $0xF7A  }
0x23: {  	s9 =	sor.u32 $0xD0000000, s2;
	s6 =	simm.s32 $0x108;
	_ =	swait.ge @!p0 [sflag:s8], $0x0  }
0x24: {  	s3 =	sadd.s32 $0x88, s3;
	s6 =	simm.s32 @!p1 $0x1082;
	[sflag:s4] =	ssyncset.s32 $0xFFFFF086  }
0x25: {  	[simem:s6], [sflag:s4] =	dma.local [hbm:s3], $0xF7A  }
0x26: {  	[smem:$0x3F9A] =	sst s1;
	(tag) =	ssettag s2;
	_ =	strace s9  }
0x27: {  	s1 =	sld [smem:$0x3FAA]  }
0x28: {  	s2 =	sld [smem:$0x3FAB]  }
0x29: {  	s4 =	sld [smem:$0x3FAD]  }
0x2a: {  	p0 =	seq.s32 s5, $0x0;
	s5 =	sld [smem:$0x3FAE]  }
0x2b: {  	s6 =	sld [smem:$0x3FAF]  }
0x2c: {  	s7 =	sld [smem:$0x3FB0]  }
0x2d: {  	s3 =	simm.s32 $0x108;
	s8 =	sld [smem:$0x3FB1]  }
0x2e: {  	s3 =	simm.s32 @!p0 $0x1082;
	s9 =	sld [smem:$0x3FB2]  }
0x2f: {  	lr =	sadd.s32 s0, s3;
	s0 =	sld [smem:$0x3FA9]  }
0x30: {  	s3 =	sld [smem:$0x3FAC]  }
0x31: {  	[smem:$0x3FB5] =	sst s10  }
0x32: {  	s10 =	sld [smem:$0x3FB3];
	_ =	sdelay $0x3  }
0x33: {  	p0 =	seq.s32 s10, $0x1;
	s10 =	sld [smem:$0x3FB5];
	_ =	sdelay $0x3  }
0x34: {  	[smem:$0x3FB5] =	sst s10  }
0x35: {  	s10 =	sld [smem:$0x3FB4];
	_ =	sdelay $0x3  }
0x36: {  	p1 =	seq.s32 s10, $0x1;
	s10 =	sld [smem:$0x3FB5];
	_ =	sdelay $0x3  }
0x37: {  	[smem:$0x3FB5] =	sst s10  }
0x38: {  	s10 =	sld [smem:$0x3FB6]  }
0x39: {  	_ = 	snop;
	(pc) =	sbr.ind lr, $3  }
0x3a: {  	_ = 	snop  }
0x3b: {  	_ = 	snop  }
0x3c: {  	p2 =	seq.s32 s10, $0x1;
	s10 =	sld [smem:$0x3FB5]  }
0x3d: {  	_ =	shalt  }
0x3e: {  	_ =	shalt  }
0x3f: {  	_ =	shalt  }
0x40: {  	_ =	shalt  }
0x41: {  	_ =	shalt  }
0x42: {  	_ =	shalt  }
0x43: {  	_ =	shalt  }
0x44: {  	_ =	shalt  }
0x45: {  	_ =	shalt  }
0x46: {  	_ =	shalt  }
0x47: {  	_ =	shalt  }
0x48: {  	_ =	shalt  }
0x49: {  	_ =	shalt  }
0x4a: {  	_ =	shalt  }
0x4b: {  	_ =	shalt  }
0x4c: {  	_ =	shalt  }
0x4d: {  	_ =	shalt  }
0x4e: {  	_ =	shalt  }
0x4f: {  	_ =	shalt  }
0x50: {  	_ =	shalt  }
0x51: {  	_ =	shalt  }
0x52: {  	_ =	shalt  }
0x53: {  	_ =	shalt  }
0x54: {  	_ =	shalt  }
0x55: {  	_ =	shalt  }
0x56: {  	_ =	shalt  }
0x57: {  	_ =	shalt  }
0x58: {  	_ =	shalt  }
0x59: {  	_ =	shalt  }
0x5a: {  	_ =	shalt  }
0x5b: {  	_ =	shalt  }
0x5c: {  	_ =	shalt  }
0x5d: {  	_ =	shalt  }
0x5e: {  	_ =	shalt  }
0x5f: {  	_ =	shalt  }
0x60: {  	_ =	shalt  }
0x61: {  	_ =	shalt  }
0x62: {  	_ =	shalt  }
0x63: {  	_ =	shalt  }
0x64: {  	_ =	shalt  }
0x65: {  	_ =	shalt  }
0x66: {  	_ =	shalt  }
0x67: {  	_ =	shalt  }
0x68: {  	_ =	shalt  }
0x69: {  	_ =	shalt  }
0x6a: {  	_ =	shalt  }
0x6b: {  	_ =	shalt  }
0x6c: {  	_ =	shalt  }
0x6d: {  	_ =	shalt  }
0x6e: {  	_ =	shalt  }
0x6f: {  	_ =	shalt  }
0x70: {  	_ =	shalt  }
0x71: {  	_ =	shalt  }
0x72: {  	_ =	shalt  }
0x73: {  	_ =	shalt  }
0x74: {  	_ =	shalt  }
0x75: {  	_ =	shalt  }
0x76: {  	_ =	shalt  }
0x77: {  	_ =	shalt  }
0x78: {  	_ =	shalt  }
0x79: {  	_ =	shalt  }
0x7a: {  	_ =	shalt  }
0x7b: {  	_ =	shalt  }
0x7c: {  	_ =	shalt  }
0x7d: {  	_ =	shalt  }
0x7e: {  	_ =	shalt  }
0x7f: {  	_ =	shalt  }
0x80: {  	_ =	shalt  }
0x81: {  	_ =	shalt  }
0x82: {  	_ =	shalt  }
0x83: {  	_ =	shalt  }
0x84: {  	_ =	shalt  }
0x85: {  	_ =	shalt  }
0x86: {  	_ =	shalt  }
0x87: {  	_ =	shalt  }
.Lfunc_end0:
.L_simem_size_0:
called_computation.3_lowered:
.L_overlay_start_0:
0x88: {  	s2 =	sld [smem:$0x3FD9]  }
0x89: {  	s3 =	sld [smem:$0x3FFE];
	_ =	sdelay $0x1  }
0x8a: {  	s1 =	srdreg.scid  }
0x8b: {  	s0 =	sand.u32 $0x1, s1  }
0x8c: {  	s17 =	sshll.u32 s0, $0xA;
	s2 =	sadd.s32 s3, s2  }
0x8d: {  	s2 =	sadd.s32 s2, s17  }
0x8e: {  	[smem:$0x3FC1] =	sst s2  }
0x8f: {  	_ = 	snop  }
0x90: {  	s18 =	sld [smem:$0x3FC7];
	(tm) =	ssettm $0x1  }
0x91: {  	s19 =	sld [smem:$0x3FFB];
	_ =	sdelay $0x3  }
0x92: {  	_ =	strace s19  }
0x93: {  	s2 =	sld [smem:$0x3FFC];
	_ =	sdelay $0x3  }
0x94: {  	_ =	strace s2  }
0x95: {  	s2 =	sld [smem:$0x3FFD];
	_ =	sdelay $0x3  }
0x96: {  	_ =	strace s2  }
0x97: {  	_ =	strace $0x8FFFFFFF  }
0x98: {  	s20 =	sld [smem:$0x3FDB];
	_ =	sdelay $0x1  }
0x99: {  	s4 =	simm.s32 $_scs_section_size  }
0x9a: {  	s5 =	simm.s32 $_size__tile_overlayer_lowered;
	s6 =	simm.s32 $_tile_overlayer_lowered  }
0x9b: {  	s7 =	simm.s32 $0x1BFF;
	s21 =	sshll.u32 s6, $0x1;
	s4 =	sadd.s32 s4, s20  }
0x9c: {  	s22 =	simm.s32 $0x0;
	s5 =	sshll.u32 s5, $0x1;
	s6 =	sadd.s32 s21, s4  }
0x9d: {  	[timem:s22], [sflag:s7] =	dma.local [hbm:s6], s5  }
0x9e: {  	_ =	swait.ge [sflag:s7], s5  }
0x9f: {  	s5 =	ssub.s32 $0x0, s5;
	[sflag:s7] =	ssyncset.done $0x0  }
0xa0: {  	[sflag:s7] =	ssyncadd.s32 s5;
	_ =	sdelay $0x1  }
0xa1: {  	s23 =	simm.s32 $0x1B8B  }
0xa2: {  	_ =	swait.ge [sflag:s23], $0x1  }
0xa3: {  	[sflag:s23] =	ssyncset.done $0x0  }
0xa4: {  	[sflag:s23] =	ssyncadd.s32 $0xFFFFFFFF  }
0xa5: {  	s5 =	sld [smem:$0x0]  }
0xa6: {  	s6 =	sand.u32 $0xFFFFFFFE, s1  }
0xa7: {  	p0 =	sne.s32 s1, s6  }
0xa8: {  	s6 =	sshll.u32 @p0 s6, $0xE  }
0xa9: {  	s6 =	sadd.s32 @p0 $0x11B8D, s6;
	s7 =	sshll.u32 @p0 s5, $0x11  }
0xaa: {  	s6 =	sor.u32 @p0 s7, s6  }
0xab: {  	[sflag:s6] =	ssyncadd.remote.s32 @p0 $0x1;
	_ =	sdelay $0x1  }
0xac: {  	s6 =	simm.s32 @p0 $0x1B8D  }
0xad: {  	_ =	swait.eq @p0 [sflag:s6], $0x1  }
0xae: {  	[sflag:s6] =	ssyncadd.s32 @p0 $0xFFFFFFFF  }
0xaf: {  	s7 =	sshll.u32 @!p0 s1, $0xE  }
0xb0: {  	s7 =	sor.u32 @!p0 $0x4000, s7;
	s6 =	simm.s32 @!p0 $0x1B8D  }
0xb1: {  	s5 =	sshll.u32 @!p0 s5, $0x11;
	s7 =	sadd.s32 @!p0 $0x11B8D, s7;
	_ =	swait.eq @!p0 [sflag:s6], $0x1  }
0xb2: {  	s5 =	sor.u32 @!p0 s5, s7;
	[sflag:s6] =	ssyncadd.s32 @!p0 $0xFFFFFFFF  }
0xb3: {  	s25 =	simm.s32 $0x1B8E;
	s24 =	sld [smem:$0x3FFE];
	[sflag:s5] =	ssyncadd.remote.s32 @!p0 $0x1  }
0xb4: {  	s26 =	simm.s32 $execute0_lowered;
	[smem:$0x3FD2] =	sst s25  }
0xb5: {  	s6 =	sshll.u32 s26, $0x1;
	_ =	strace $0x8000004F;
	[dreg:$0x1] =	wrdreg $0xFFFFFFFF  }
0xb6: {  	s28 =	simm.s32 $_size_execute0_lowered;
	s4 =	sadd.s32 s4, s6;
	[dreg:$0x0] =	wrdreg $0x0  }
0xb7: {  	s6 =	sshll.u32 s28, $0x1;
	[dreg:$0x2] =	wrdreg s4  }
0xb8: {  	[dreg:$0x3] =	wrdreg s6  }
0xb9: {  	[dreg:$0x4] =	wrdreg $0xC0  }
0xba: {  	_ =	task [dreg:s22], $0x5FFFF  }
0xbb: {  	[dreg:$0x1] =	wrdreg $0xFFFFFFFF  }
0xbc: {  	[dreg:$0x0] =	wrdreg $0x60  }
0xbd: {  	[dreg:$0x2] =	wrdreg s24  }
0xbe: {  	[dreg:$0x3] =	wrdreg s18  }
0xbf: {  	[dreg:$0x4] =	wrdreg $0xC  }
0xc0: {  	_ =	task.clear_ibuf [dreg:s22], $0x5FFFF;
	_ =	strace $0x9000004F  }
0xc1: {  	s29 =	simm.s32 $0xC;
	_ =	strace $0x80000051  }
0xc2: {  	_ =	swait.ge [sflag:s29], $0x1  }
0xc3: {  	[sflag:s29] =	ssyncadd.s32 $0xFFFFFFFF  }
0xc4: {  	_ =	strace $0x90000051  }
0xc5: {  	_ =	sfence  }
0xc6: {  	s30 =	sld [smem:$0x0];
	_ =	sdelay $0x2  }
0xc7: {  	s31 =	sshll.u32 s1, $0xD;
	s1 =	sshrl.u32 s1, $0x2  }
0xc8: {  	s4 =	sand.u32 $0x4000, s31;
	s1 =	sadd.s32 s1, s30  }
0xc9: {  	s0 =	sor.u32 s4, s0;
	s1 =	sshll.u32 s1, $0x11  }
0xca: {  	s0 =	sor.u32 s1, s0  }
0xcb: {  	s0 =	sadd.s32 $0x8F2B, s0  }
0xcc: {  	[sflag:s0] =	ssyncadd.remote.s32 $0x1  }
0xcd: {  	_ =	sfence.sel $0xFFFF  }
0xce: {  	[dreg:$0x0] =	wrdreg $0xFFFFFFFF;
	(pc) =	sbr.abs _section_cstart, $3  }
0xcf: {  	[dreg:$0x1] =	wrdreg $0xFFFFFFFF  }
0xd0: {  	_ =	task.clear_ibuf [dreg:s22], $0x2FFFF;
	_ =	strace $0x9FFFFFFF  }
0xd1: {  	(tm) =	ssettm $0x7FFFFFFF  }
tec
execute0_lowered:
.L_overlay_start_1:
0x0: {  	(tag) =	ssettag $0x1  }
0x1: {  	s1 =	srdreg.scid  }
0x2: {  	s0 =	stileid.u32;
	s4 =	rddreg [dreg:$0x0]  }
0x3: {  	s2 =	rddreg [dreg:$0x1];
	s3 =	simm.s32 $0x0;
	s10 =	simm.s32 $0x2E80  }
0x4: {  	s11 =	simm.s32 $0x5680;
	s12 =	simm.s32 $0x1;
	s13 =	simm.s32 $0x7E80  }
0x5: {  	s14 =	simm.s32 $0x2;
	s15 =	simm.s32 $0x3;
	s16 =	simm.s32 $0x4  }
0x6: {  	s17 =	simm.s32 $0x5;
	s18 =	simm.s32 $0x6;
	s19 =	simm.s32 $0x7  }
0x7: {  	s20 =	simm.s32 $0x8;
	s5 =	sand.u32 $0x1, s1;
	s29 =	sshll.u32 s0, $0x1  }
0x8: {  	s21 =	simm.s32 $0x0;
	s7 =	smul.u32 $0xC800, s0;
	s6 =	sor.u32 s5, s29  }
0x9: {  	[smem:$0x7FF] =	sst s3;
	s8 =	ssub.s32 $0x2, s5;
	s6 =	smul.u32 $0x640, s6  }
0xa: {  	_ =	strace $0x80000050;
	s5 =	smul.u32 $0x6400, s5;
	s9 =	sshrl.u32 s8, $0x1  }
0xb: {  	s7 =	sadd.s32 s7, s4;
	s30 =	ssub.s32 s8, s9;
	s6 =	sshrl.u32 s6, $0x3  }
0xc: {  	s7 =	sadd.s32 s5, s7;
	s8 =	simm.s32 $0x50;
	s4 =	sadd.s32 s6, s4  }
0xd: {  	s9 =	simm.s32 $0x680;
	s5 =	smax.u32 s30, $0x1;
	s31 =	sadd.s32 $0xCD400, s4  }
0xe: {  	s6 =	sadd.s32 $0x25EE00, s7;
	s7 =	simm.s32 $0x9;
	[dreg:$0x3] =	wrdreg s31  }
.LBB2_1:
0xf: {  	s0 =	rddreg [dreg:$0x3]  }
0x10: {  	[tilespmem:s3], [sflag:$0x9] =	stream.linear.gather [hbm4b:s0+s3], $0x640, $0x38;
	[tilespmem:$0xA680] =	vst v63  }
0x11: {  	_ =	swait.ge [sflag:s7], $0x640  }
0x12: {  	[sflag:s7] =	ssyncset.done $0x0  }
0x13: {  	p0 =	por $0x1, $0x1;
	[sflag:s7] =	ssyncadd.s32 $0xFFFFF9C0  }
0x14: {  	[tilespmem:s9], [sflag:$0x1] =	stream.indirect.gather [hbm4b:s2+s8], $0x80, s3, s8, $0xb8;
	[tilespmem:$0xA680] =	vst v63  }
0x15: {  	s22 =	simm.s32 @!p0 $0x7  }
0x16: {  	[tilespmem:s10], [sflag:$0x2] =	stream.indirect.gather [hbm4b:s2+s8], $0x80, s8, s8, $0xb8;
	[tilespmem:$0xA680] =	vst v63  }
0x17: {  	_ =	swait.ge @!p0 [sflag:s22], $0x2800  }
0x18: {  	[sflag:s22] =	ssyncset.done @!p0 $0x0  }
0x19: {  	s23 =	simm.s32 $0xA0;
	[sflag:s22] =	ssyncadd.s32 @!p0 $0xFFFFD800  }
0x1a: {  	[tilespmem:s11], [sflag:$0x3] =	stream.indirect.gather [hbm4b:s2+s8], $0x80, s23, s8, $0xb8;
	[tilespmem:$0xA680] =	vst v63  }
0x1b: {  	_ =	swait.ge [sflag:s12], $0x2800  }
0x1c: {  	[sflag:s12] =	ssyncset.done $0x0  }
0x1d: {  	s22 =	simm.s32 @!p0 $0x8;
	[sflag:s12] =	ssyncadd.s32 $0xFFFFD800  }
0x1e: {  	[hbm4b:s6+s3] =	stream.linear.scatter [tilespmem:s9], [sflag:$0x5], $0x2800, $0x38;
	[tilespmem:$0xA680] =	vst v63  }
0x1f: {  	_ =	swait.ge @!p0 [sflag:s22], $0x2800  }
0x20: {  	[sflag:s22] =	ssyncset.done @!p0 $0x0  }
0x21: {  	s29 =	simm.s32 $0xF0;
	[sflag:s22] =	ssyncadd.s32 @!p0 $0xFFFFD800  }
0x22: {  	[tilespmem:s13], [sflag:$0x4] =	stream.indirect.gather [hbm4b:s2+s8], $0x80, s29, s8, $0xb8;
	[tilespmem:$0xA680] =	vst v63  }
0x23: {  	_ =	swait.ge [sflag:s14], $0x2800  }
0x24: {  	p0 =	por $0x0, $0x0;
	[sflag:s14] =	ssyncset.done $0x0  }
0x25: {  	s30 =	sadd.s32 $0x500, s6;
	s23 =	simm.s32 @!p0 $0x5;
	[sflag:s14] =	ssyncadd.s32 $0xFFFFD800  }
0x26: {  	[hbm4b:s30+s3] =	stream.linear.scatter [tilespmem:s10], [sflag:$0x6], $0x2800, $0x38;
	[tilespmem:$0xA680] =	vst v63  }
0x27: {  	_ =	swait.ge @!p0 [sflag:s23], $0x2800  }
0x28: {  	s22 =	simm.s32 @!p0 $0x140;
	[sflag:s23] =	ssyncset.done @!p0 $0x0  }
0x29: {  	s25 =	simm.s32 @!p0 $0x50;
	s24 =	simm.s32 @!p0 $0x680;
	[sflag:s23] =	ssyncadd.s32 @!p0 $0xFFFFD800  }
0x2a: {  	[tilespmem:s24], [sflag:$0x1] =	stream.indirect.gather @!p0 [hbm4b:s2+s25], $0x80, s22, s25, $0xb8;
	[tilespmem:$0xA680] =	vst v63  }
0x2b: {  	_ =	swait.ge [sflag:s15], $0x2800  }
0x2c: {  	[sflag:s15] =	ssyncset.done $0x0  }
0x2d: {  	s31 =	sadd.s32 $0xA00, s6;
	s26 =	simm.s32 @!p0 $0x6;
	[sflag:s15] =	ssyncadd.s32 $0xFFFFD800  }
0x2e: {  	[hbm4b:s31+s3] =	stream.linear.scatter [tilespmem:s11], [sflag:$0x7], $0x2800, $0x38;
	[tilespmem:$0xA680] =	vst v63  }
0x2f: {  	_ =	swait.ge @!p0 [sflag:s26], $0x2800  }
0x30: {  	p1 =	por $0x0, $0x0;
	s28 =	simm.s32 @!p0 $0x2E80;
	[sflag:s26] =	ssyncset.done @!p0 $0x0  }
0x31: {  	s23 =	sadd.s32 $0x1400, s6;
	s22 =	simm.s32 @!p0 $0x190;
	[sflag:s26] =	ssyncadd.s32 @!p0 $0xFFFFD800  }
0x32: {  	[tilespmem:s28], [sflag:$0x2] =	stream.indirect.gather @!p0 [hbm4b:s2+s25], $0x80, s22, s25, $0xb8;
	[tilespmem:$0xA680] =	vst v63  }
0x33: {  	s24 =	simm.s32 $0x500;
	s26 =	simm.s32 $0xA00;
	s25 =	sadd.s32 $0xF00, s6  }
0x34: {  	s22 =	sadd.s32 $0xF00, s23;
	s28 =	sadd.s32 $0x1400, s23;
	_ =	swait.ge [sflag:s16], $0x2800  }
.LBB2_2:
0x35: {  	s29 =	simm.s32 @!p1 $0x7  }
0x36: {  	[sflag:s16] =	ssyncset.done $0x0;
	s30 =	smov.u32 s26;
	s26 =	sadd.s32 $0x500, s26  }
0x37: {  	s31 =	sadd.s32 $0xF00, s28;
	p0 =	sne.s32 s26, $0x1900;
	[sflag:s16] =	ssyncadd.s32 $0xFFFFD800  }
0x38: {  	[hbm4b:s25+s3] =	stream.linear.scatter [tilespmem:s13], [sflag:$0x8], $0x2800, $0x38;
	[tilespmem:$0xA680] =	vst v63  }
0x39: {  	s1 =	sshra.s32 s24, $0x2;
	s25 =	smov.u32 s22;
	_ =	swait.ge @!p1 [sflag:s29], $0x2800  }
0x3a: {  	s0 =	sadd.s32 $0xA0, s1;
	s22 =	smov.u32 s31;
	[sflag:s29] =	ssyncset.done @!p1 $0x0  }
0x3b: {  	[sflag:s29] =	ssyncadd.s32 @!p1 $0xFFFFD800  }
0x3c: {  	[tilespmem:s11], [sflag:$0x3] =	stream.indirect.gather [hbm4b:s2+s8], $0x80, s0, s8, $0xb8;
	[tilespmem:$0xA680] =	vst v63  }
0x3d: {  	_ =	swait.ge [sflag:s12], $0x2800  }
0x3e: {  	s0 =	simm.s32 @!p1 $0x8;
	[sflag:s12] =	ssyncset.done $0x0  }
0x3f: {  	[sflag:s12] =	ssyncadd.s32 $0xFFFFD800  }
0x40: {  	[hbm4b:s23+s3] =	stream.linear.scatter [tilespmem:s9], [sflag:$0x5], $0x2800, $0x38;
	[tilespmem:$0xA680] =	vst v63  }
0x41: {  	_ =	swait.ge @!p1 [sflag:s0], $0x2800  }
0x42: {  	s1 =	sadd.s32 $0xF0, s1;
	[sflag:s0] =	ssyncset.done @!p1 $0x0  }
0x43: {  	[sflag:s0] =	ssyncadd.s32 @!p1 $0xFFFFD800  }
0x44: {  	[tilespmem:s13], [sflag:$0x4] =	stream.indirect.gather [hbm4b:s2+s8], $0x80, s1, s8, $0xb8;
	[tilespmem:$0xA680] =	vst v63  }
0x45: {  	_ =	swait.ge [sflag:s14], $0x2800  }
0x46: {  	s0 =	sadd.s32 $0x500, s23;
	p1 =	seq.s32 s24, $0x1400;
	[sflag:s14] =	ssyncset.done $0x0  }
0x47: {  	s1 =	simm.s32 @!p1 $0x5;
	s24 =	sshra.s32 @!p1 s24, $0x2;
	[sflag:s14] =	ssyncadd.s32 $0xFFFFD800  }
0x48: {  	[hbm4b:s0+s3] =	stream.linear.scatter [tilespmem:s10], [sflag:$0x6], $0x2800, $0x38;
	[tilespmem:$0xA680] =	vst v63  }
0x49: {  	s29 =	sadd.s32 @!p1 $0x190, s24;
	s0 =	sadd.s32 @!p1 $0x140, s24;
	_ =	swait.ge @!p1 [sflag:s1], $0x2800  }
0x4a: {  	s31 =	simm.s32 @!p1 $0x50;
	s4 =	simm.s32 @!p1 $0x680;
	[sflag:s1] =	ssyncset.done @!p1 $0x0  }
0x4b: {  	s24 =	smov.u32 s30;
	[sflag:s1] =	ssyncadd.s32 @!p1 $0xFFFFD800  }
0x4c: {  	[tilespmem:s4], [sflag:$0x1] =	stream.indirect.gather @!p1 [hbm4b:s2+s31], $0x80, s0, s31, $0xb8;
	[tilespmem:$0xA680] =	vst v63  }
0x4d: {  	_ =	swait.ge [sflag:s15], $0x2800  }
0x4e: {  	s0 =	sadd.s32 $0xA00, s23;
	s23 =	smov.u32 s28;
	[sflag:s15] =	ssyncset.done $0x0  }
0x4f: {  	s1 =	simm.s32 @!p1 $0x6;
	[sflag:s15] =	ssyncadd.s32 $0xFFFFD800  }
0x50: {  	[hbm4b:s0+s3] =	stream.linear.scatter [tilespmem:s11], [sflag:$0x7], $0x2800, $0x38;
	[tilespmem:$0xA680] =	vst v63  }
.Ltmp0:
0x51: {  	_ =	swait.ge @!p1 [sflag:s1], $0x2800;
	(pc) =	sbr.rel @p0 .LBB2_2-.Ltmp0, $4  }
0x52: {  	s0 =	simm.s32 @!p1 $0x2E80;
	[sflag:s1] =	ssyncset.done @!p1 $0x0  }
0x53: {  	[sflag:s1] =	ssyncadd.s32 @!p1 $0xFFFFD800  }
0x54: {  	[tilespmem:s0], [sflag:$0x2] =	stream.indirect.gather @!p1 [hbm4b:s2+s31], $0x80, s29, s31, $0xb8;
	[tilespmem:$0xA680] =	vst v63  }
0x55: {  	s28 =	sadd.s32 $0x1400, s28;
	p1 =	seq.s32 s24, $0x0;
	_ =	swait.ge [sflag:s16], $0x2800  }
0x56: {  	[sflag:s16] =	ssyncset.done $0x0  }
0x57: {  	s0 =	simm.s32 @!p1 $0x7;
	[sflag:s16] =	ssyncadd.s32 $0xFFFFD800  }
0x58: {  	[hbm4b:s25+s3] =	stream.linear.scatter [tilespmem:s13], [sflag:$0x8], $0x2800, $0x38;
	[tilespmem:$0xA680] =	vst v63  }
0x59: {  	_ =	swait.ge @!p1 [sflag:s0], $0x2800  }
0x5a: {  	s1 =	sshra.s32 s24, $0x2;
	[sflag:s0] =	ssyncset.done @!p1 $0x0  }
0x5b: {  	s4 =	sadd.s32 $0xA0, s1;
	[sflag:s0] =	ssyncadd.s32 @!p1 $0xFFFFD800  }
0x5c: {  	[tilespmem:s11], [sflag:$0x3] =	stream.indirect.gather [hbm4b:s2+s8], $0x80, s4, s8, $0xb8;
	[tilespmem:$0xA680] =	vst v63  }
0x5d: {  	_ =	swait.ge [sflag:s12], $0x2800  }
0x5e: {  	[sflag:s12] =	ssyncset.done $0x0  }
0x5f: {  	s0 =	simm.s32 @!p1 $0x8;
	[sflag:s12] =	ssyncadd.s32 $0xFFFFD800  }
0x60: {  	[hbm4b:s23+s3] =	stream.linear.scatter [tilespmem:s9], [sflag:$0x5], $0x2800, $0x38;
	[tilespmem:$0xA680] =	vst v63  }
0x61: {  	_ =	swait.ge @!p1 [sflag:s0], $0x2800  }
0x62: {  	[sflag:s0] =	ssyncset.done @!p1 $0x0  }
0x63: {  	s1 =	sadd.s32 $0xF0, s1;
	[sflag:s0] =	ssyncadd.s32 @!p1 $0xFFFFD800  }
0x64: {  	[tilespmem:s13], [sflag:$0x4] =	stream.indirect.gather [hbm4b:s2+s8], $0x80, s1, s8, $0xb8;
	[tilespmem:$0xA680] =	vst v63  }
0x65: {  	_ =	swait.ge [sflag:s14], $0x2800  }
0x66: {  	p0 =	seq.s32 s24, $0x1400;
	[sflag:s14] =	ssyncset.done $0x0  }
0x67: {  	s30 =	sadd.s32 $0x500, s23;
	s1 =	simm.s32 @!p0 $0x5;
	[sflag:s14] =	ssyncadd.s32 $0xFFFFD800  }
0x68: {  	[hbm4b:s30+s3] =	stream.linear.scatter [tilespmem:s10], [sflag:$0x6], $0x2800, $0x38;
	[tilespmem:$0xA680] =	vst v63  }
0x69: {  	_ =	swait.ge @!p0 [sflag:s1], $0x2800  }
0x6a: {  	s25 =	simm.s32 @!p0 $0x680;
	s0 =	sshra.s32 @!p0 s24, $0x2;
	[sflag:s1] =	ssyncset.done @!p0 $0x0  }
0x6b: {  	s24 =	simm.s32 @!p0 $0x50;
	s4 =	sadd.s32 @!p0 $0x140, s0;
	[sflag:s1] =	ssyncadd.s32 @!p0 $0xFFFFD800  }
0x6c: {  	[tilespmem:s25], [sflag:$0x1] =	stream.indirect.gather @!p0 [hbm4b:s2+s24], $0x80, s4, s24, $0xb8;
	[tilespmem:$0xA680] =	vst v63  }
0x6d: {  	_ =	swait.ge [sflag:s15], $0x2800  }
0x6e: {  	[sflag:s15] =	ssyncset.done $0x0  }
0x6f: {  	s31 =	sadd.s32 $0xA00, s23;
	s4 =	simm.s32 @!p0 $0x6;
	[sflag:s15] =	ssyncadd.s32 $0xFFFFD800  }
0x70: {  	[hbm4b:s31+s3] =	stream.linear.scatter [tilespmem:s11], [sflag:$0x7], $0x2800, $0x38;
	[tilespmem:$0xA680] =	vst v63  }
0x71: {  	_ =	swait.ge @!p0 [sflag:s4], $0x2800  }
0x72: {  	[sflag:s4] =	ssyncset.done @!p0 $0x0  }
0x73: {  	s0 =	sadd.s32 @!p0 $0x190, s0;
	s1 =	simm.s32 @!p0 $0x2E80;
	[sflag:s4] =	ssyncadd.s32 @!p0 $0xFFFFD800  }
0x74: {  	[tilespmem:s1], [sflag:$0x2] =	stream.indirect.gather @!p0 [hbm4b:s2+s24], $0x80, s0, s24, $0xb8;
	[tilespmem:$0xA680] =	vst v63  }
0x75: {  	_ =	swait.ge [sflag:s16], $0x2800  }
0x76: {  	[sflag:s16] =	ssyncset.done $0x0  }
0x77: {  	[sflag:s16] =	ssyncadd.s32 $0xFFFFD800  }
0x78: {  	[hbm4b:s22+s3] =	stream.linear.scatter [tilespmem:s13], [sflag:$0x8], $0x2800, $0x38;
	[tilespmem:$0xA680] =	vst v63  }
0x79: {  	_ =	swait.ge [sflag:s17], $0x2800  }
0x7a: {  	[sflag:s17] =	ssyncset.done $0x0  }
0x7b: {  	[sflag:s17] =	ssyncadd.s32 $0xFFFFD800  }
0x7c: {  	_ =	swait.ge [sflag:s18], $0x2800  }
0x7d: {  	[sflag:s18] =	ssyncset.done $0x0  }
0x7e: {  	s21 =	sadd.s32 $0x1, s21;
	[sflag:s18] =	ssyncadd.s32 $0xFFFFD800  }
0x7f: {  	p0 =	sne.s32 s21, s5;
	_ =	swait.ge [sflag:s19], $0x2800  }
.Ltmp1:
0x80: {  	[sflag:s19] =	ssyncset.done $0x0;
	(pc) =	sbr.rel @p0 .LBB2_1-.Ltmp1, $4  }
0x81: {  	[sflag:s19] =	ssyncadd.s32 $0xFFFFD800  }
0x82: {  	_ =	swait.ge [sflag:s20], $0x2800  }
0x83: {  	[sflag:s20] =	ssyncset.done $0x0  }
0x84: {  	[sflag:s20] =	ssyncadd.s32 $0xFFFFD800  }
0x85: {  	_ =	sfence.sel $0x180000  }
0x86: {  	[bflag:$0x0] =	sbarrier.arrive $0xFFFF  }
0x87: {  	_ =	strace $0x90000050  }
0x88: {  	s0 =	stileid.u32;
	[bflag:$0x2] =	sbarrier.arrive $0xFFFF  }
0x89: {  	p0 =	sne.s32 s0, $0x0;
	s0 =	rddreg [dreg:$0x2]  }
0x8a: {  	s0 =	sadd.s32 @!p0 $0x100000, s0  }
0x8b: {  	[sflag:s0] =	ssyncadd.tile.s32 @!p0 $0x1;
	_ =	shalt  }
.Lfunc_end2:
_tile_overlayer_lowered:
.L_overlay_start_2:
0x8c: {  	(tag) =	ssettag $0x2  }
0x8d: {  	s0 =	rddreg [dreg:$0x0];
	s2 =	stileid.u32  }
0x8e: {  	s1 =	rddreg [dreg:$0x1];
	p0 =	sne.s32 s2, $0x0  }
0x8f: {  	s3 =	rddreg [dreg:$0x2];
	[bflag:$0x3] =	sbarrier.arrive $0xFFFF;
	s2 =	simm.s32 @!p0 $0x1C09  }
0x90: {  	[timem:s3], [sflag:s2] =	dma.local @!p0 [hbm:s0], s1  }
0x91: {  	s0 =	simm.s32 @!p0 $0x9  }
0x92: {  	_ =	swait.ge @!p0 [sflag:s0], s1  }
0x93: {  	s1 =	ssub.s32 @!p0 $0x0, s1;
	[sflag:s0] =	ssyncset.done @!p0 $0x0  }
0x94: {  	[sflag:s0] =	ssyncadd.s32 @!p0 s1  }
0x95: {  	[bflag:$0x3] =	sbarrier.arrive $0xFFFF  }
0x96: {  	_ =	shalt  }

</sc_bundles>
